<compile_context>
chip_gen: v7x
topology: tpu7x:2x2x1
jax: 0.10.2.dev20260603
libtpu: 0.0.44.dev20260713+nightly
codegen_flags: <defaults>
</compile_context>

<pallas_src>
import functools

import jax
import jax.numpy as jnp
from jax import lax
from jax.experimental import pallas as pl
from jax.experimental.pallas import tpu as pltpu
from jax.experimental.pallas import tpu_sc as plsc

N, E, D, T, R, C, H, OUT = 10000, 320000, 128, 3, 4, 32, 256, 32

NB = 5
BN = N // NB
NW = 32
CHUNK = 128
E_PAD = 327680
CPW0 = 112
CPW1 = 48
N_PAD = 10112
RPS = N_PAD // 16

def _dot1(a, b):
    return jax.lax.dot_general(a, b, (((a.ndim - 1,), (0,)), ((), ())),
                               preferred_element_type=jnp.float32)


def _split(a):
    ah = a.astype(jnp.bfloat16)
    al = (a - ah.astype(jnp.float32)).astype(jnp.bfloat16)
    return ah, al


def _stack_w(w):
    wh, wl = _split(w)
    return jnp.concatenate([wh, wh, wl], axis=-2)


def _x3_lhs(x):
    ah, al = _split(x)
    return [ah, al, ah]


def _sel_many(m2, tabs):
    hi, lo = _split(jnp.concatenate(tabs, axis=1))
    out = _dot1(m2, jnp.concatenate([hi, lo], axis=0))
    res, off = [], 0
    for tab in tabs:
        res.append(out[:, off:off + tab.shape[1]])
        off += tab.shape[1]
    return res


def _leaky(v):
    return jnp.where(v >= 0, v, 0.01 * v)


def _norm_coefs(st, g, be):
    cnt = jnp.maximum(st[2], 1.0)
    mean = st[0] / cnt
    var = jnp.maximum(st[1] / cnt - mean * mean, 0.0)
    sc = jax.lax.rsqrt(var + 1e-5) * g
    return sc, be - mean * sc


def _accum_stats(so_ref, m, y):
    @pl.when(pl.program_id(0) == 0)
    def _():
        so_ref[...] = jnp.zeros_like(so_ref)

    mt = m.T.astype(jnp.bfloat16)
    yb = y.astype(jnp.bfloat16)
    so_ref[0] += _dot1(mt, yb)
    so_ref[1] += _dot1(mt, (y * y).astype(jnp.bfloat16))
    so_ref[2] += _dot1(mt, jnp.ones_like(yb))


def _stage_body(norm, res, x_ref, m_ref, w_ref, b_ref, *rest):
    i = 0
    if norm:
        st_ref, g_ref, be_ref = rest[i:i + 3]
        i += 3
    if res:
        r_ref = rest[i]
        i += 1
    y_ref, so_ref = rest[i:i + 2]

    x = x_ref[...]
    m = m_ref[...]
    mb = m.astype(jnp.bfloat16)
    m2 = jnp.concatenate([mb, mb], axis=1)
    if norm:
        sc, sh = _norm_coefs(st_ref[...], g_ref[...], be_ref[...])
        a, bsh, bias = _sel_many(m2, [sc, sh, b_ref[...]])
        x = _leaky(x * a + bsh)
    else:
        bias = _sel_many(m2, [b_ref[...]])[0]
    halves = _x3_lhs(x)
    pieces = [h * mb[:, t:t + 1] for t in range(T) for h in halves]
    y = _dot1(jnp.concatenate(pieces, axis=1), w_ref[...])
    y += bias
    if res:
        y += r_ref[...]
    y_ref[...] = y
    _accum_stats(so_ref, m, y)


def _stage(x, m, w, b, norm=None, res=None):
    n, fin = x.shape
    fout = w.shape[2]
    wstk = _stack_w(w).reshape(T * 3 * fin, fout)
    row = lambda i: (i, 0)
    full3 = pl.BlockSpec(None, lambda i: (0, 0, 0))
    full2 = pl.BlockSpec(None, lambda i: (0, 0))
    in_specs = [pl.BlockSpec((BN, fin), row), pl.BlockSpec((BN, T), row),
                full2, full2]
    args = [x, m, wstk, b]
    if norm is not None:
        st, g, be = norm
        in_specs += [full3, full2, full2]
        args += [st, g, be]
    if res is not None:
        in_specs.append(pl.BlockSpec((BN, fout), row))
        args.append(res)
    return pl.pallas_call(
        functools.partial(_stage_body, norm is not None, res is not None),
        grid=(NB,),
        in_specs=in_specs,
        out_specs=[pl.BlockSpec((BN, fout), row),
                   pl.BlockSpec((3, T, fout), lambda i: (0, 0, 0))],
        out_shape=[jax.ShapeDtypeStruct((n, fout), jnp.float32),
                   jax.ShapeDtypeStruct((3, T, fout), jnp.float32)],
    )(*args)


def _rgcn_dense_body(h_ref, m_ref, st_ref, g_ref, be_ref, w_ref,
                     tab_ref, root_ref):
    m = m_ref[...]
    mb = m.astype(jnp.bfloat16)
    sc, sh = _norm_coefs(st_ref[...], g_ref[...], be_ref[...])
    a, bsh = _sel_many(jnp.concatenate([mb, mb], axis=1), [sc, sh])
    y = _leaky(h_ref[...] * a + bsh)
    out = _dot1(jnp.concatenate(_x3_lhs(y), axis=1), w_ref[...])
    tab_ref[...] = out[:, :R * C]
    root_ref[...] = out[:, R * C:]


def _rgcn_dense(h, m, st, g, be, relwc, rootw):
    wstk = _stack_w(jnp.concatenate([relwc, rootw], axis=1))
    row = lambda i: (i, 0)
    full3 = pl.BlockSpec(None, lambda i: (0, 0, 0))
    full2 = pl.BlockSpec(None, lambda i: (0, 0))
    return pl.pallas_call(
        _rgcn_dense_body,
        grid=(NB,),
        in_specs=[pl.BlockSpec((BN, C), row), pl.BlockSpec((BN, T), row),
                  full3, full2, full2, full2],
        out_specs=[pl.BlockSpec((BN, R * C), row),
                   pl.BlockSpec((BN, C), row)],
        out_shape=[jax.ShapeDtypeStruct((N, R * C), jnp.float32),
                   jax.ShapeDtypeStruct((N, C), jnp.float32)],
    )(h, m, st, g, be, wstk)


def _combine_body(h_ref, p_ref, root_ref, b_ref, m_ref, y_ref, so_ref):
    y = h_ref[...] + p_ref[0] + p_ref[1] + root_ref[...] + b_ref[...]
    y_ref[...] = y
    _accum_stats(so_ref, m_ref[...], y)


def _combine(h, parts, root, bias, m):
    row = lambda i: (i, 0)
    return pl.pallas_call(
        _combine_body,
        grid=(NB,),
        in_specs=[pl.BlockSpec((BN, C), row),
                  pl.BlockSpec((2, BN, C), lambda i: (0, i, 0)),
                  pl.BlockSpec((BN, C), row),
                  pl.BlockSpec(None, lambda i: (0, 0)),
                  pl.BlockSpec((BN, T), row)],
        out_specs=[pl.BlockSpec((BN, C), row),
                   pl.BlockSpec((3, T, C), lambda i: (0, 0, 0))],
        out_shape=[jax.ShapeDtypeStruct((N, C), jnp.float32),
                   jax.ShapeDtypeStruct((3, T, C), jnp.float32)],
    )(h, parts, root, bias, m)


def _prep_body(et_ref, src_ref, nt_ref, idx_ref, m_ref):
    idx_ref[...] = src_ref[...] * R + et_ref[...]
    tt = jax.lax.broadcasted_iota(jnp.int32, (N, T), 1)
    m_ref[...] = (nt_ref[...] == tt).astype(jnp.float32)


def _prep(et2, src2, nt):
    return pl.pallas_call(
        _prep_body,
        out_shape=[jax.ShapeDtypeStruct((E_PAD // CHUNK, CHUNK), jnp.int32),
                   jax.ShapeDtypeStruct((N, T), jnp.float32)],
    )(et2, src2, nt)


def _sc_rgcn_body(tab_ref, idx_ref, dst_ref, zero_ref, out_ref,
                  idx_v, dst_v, rows_v, acc, sem0, sem1):
    c = lax.axis_index("c")
    s = lax.axis_index("s")

    pltpu.sync_copy(zero_ref.at[pl.ds(s * RPS, RPS)], acc.at[pl.ds(s * RPS, RPS)])

    @pl.when(c == 0)
    def _():
        pltpu.sync_copy(idx_ref.at[pl.ds(s * CPW0, CPW0)],
                        idx_v.at[pl.ds(0, CPW0)])
        pltpu.sync_copy(dst_ref.at[pl.ds(s * CPW0, CPW0)],
                        dst_v.at[pl.ds(0, CPW0)])

    @pl.when(c == 1)
    def _():
        pltpu.sync_copy(idx_ref.at[pl.ds(16 * CPW0 + s * CPW1, CPW1)],
                        idx_v.at[pl.ds(0, CPW1)])
        pltpu.sync_copy(dst_ref.at[pl.ds(16 * CPW0 + s * CPW1, CPW1)],
                        dst_v.at[pl.ds(0, CPW1)])

    plsc.subcore_barrier()
    n = jnp.where(c == 0, CPW0, CPW1)

    pltpu.async_copy(tab_ref.at[idx_v.at[0]], rows_v.at[0], sem0)

    def body(i, carry):
        j = 2 * i

        @pl.when(j + 1 < n)
        def _():
            pltpu.async_copy(tab_ref.at[idx_v.at[j + 1]], rows_v.at[1], sem1)

        pltpu.make_async_copy(tab_ref.at[idx_v.at[j]], rows_v.at[0],
                              sem0).wait()
        pltpu.sync_copy(rows_v.at[0], acc.at[dst_v.at[j]], add=True)

        @pl.when(j + 2 < n)
        def _():
            pltpu.async_copy(tab_ref.at[idx_v.at[j + 2]], rows_v.at[0], sem0)

        @pl.when(j + 1 < n)
        def _():
            pltpu.make_async_copy(tab_ref.at[idx_v.at[j + 1]], rows_v.at[1],
                                  sem1).wait()
            pltpu.sync_copy(rows_v.at[1], acc.at[dst_v.at[j + 1]], add=True)

        return carry

    lax.fori_loop(0, (n + 1) // 2, body, 0, unroll=False)
    plsc.subcore_barrier()
    pltpu.sync_copy(acc.at[pl.ds(s * RPS, RPS)],
                    out_ref.at[c].at[pl.ds(s * RPS, RPS)])


@functools.cache
def _sc_rgcn_kernel():
    return pl.kernel(
        _sc_rgcn_body,
        out_type=jax.ShapeDtypeStruct((2, N_PAD, C), jnp.float32),
        mesh=plsc.VectorSubcoreMesh(core_axis_name="c", subcore_axis_name="s"),
        scratch_types=[
            pltpu.VMEM((max(CPW0, CPW1), CHUNK), jnp.int32),
            pltpu.VMEM((max(CPW0, CPW1), CHUNK), jnp.int32),
            pltpu.VMEM((2, CHUNK, C), jnp.float32),
            pltpu.VMEM_SHARED((N_PAD, C), jnp.float32),
            pltpu.SemaphoreType.DMA,
            pltpu.SemaphoreType.DMA,
        ],
        compiler_params=pltpu.CompilerParams(use_tc_tiling_on_sc=False),
    )


def _sc_rgcn(tabs_flat, idx2, dst2, zeros):
    return _sc_rgcn_kernel()(tabs_flat, idx2, dst2, zeros)


def kernel(x, params, edge_index, node_type, edge_type):
    p = params
    f32, i32 = jnp.float32, jnp.int32

    pad = E_PAD - E
    src2 = jnp.concatenate([edge_index[0], jnp.zeros((pad,), i32)]
                           ).reshape(E_PAD // CHUNK, CHUNK)
    dst2 = jnp.concatenate([edge_index[1], jnp.full((pad,), N, i32)]
                           ).reshape(E_PAD // CHUNK, CHUNK)
    et2 = jnp.concatenate([edge_type, jnp.zeros((pad,), i32)]
                          ).reshape(E_PAD // CHUNK, CHUNK)
    zeros = jnp.zeros((N_PAD, C), f32)

    idx2, m = _prep(et2, src2, node_type.reshape(N, 1))

    s0, st0 = _stage(x, m, p['ri_W0'], p['ri_b0'])
    h, st_h = _stage(s0, m, p['ri_W1'], p['ri_b1'],
                     norm=(st0, p['ri_g0'], p['ri_be0']))

    for blk in p['blocks']:
        relwc = blk['rel_W'].transpose(1, 0, 2).reshape(C, R * C)
        tabs, root = _rgcn_dense(h, m, st_h, blk['cn_g'], blk['cn_b'],
                                 relwc, blk['root_W'])
        parts = _sc_rgcn(tabs.reshape(R * N, C), idx2, dst2, zeros)
        h, st_h = _combine(h, parts, root, blk['conv_bias'].reshape(1, C), m)
        z1, st_z1 = _stage(h, m, blk['m_W0'], blk['m_b0'],
                           norm=(st_h, blk['mn_g'], blk['mn_b']))
        h, st_h = _stage(z1, m, blk['m_W1'], blk['m_b1'],
                         norm=(st_z1, blk['m_g0'], blk['m_be0']), res=h)

    u, st_u = _stage(h, m, p['ro_W0'], p['ro_b0'])
    out, _ = _stage(u, m, p['ro_W1'], p['ro_b1'],
                    norm=(st_u, p['ro_g0'], p['ro_be0']))
    return out

# --- scband reference (transcript-rebuilt; emitter-appended) ---
"""Pipeline reference for scband-hetero-gcn-22789096472879 (READ-ONLY COPY).

The authoritative reference and input builder live on the scoring server;
editing this copy changes nothing except your own understanding.
"""

import jax, jax.numpy as jnp
import numpy as np

N, E, D, T, R, C, H, OUT = 10000, 320000, 128, 3, 4, 32, 256, 32


def _leaky(x):
    return jax.nn.leaky_relu(x, 0.01)


def _hlin(x, nt, W, b):
    # HeteroLinear: per-node-type linear transform
    s = jnp.einsum('nd,tdo->nto', x, W)
    y = jnp.take_along_axis(s, nt[:, None, None], axis=1)[:, 0, :]
    return y + b[nt]


def _hbn(x, nt, g, b, eps=1e-5):
    # HeteroBatchNorm: batch-norm statistics computed separately per node type
    cnt = jax.ops.segment_sum(jnp.ones((x.shape[0],), x.dtype), nt, num_segments=T)
    s = jax.ops.segment_sum(x, nt, num_segments=T)
    ss = jax.ops.segment_sum(x * x, nt, num_segments=T)
    c = jnp.maximum(cnt, 1.0)[:, None]
    mean = s / c
    var = jnp.maximum(ss / c - mean * mean, 0.0)
    xn = (x - mean[nt]) * jax.lax.rsqrt(var[nt] + eps)
    return xn * g[nt] + b[nt]


def _rgcn(x, ei, et, relW, rootW, bias):
    # RGCNConv with aggr='sum': per-relation message + scatter-add to dst + root transform
    src, dst = ei[0], ei[1]
    xs = x[src]
    allm = jnp.einsum('ed,rdo->ero', xs, relW)
    msg = jnp.take_along_axis(allm, et[:, None, None], axis=1)[:, 0, :]
    agg = jax.ops.segment_sum(msg, dst, num_segments=x.shape[0])
    return agg + x @ rootW + bias


def _forward(x, params, edge_index, node_type, edge_type):
    p = params
    # readin HeteroMLP (2 layers, plain_last)
    h = _hlin(x, node_type, p['ri_W0'], p['ri_b0'])
    h = _leaky(_hbn(h, node_type, p['ri_g0'], p['ri_be0']))
    h = _hlin(h, node_type, p['ri_W1'], p['ri_b1'])
    # residual blocks (RES+)
    for blk in p['blocks']:
        y = _leaky(_hbn(h, node_type, blk['cn_g'], blk['cn_b']))
        h = h + _rgcn(y, edge_index, edge_type, blk['rel_W'], blk['root_W'], blk['conv_bias'])
        y = _leaky(_hbn(h, node_type, blk['mn_g'], blk['mn_b']))
        z = _hlin(y, node_type, blk['m_W0'], blk['m_b0'])
        z = _leaky(_hbn(z, node_type, blk['m_g0'], blk['m_be0']))
        z = _hlin(z, node_type, blk['m_W1'], blk['m_b1'])
        h = h + z
    # readout HeteroMLP (2 layers, plain_last)
    h = _hlin(h, node_type, p['ro_W0'], p['ro_b0'])
    h = _leaky(_hbn(h, node_type, p['ro_g0'], p['ro_be0']))
    h = _hlin(h, node_type, p['ro_W1'], p['ro_b1'])
    return h


def setup_inputs(seed: int = 0):
    key = jax.random.key(seed)
    keys = iter(jax.random.split(key, 64))

    def nk():
        return next(keys)

    def w(shape):
        return jax.random.normal(nk(), shape, dtype=jnp.float32) * 0.1

    x = jax.random.normal(nk(), (N, D), dtype=jnp.float32)
    edge_index = jax.random.randint(nk(), (2, E), 0, N, dtype=jnp.int32)
    node_type = jnp.sort(jax.random.randint(nk(), (N,), 0, T, dtype=jnp.int32))
    edge_type = jnp.sort(jax.random.randint(nk(), (E,), 0, R, dtype=jnp.int32))

    def block():
        return {
            'cn_g': jnp.ones((T, C)), 'cn_b': jnp.zeros((T, C)),
            'rel_W': w((R, C, C)), 'root_W': w((C, C)), 'conv_bias': jnp.zeros((C,)),
            'mn_g': jnp.ones((T, C)), 'mn_b': jnp.zeros((T, C)),
            'm_W0': w((T, C, H)), 'm_b0': jnp.zeros((T, H)),
            'm_g0': jnp.ones((T, H)), 'm_be0': jnp.zeros((T, H)),
            'm_W1': w((T, H, C)), 'm_b1': jnp.zeros((T, C)),
        }

    params = {
        'ri_W0': w((T, D, H)), 'ri_b0': jnp.zeros((T, H)),
        'ri_g0': jnp.ones((T, H)), 'ri_be0': jnp.zeros((T, H)),
        'ri_W1': w((T, H, C)), 'ri_b1': jnp.zeros((T, C)),
        'blocks': [block(), block()],
        'ro_W0': w((T, C, H)), 'ro_b0': jnp.zeros((T, H)),
        'ro_g0': jnp.ones((T, H)), 'ro_be0': jnp.zeros((T, H)),
        'ro_W1': w((T, H, OUT)), 'ro_b1': jnp.zeros((T, OUT)),
    }
    return {'x': x, 'params': params, 'edge_index': edge_index, 'node_type': node_type, 'edge_type': edge_type}


def reference(x, params, edge_index, node_type, edge_type):
    return _forward(x, params, edge_index, node_type, edge_type)

if __name__ == "__main__":
    import jax
    _d = setup_inputs()
    print(jax.jit(kernel)(*tuple(_d.values())))

</pallas_src>

<mosaic_0001>
#map = affine_map<(d0, d1) -> (0, 0)>
#map1 = affine_map<(d0, d1) -> (0, 0, 0)>
module attributes {stable_mosaic.version = 14 : i64} {
  func.func @_sc_rgcn_body(%arg0: i32, %arg1: i32, %arg2: memref<40000x32xf32, #tpu.memory_space<hbm>>, %arg3: memref<2560x128xi32, #tpu.memory_space<hbm>>, %arg4: memref<2560x128xi32, #tpu.memory_space<hbm>>, %arg5: memref<10112x32xf32, #tpu.memory_space<hbm>>, %arg6: memref<2x10112x32xf32, #tpu.memory_space<hbm>>, %arg7: memref<112x128xi32, #tpu.memory_space<vmem>>, %arg8: memref<112x128xi32, #tpu.memory_space<vmem>>, %arg9: memref<2x128x32xf32, #tpu.memory_space<vmem>>, %arg10: memref<10112x32xf32, #tpu.memory_space<vmem_shared>>, %arg11: memref<!tpu.dma_semaphore, #tpu.memory_space<semaphore_mem>>, %arg12: memref<!tpu.dma_semaphore, #tpu.memory_space<semaphore_mem>>) attributes {dimension_semantics = [#tpu.dimension_semantics<core_parallel>, #tpu.dimension_semantics<subcore_parallel>], iteration_bounds = array<i64: 2, 16>, scalar_prefetch = 0 : i64, scratch_operands = 6 : i64, tpu.core_type = #tpu.core_type<sc_vector_subcore>, window_params = [{transform_indices = #map}, {transform_indices = #map}, {transform_indices = #map}, {transform_indices = #map}, {transform_indices = #map1}]} {
    %mul3A = arith.constant 632 : i32
    %mul3A_0 = arith.muli %arg1, %mul3A : i32
    %mul3A_1 = arith.constant 632 : i32
    %mul3A_2 = arith.muli %arg1, %mul3A_1 : i32
    "tpu.region"() ({
      %run_scoped3A = tpu.sem_alloc : memref<!tpu.dma_semaphore, #tpu.memory_space<semaphore_mem>>
      %dma_start3A_57 = arith.constant 0 : i32
      %dma_start3A_58 = tpu.memref_slice %arg10[%mul3A_2, %dma_start3A_57] : memref<10112x32xf32, #tpu.memory_space<vmem_shared>> -> memref<632x32xf32, #tpu.memory_space<vmem_shared>>
      %dma_start3A_59 = arith.constant 0 : i32
      %dma_start3A_60 = tpu.memref_slice %arg5[%mul3A_0, %dma_start3A_59] : memref<10112x32xf32, #tpu.memory_space<hbm>> -> memref<632x32xf32, #tpu.memory_space<hbm>>
      tpu.enqueue_dma source(%dma_start3A_60 : memref<632x32xf32, #tpu.memory_space<hbm>>) target(%dma_start3A_58 : memref<632x32xf32, #tpu.memory_space<vmem_shared>>) target_semaphore(%run_scoped3A : memref<!tpu.dma_semaphore, #tpu.memory_space<semaphore_mem>>)
      %dma_wait3A = arith.constant 0 : i32
      %dma_wait3A_61 = tpu.memref_slice %arg10[%mul3A_2, %dma_wait3A] : memref<10112x32xf32, #tpu.memory_space<vmem_shared>> -> memref<632x32xf32, #tpu.memory_space<vmem_shared>>
      %dma_wait3A_62 = arith.constant 0 : i32
      %dma_wait3A_63 = tpu.memref_slice %arg5[%mul3A_0, %dma_wait3A_62] : memref<10112x32xf32, #tpu.memory_space<hbm>> -> memref<632x32xf32, #tpu.memory_space<hbm>>
      tpu.wait_dma2 semaphore(%run_scoped3A : memref<!tpu.dma_semaphore, #tpu.memory_space<semaphore_mem>>) src(%dma_wait3A_63 : memref<632x32xf32, #tpu.memory_space<hbm>>) dst(%dma_wait3A_61 : memref<632x32xf32, #tpu.memory_space<vmem_shared>>)
      tpu.yield
    }) : () -> ()
    %eq3A = arith.constant 0 : i32
    %eq3A_3 = arith.cmpi eq, %arg0, %eq3A : i32
    %convert_element_type3A = arith.extui %eq3A_3 : i1 to i32
    %cond3A = arith.constant 0 : i32
    %cond3A_4 = arith.cmpi ne, %convert_element_type3A, %cond3A : i32
    scf.if %cond3A_4 {
      %mul3A_57 = arith.constant 112 : i32
      %mul3A_58 = arith.muli %arg1, %mul3A_57 : i32
      "tpu.region"() ({
        %run_scoped3A = tpu.sem_alloc : memref<!tpu.dma_semaphore, #tpu.memory_space<semaphore_mem>>
        %dma_start3A_61 = arith.constant 0 : i32
        %dma_start3A_62 = arith.constant 0 : i32
        %dma_start3A_63 = tpu.memref_slice %arg7[%dma_start3A_61, %dma_start3A_62] : memref<112x128xi32, #tpu.memory_space<vmem>> -> memref<112x128xi32, #tpu.memory_space<vmem>>
        %dma_start3A_64 = arith.constant 0 : i32
        %dma_start3A_65 = tpu.memref_slice %arg3[%mul3A_58, %dma_start3A_64] : memref<2560x128xi32, #tpu.memory_space<hbm>> -> memref<112x128xi32, #tpu.memory_space<hbm>>
        %dma_start3A_66 = arith.constant 0 : i32
        %dma_start3A_67 = arith.constant 0 : i32
        %dma_start3A_68 = tpu.memref_slice %arg7[%dma_start3A_66, %dma_start3A_67] : memref<112x128xi32, #tpu.memory_space<vmem>> -> memref<112x128xi32, #tpu.memory_space<vmem>>
        %dma_start3A_69 = arith.constant 0 : i32
        %dma_start3A_70 = tpu.memref_slice %arg3[%mul3A_58, %dma_start3A_69] : memref<2560x128xi32, #tpu.memory_space<hbm>> -> memref<112x128xi32, #tpu.memory_space<hbm>>
        tpu.enqueue_dma source(%dma_start3A_70 : memref<112x128xi32, #tpu.memory_space<hbm>>) target(%dma_start3A_68 : memref<112x128xi32, #tpu.memory_space<vmem>>) target_semaphore(%run_scoped3A : memref<!tpu.dma_semaphore, #tpu.memory_space<semaphore_mem>>)
        %dma_wait3A = arith.constant 0 : i32
        %dma_wait3A_71 = arith.constant 0 : i32
        %dma_wait3A_72 = tpu.memref_slice %arg7[%dma_wait3A, %dma_wait3A_71] : memref<112x128xi32, #tpu.memory_space<vmem>> -> memref<112x128xi32, #tpu.memory_space<vmem>>
        %dma_wait3A_73 = arith.constant 0 : i32
        %dma_wait3A_74 = tpu.memref_slice %arg3[%mul3A_58, %dma_wait3A_73] : memref<2560x128xi32, #tpu.memory_space<hbm>> -> memref<112x128xi32, #tpu.memory_space<hbm>>
        %dma_wait3A_75 = arith.constant 0 : i32
        %dma_wait3A_76 = arith.constant 0 : i32
        %dma_wait3A_77 = tpu.memref_slice %arg7[%dma_wait3A_75, %dma_wait3A_76] : memref<112x128xi32, #tpu.memory_space<vmem>> -> memref<112x128xi32, #tpu.memory_space<vmem>>
        %dma_wait3A_78 = arith.constant 0 : i32
        %dma_wait3A_79 = tpu.memref_slice %arg3[%mul3A_58, %dma_wait3A_78] : memref<2560x128xi32, #tpu.memory_space<hbm>> -> memref<112x128xi32, #tpu.memory_space<hbm>>
        tpu.wait_dma2 semaphore(%run_scoped3A : memref<!tpu.dma_semaphore, #tpu.memory_space<semaphore_mem>>) src(%dma_wait3A_79 : memref<112x128xi32, #tpu.memory_space<hbm>>) dst(%dma_wait3A_77 : memref<112x128xi32, #tpu.memory_space<vmem>>)
        tpu.yield
      }) : () -> ()
      %mul3A_59 = arith.constant 112 : i32
      %mul3A_60 = arith.muli %arg1, %mul3A_59 : i32
      "tpu.region"() ({
        %run_scoped3A = tpu.sem_alloc : memref<!tpu.dma_semaphore, #tpu.memory_space<semaphore_mem>>
        %dma_start3A_61 = arith.constant 0 : i32
        %dma_start3A_62 = arith.constant 0 : i32
        %dma_start3A_63 = tpu.memref_slice %arg8[%dma_start3A_61, %dma_start3A_62] : memref<112x128xi32, #tpu.memory_space<vmem>> -> memref<112x128xi32, #tpu.memory_space<vmem>>
        %dma_start3A_64 = arith.constant 0 : i32
        %dma_start3A_65 = tpu.memref_slice %arg4[%mul3A_60, %dma_start3A_64] : memref<2560x128xi32, #tpu.memory_space<hbm>> -> memref<112x128xi32, #tpu.memory_space<hbm>>
        %dma_start3A_66 = arith.constant 0 : i32
        %dma_start3A_67 = arith.constant 0 : i32
        %dma_start3A_68 = tpu.memref_slice %arg8[%dma_start3A_66, %dma_start3A_67] : memref<112x128xi32, #tpu.memory_space<vmem>> -> memref<112x128xi32, #tpu.memory_space<vmem>>
        %dma_start3A_69 = arith.constant 0 : i32
        %dma_start3A_70 = tpu.memref_slice %arg4[%mul3A_60, %dma_start3A_69] : memref<2560x128xi32, #tpu.memory_space<hbm>> -> memref<112x128xi32, #tpu.memory_space<hbm>>
        tpu.enqueue_dma source(%dma_start3A_70 : memref<112x128xi32, #tpu.memory_space<hbm>>) target(%dma_start3A_68 : memref<112x128xi32, #tpu.memory_space<vmem>>) target_semaphore(%run_scoped3A : memref<!tpu.dma_semaphore, #tpu.memory_space<semaphore_mem>>)
        %dma_wait3A = arith.constant 0 : i32
        %dma_wait3A_71 = arith.constant 0 : i32
        %dma_wait3A_72 = tpu.memref_slice %arg8[%dma_wait3A, %dma_wait3A_71] : memref<112x128xi32, #tpu.memory_space<vmem>> -> memref<112x128xi32, #tpu.memory_space<vmem>>
        %dma_wait3A_73 = arith.constant 0 : i32
        %dma_wait3A_74 = tpu.memref_slice %arg4[%mul3A_60, %dma_wait3A_73] : memref<2560x128xi32, #tpu.memory_space<hbm>> -> memref<112x128xi32, #tpu.memory_space<hbm>>
        %dma_wait3A_75 = arith.constant 0 : i32
        %dma_wait3A_76 = arith.constant 0 : i32
        %dma_wait3A_77 = tpu.memref_slice %arg8[%dma_wait3A_75, %dma_wait3A_76] : memref<112x128xi32, #tpu.memory_space<vmem>> -> memref<112x128xi32, #tpu.memory_space<vmem>>
        %dma_wait3A_78 = arith.constant 0 : i32
        %dma_wait3A_79 = tpu.memref_slice %arg4[%mul3A_60, %dma_wait3A_78] : memref<2560x128xi32, #tpu.memory_space<hbm>> -> memref<112x128xi32, #tpu.memory_space<hbm>>
        tpu.wait_dma2 semaphore(%run_scoped3A : memref<!tpu.dma_semaphore, #tpu.memory_space<semaphore_mem>>) src(%dma_wait3A_79 : memref<112x128xi32, #tpu.memory_space<hbm>>) dst(%dma_wait3A_77 : memref<112x128xi32, #tpu.memory_space<vmem>>)
        tpu.yield
      }) : () -> ()
    } else {
    }
    %eq3A_5 = arith.constant 1 : i32
    %eq3A_6 = arith.cmpi eq, %arg0, %eq3A_5 : i32
    %convert_element_type3A_7 = arith.extui %eq3A_6 : i1 to i32
    %cond3A_8 = arith.constant 0 : i32
    %cond3A_9 = arith.cmpi ne, %convert_element_type3A_7, %cond3A_8 : i32
    scf.if %cond3A_9 {
      %mul3A_57 = arith.constant 48 : i32
      %mul3A_58 = arith.muli %arg1, %mul3A_57 : i32
      %add3A_59 = arith.constant 1792 : i32
      %add3A_60 = arith.addi %add3A_59, %mul3A_58 : i32
      "tpu.region"() ({
        %run_scoped3A = tpu.sem_alloc : memref<!tpu.dma_semaphore, #tpu.memory_space<semaphore_mem>>
        %dma_start3A_65 = arith.constant 0 : i32
        %dma_start3A_66 = arith.constant 0 : i32
        %dma_start3A_67 = tpu.memref_slice %arg7[%dma_start3A_65, %dma_start3A_66] : memref<112x128xi32, #tpu.memory_space<vmem>> -> memref<48x128xi32, #tpu.memory_space<vmem>>
        %dma_start3A_68 = arith.constant 0 : i32
        %dma_start3A_69 = tpu.memref_slice %arg3[%add3A_60, %dma_start3A_68] : memref<2560x128xi32, #tpu.memory_space<hbm>> -> memref<48x128xi32, #tpu.memory_space<hbm>>
        %dma_start3A_70 = arith.constant 0 : i32
        %dma_start3A_71 = arith.constant 0 : i32
        %dma_start3A_72 = tpu.memref_slice %arg7[%dma_start3A_70, %dma_start3A_71] : memref<112x128xi32, #tpu.memory_space<vmem>> -> memref<48x128xi32, #tpu.memory_space<vmem>>
        %dma_start3A_73 = arith.constant 0 : i32
        %dma_start3A_74 = tpu.memref_slice %arg3[%add3A_60, %dma_start3A_73] : memref<2560x128xi32, #tpu.memory_space<hbm>> -> memref<48x128xi32, #tpu.memory_space<hbm>>
        tpu.enqueue_dma source(%dma_start3A_74 : memref<48x128xi32, #tpu.memory_space<hbm>>) target(%dma_start3A_72 : memref<48x128xi32, #tpu.memory_space<vmem>>) target_semaphore(%run_scoped3A : memref<!tpu.dma_semaphore, #tpu.memory_space<semaphore_mem>>)
        %dma_wait3A = arith.constant 0 : i32
        %dma_wait3A_75 = arith.constant 0 : i32
        %dma_wait3A_76 = tpu.memref_slice %arg7[%dma_wait3A, %dma_wait3A_75] : memref<112x128xi32, #tpu.memory_space<vmem>> -> memref<48x128xi32, #tpu.memory_space<vmem>>
        %dma_wait3A_77 = arith.constant 0 : i32
        %dma_wait3A_78 = tpu.memref_slice %arg3[%add3A_60, %dma_wait3A_77] : memref<2560x128xi32, #tpu.memory_space<hbm>> -> memref<48x128xi32, #tpu.memory_space<hbm>>
        %dma_wait3A_79 = arith.constant 0 : i32
        %dma_wait3A_80 = arith.constant 0 : i32
        %dma_wait3A_81 = tpu.memref_slice %arg7[%dma_wait3A_79, %dma_wait3A_80] : memref<112x128xi32, #tpu.memory_space<vmem>> -> memref<48x128xi32, #tpu.memory_space<vmem>>
        %dma_wait3A_82 = arith.constant 0 : i32
        %dma_wait3A_83 = tpu.memref_slice %arg3[%add3A_60, %dma_wait3A_82] : memref<2560x128xi32, #tpu.memory_space<hbm>> -> memref<48x128xi32, #tpu.memory_space<hbm>>
        tpu.wait_dma2 semaphore(%run_scoped3A : memref<!tpu.dma_semaphore, #tpu.memory_space<semaphore_mem>>) src(%dma_wait3A_83 : memref<48x128xi32, #tpu.memory_space<hbm>>) dst(%dma_wait3A_81 : memref<48x128xi32, #tpu.memory_space<vmem>>)
        tpu.yield
      }) : () -> ()
      %mul3A_61 = arith.constant 48 : i32
      %mul3A_62 = arith.muli %arg1, %mul3A_61 : i32
      %add3A_63 = arith.constant 1792 : i32
      %add3A_64 = arith.addi %add3A_63, %mul3A_62 : i32
      "tpu.region"() ({
        %run_scoped3A = tpu.sem_alloc : memref<!tpu.dma_semaphore, #tpu.memory_space<semaphore_mem>>
        %dma_start3A_65 = arith.constant 0 : i32
        %dma_start3A_66 = arith.constant 0 : i32
        %dma_start3A_67 = tpu.memref_slice %arg8[%dma_start3A_65, %dma_start3A_66] : memref<112x128xi32, #tpu.memory_space<vmem>> -> memref<48x128xi32, #tpu.memory_space<vmem>>
        %dma_start3A_68 = arith.constant 0 : i32
        %dma_start3A_69 = tpu.memref_slice %arg4[%add3A_64, %dma_start3A_68] : memref<2560x128xi32, #tpu.memory_space<hbm>> -> memref<48x128xi32, #tpu.memory_space<hbm>>
        %dma_start3A_70 = arith.constant 0 : i32
        %dma_start3A_71 = arith.constant 0 : i32
        %dma_start3A_72 = tpu.memref_slice %arg8[%dma_start3A_70, %dma_start3A_71] : memref<112x128xi32, #tpu.memory_space<vmem>> -> memref<48x128xi32, #tpu.memory_space<vmem>>
        %dma_start3A_73 = arith.constant 0 : i32
        %dma_start3A_74 = tpu.memref_slice %arg4[%add3A_64, %dma_start3A_73] : memref<2560x128xi32, #tpu.memory_space<hbm>> -> memref<48x128xi32, #tpu.memory_space<hbm>>
        tpu.enqueue_dma source(%dma_start3A_74 : memref<48x128xi32, #tpu.memory_space<hbm>>) target(%dma_start3A_72 : memref<48x128xi32, #tpu.memory_space<vmem>>) target_semaphore(%run_scoped3A : memref<!tpu.dma_semaphore, #tpu.memory_space<semaphore_mem>>)
        %dma_wait3A = arith.constant 0 : i32
        %dma_wait3A_75 = arith.constant 0 : i32
        %dma_wait3A_76 = tpu.memref_slice %arg8[%dma_wait3A, %dma_wait3A_75] : memref<112x128xi32, #tpu.memory_space<vmem>> -> memref<48x128xi32, #tpu.memory_space<vmem>>
        %dma_wait3A_77 = arith.constant 0 : i32
        %dma_wait3A_78 = tpu.memref_slice %arg4[%add3A_64, %dma_wait3A_77] : memref<2560x128xi32, #tpu.memory_space<hbm>> -> memref<48x128xi32, #tpu.memory_space<hbm>>
        %dma_wait3A_79 = arith.constant 0 : i32
        %dma_wait3A_80 = arith.constant 0 : i32
        %dma_wait3A_81 = tpu.memref_slice %arg8[%dma_wait3A_79, %dma_wait3A_80] : memref<112x128xi32, #tpu.memory_space<vmem>> -> memref<48x128xi32, #tpu.memory_space<vmem>>
        %dma_wait3A_82 = arith.constant 0 : i32
        %dma_wait3A_83 = tpu.memref_slice %arg4[%add3A_64, %dma_wait3A_82] : memref<2560x128xi32, #tpu.memory_space<hbm>> -> memref<48x128xi32, #tpu.memory_space<hbm>>
        tpu.wait_dma2 semaphore(%run_scoped3A : memref<!tpu.dma_semaphore, #tpu.memory_space<semaphore_mem>>) src(%dma_wait3A_83 : memref<48x128xi32, #tpu.memory_space<hbm>>) dst(%dma_wait3A_81 : memref<48x128xi32, #tpu.memory_space<vmem>>)
        tpu.yield
      }) : () -> ()
    } else {
    }
    %barrier3A = arith.constant 0 : index
    tpu.barrier barrier_id(%barrier3A)
    %eq3A_10 = arith.constant 0 : i32
    %eq3A_11 = arith.cmpi eq, %arg0, %eq3A_10 : i32
    %jit3A = arith.constant 112 : i32
    %jit3A_12 = arith.constant 48 : i32
    %select_n3A = arith.select %eq3A_11, %jit3A, %jit3A_12 : i32
    %dma_start3A = arith.constant 0 : i32
    %dma_start3A_13 = arith.constant 0 : i32
    %dma_start3A_14 = arith.constant 0 : i32
    %dma_start3A_15 = arith.constant 0 : i32
    %dma_start3A_16 = tpu.memref_slice %arg9[%dma_start3A_13, %dma_start3A_14, %dma_start3A_15] : memref<2x128x32xf32, #tpu.memory_space<vmem>> -> memref<1x128x32xf32, #tpu.memory_space<vmem>>
    %dma_start3A_17 = tpu.memref_squeeze %dma_start3A_16 : memref<1x128x32xf32, #tpu.memory_space<vmem>> -> memref<128x32xf32, #tpu.memory_space<vmem>>
    %dma_start3A_18 = arith.constant 0 : i32
    %dma_start3A_19 = tpu.memref_slice %arg7[%dma_start3A, %dma_start3A_18] : memref<112x128xi32, #tpu.memory_space<vmem>> -> memref<1x128xi32, #tpu.memory_space<vmem>>
    %dma_start3A_20 = tpu.memref_squeeze %dma_start3A_19 : memref<1x128xi32, #tpu.memory_space<vmem>> -> memref<128xi32, #tpu.memory_space<vmem>>
    %dma_start3A_21 = arith.constant 0 : i32
    %dma_start3A_22 = arith.constant 0 : i32
    %dma_start3A_23 = tpu.memref_slice %arg2[%dma_start3A_21, %dma_start3A_22] : memref<40000x32xf32, #tpu.memory_space<hbm>> -> memref<40000x32xf32, #tpu.memory_space<hbm>>
    tpu.enqueue_indirect_dma source(%dma_start3A_23 : memref<40000x32xf32, #tpu.memory_space<hbm>>) target(%dma_start3A_17 : memref<128x32xf32, #tpu.memory_space<vmem>>) offsets(%dma_start3A_20 : memref<128xi32, #tpu.memory_space<vmem>>) semaphore(%arg11 : memref<!tpu.dma_semaphore, #tpu.memory_space<semaphore_mem>>)
    %add3A = arith.constant 1 : i32
    %add3A_24 = arith.addi %select_n3A, %add3A : i32
    %jit3A_25 = arith.constant 2 : i32
    %div3A = arith.divsi %add3A_24, %jit3A_25 : i32
    %sign3A = arith.constant 0 : i32
    %sign3A_26 = arith.cmpi sgt, %add3A_24, %sign3A : i32
    %sign3A_27 = arith.extui %sign3A_26 : i1 to i32
    %sign3A_28 = arith.constant 0 : i32
    %sign3A_29 = arith.cmpi slt, %add3A_24, %sign3A_28 : i32
    %sign3A_30 = arith.extui %sign3A_29 : i1 to i32
    %sign3A_31 = arith.subi %sign3A_27, %sign3A_30 : i32
    %sign3A_32 = arith.constant 0 : i32
    %sign3A_33 = arith.cmpi sgt, %jit3A_25, %sign3A_32 : i32
    %sign3A_34 = arith.extui %sign3A_33 : i1 to i32
    %sign3A_35 = arith.constant 0 : i32
    %sign3A_36 = arith.cmpi slt, %jit3A_25, %sign3A_35 : i32
    %sign3A_37 = arith.extui %sign3A_36 : i1 to i32
    %sign3A_38 = arith.subi %sign3A_34, %sign3A_37 : i32
    %ne3A = arith.cmpi ne, %sign3A_31, %sign3A_38 : i32
    %rem3A = arith.remsi %add3A_24, %jit3A_25 : i32
    %ne3A_39 = arith.constant 0 : i32
    %ne3A_40 = arith.cmpi ne, %rem3A, %ne3A_39 : i32
    %and3A = arith.andi %ne3A, %ne3A_40 : i1
    %sub3A = arith.constant 1 : i32
    %sub3A_41 = arith.subi %div3A, %sub3A : i32
    %select_n3A_42 = arith.select %and3A, %sub3A_41, %div3A : i32
    %while3A = arith.constant 0 : i32
    %while3A_43 = arith.constant 0 : i32
    %while3A_44 = arith.subi %select_n3A_42, %while3A_43 : i32
    %while3A_45 = arith.addi %while3A_43, %while3A_44 : i32
    %while3A_46 = arith.constant 1 : i32
    %while3A_47 = arith.divsi %while3A_44, %while3A_46 : i32
    %while3A_48 = arith.muli %while3A_47, %while3A_46 : i32
    %while3A_49 = arith.addi %while3A_43, %while3A_48 : i32
    %while3A_50 = arith.constant 1 : i32
    scf.for %while3A_57 = %while3A_43 to %while3A_49 step %while3A_50  : i32 {
      %mul3A_58 = arith.constant 2 : i32
      %mul3A_59 = arith.muli %mul3A_58, %while3A_57 : i32
      %add3A_60 = arith.constant 1 : i32
      %add3A_61 = arith.addi %mul3A_59, %add3A_60 : i32
      %lt3A = arith.cmpi slt, %add3A_61, %select_n3A : i32
      %convert_element_type3A_62 = arith.extui %lt3A : i1 to i32
      %cond3A_63 = arith.constant 0 : i32
      %cond3A_64 = arith.cmpi ne, %convert_element_type3A_62, %cond3A_63 : i32
      scf.if %cond3A_64 {
        %add3A_87 = arith.constant 1 : i32
        %add3A_88 = arith.addi %mul3A_59, %add3A_87 : i32
        %dma_start3A_89 = arith.constant 1 : i32
        %dma_start3A_90 = arith.constant 0 : i32
        %dma_start3A_91 = arith.constant 0 : i32
        %dma_start3A_92 = tpu.memref_slice %arg9[%dma_start3A_89, %dma_start3A_90, %dma_start3A_91] : memref<2x128x32xf32, #tpu.memory_space<vmem>> -> memref<1x128x32xf32, #tpu.memory_space<vmem>>
        %dma_start3A_93 = tpu.memref_squeeze %dma_start3A_92 : memref<1x128x32xf32, #tpu.memory_space<vmem>> -> memref<128x32xf32, #tpu.memory_space<vmem>>
        %dma_start3A_94 = arith.constant 0 : i32
        %dma_start3A_95 = tpu.memref_slice %arg7[%add3A_88, %dma_start3A_94] : memref<112x128xi32, #tpu.memory_space<vmem>> -> memref<1x128xi32, #tpu.memory_space<vmem>>
        %dma_start3A_96 = tpu.memref_squeeze %dma_start3A_95 : memref<1x128xi32, #tpu.memory_space<vmem>> -> memref<128xi32, #tpu.memory_space<vmem>>
        %dma_start3A_97 = arith.constant 0 : i32
        %dma_start3A_98 = arith.constant 0 : i32
        %dma_start3A_99 = tpu.memref_slice %arg2[%dma_start3A_97, %dma_start3A_98] : memref<40000x32xf32, #tpu.memory_space<hbm>> -> memref<40000x32xf32, #tpu.memory_space<hbm>>
        tpu.enqueue_indirect_dma source(%dma_start3A_99 : memref<40000x32xf32, #tpu.memory_space<hbm>>) target(%dma_start3A_93 : memref<128x32xf32, #tpu.memory_space<vmem>>) offsets(%dma_start3A_96 : memref<128xi32, #tpu.memory_space<vmem>>) semaphore(%arg12 : memref<!tpu.dma_semaphore, #tpu.memory_space<semaphore_mem>>)
      } else {
      }
      %dma_wait3A = arith.constant 0 : i32
      %dma_wait3A_65 = arith.constant 0 : i32
      %dma_wait3A_66 = arith.constant 0 : i32
      %dma_wait3A_67 = tpu.memref_slice %arg9[%dma_wait3A, %dma_wait3A_65, %dma_wait3A_66] : memref<2x128x32xf32, #tpu.memory_space<vmem>> -> memref<1x128x32xf32, #tpu.memory_space<vmem>>
      %dma_wait3A_68 = tpu.memref_squeeze %dma_wait3A_67 : memref<1x128x32xf32, #tpu.memory_space<vmem>> -> memref<128x32xf32, #tpu.memory_space<vmem>>
      %dma_wait3A_69 = arith.constant 0 : i32
      %dma_wait3A_70 = tpu.memref_slice %arg7[%mul3A_59, %dma_wait3A_69] : memref<112x128xi32, #tpu.memory_space<vmem>> -> memref<1x128xi32, #tpu.memory_space<vmem>>
      %dma_wait3A_71 = tpu.memref_squeeze %dma_wait3A_70 : memref<1x128xi32, #tpu.memory_space<vmem>> -> memref<128xi32, #tpu.memory_space<vmem>>
      %dma_wait3A_72 = arith.constant 0 : i32
      %dma_wait3A_73 = arith.constant 0 : i32
      %dma_wait3A_74 = tpu.memref_slice %arg2[%dma_wait3A_72, %dma_wait3A_73] : memref<40000x32xf32, #tpu.memory_space<hbm>> -> memref<40000x32xf32, #tpu.memory_space<hbm>>
      tpu.wait_indirect_dma semaphore(%arg11 : memref<!tpu.dma_semaphore, #tpu.memory_space<semaphore_mem>>) src(%dma_wait3A_74 : memref<40000x32xf32, #tpu.memory_space<hbm>>) dst(%dma_wait3A_68 : memref<128x32xf32, #tpu.memory_space<vmem>>)
      %run_scoped3A = arith.constant 0 : i32
      "tpu.region"() ({
        %run_scoped3A_87 = tpu.sem_alloc : memref<!tpu.dma_semaphore, #tpu.memory_space<semaphore_mem>>
        %dma_start3A_88 = arith.constant 0 : i32
        %dma_start3A_89 = arith.constant 0 : i32
        %dma_start3A_90 = tpu.memref_slice %arg9[%run_scoped3A, %dma_start3A_88, %dma_start3A_89] : memref<2x128x32xf32, #tpu.memory_space<vmem>> -> memref<1x128x32xf32, #tpu.memory_space<vmem>>
        %dma_start3A_91 = tpu.memref_squeeze %dma_start3A_90 : memref<1x128x32xf32, #tpu.memory_space<vmem>> -> memref<128x32xf32, #tpu.memory_space<vmem>>
        %dma_start3A_92 = arith.constant 0 : i32
        %dma_start3A_93 = tpu.memref_slice %arg8[%mul3A_59, %dma_start3A_92] : memref<112x128xi32, #tpu.memory_space<vmem>> -> memref<1x128xi32, #tpu.memory_space<vmem>>
        %dma_start3A_94 = tpu.memref_squeeze %dma_start3A_93 : memref<1x128xi32, #tpu.memory_space<vmem>> -> memref<128xi32, #tpu.memory_space<vmem>>
        %dma_start3A_95 = arith.constant 0 : i32
        %dma_start3A_96 = arith.constant 0 : i32
        %dma_start3A_97 = tpu.memref_slice %arg10[%dma_start3A_95, %dma_start3A_96] : memref<10112x32xf32, #tpu.memory_space<vmem_shared>> -> memref<10112x32xf32, #tpu.memory_space<vmem_shared>>
        tpu.enqueue_indirect_dma source(%dma_start3A_91 : memref<128x32xf32, #tpu.memory_space<vmem>>) target(%dma_start3A_97 : memref<10112x32xf32, #tpu.memory_space<vmem_shared>>) offsets(%dma_start3A_94 : memref<128xi32, #tpu.memory_space<vmem>>) semaphore(%run_scoped3A_87 : memref<!tpu.dma_semaphore, #tpu.memory_space<semaphore_mem>>) {add = true}
        %dma_wait3A_98 = arith.constant 0 : i32
        %dma_wait3A_99 = arith.constant 0 : i32
        %dma_wait3A_100 = tpu.memref_slice %arg9[%run_scoped3A, %dma_wait3A_98, %dma_wait3A_99] : memref<2x128x32xf32, #tpu.memory_space<vmem>> -> memref<1x128x32xf32, #tpu.memory_space<vmem>>
        %dma_wait3A_101 = tpu.memref_squeeze %dma_wait3A_100 : memref<1x128x32xf32, #tpu.memory_space<vmem>> -> memref<128x32xf32, #tpu.memory_space<vmem>>
        %dma_wait3A_102 = arith.constant 0 : i32
        %dma_wait3A_103 = tpu.memref_slice %arg8[%mul3A_59, %dma_wait3A_102] : memref<112x128xi32, #tpu.memory_space<vmem>> -> memref<1x128xi32, #tpu.memory_space<vmem>>
        %dma_wait3A_104 = tpu.memref_squeeze %dma_wait3A_103 : memref<1x128xi32, #tpu.memory_space<vmem>> -> memref<128xi32, #tpu.memory_space<vmem>>
        %dma_wait3A_105 = arith.constant 0 : i32
        %dma_wait3A_106 = arith.constant 0 : i32
        %dma_wait3A_107 = tpu.memref_slice %arg10[%dma_wait3A_105, %dma_wait3A_106] : memref<10112x32xf32, #tpu.memory_space<vmem_shared>> -> memref<10112x32xf32, #tpu.memory_space<vmem_shared>>
        tpu.wait_indirect_dma semaphore(%run_scoped3A_87 : memref<!tpu.dma_semaphore, #tpu.memory_space<semaphore_mem>>) src(%dma_wait3A_101 : memref<128x32xf32, #tpu.memory_space<vmem>>) dst(%dma_wait3A_107 : memref<10112x32xf32, #tpu.memory_space<vmem_shared>>)
        tpu.yield
      }) : () -> ()
      %add3A_75 = arith.constant 2 : i32
      %add3A_76 = arith.addi %mul3A_59, %add3A_75 : i32
      %lt3A_77 = arith.cmpi slt, %add3A_76, %select_n3A : i32
      %convert_element_type3A_78 = arith.extui %lt3A_77 : i1 to i32
      %cond3A_79 = arith.constant 0 : i32
      %cond3A_80 = arith.cmpi ne, %convert_element_type3A_78, %cond3A_79 : i32
      scf.if %cond3A_80 {
        %add3A_87 = arith.constant 2 : i32
        %add3A_88 = arith.addi %mul3A_59, %add3A_87 : i32
        %dma_start3A_89 = arith.constant 0 : i32
        %dma_start3A_90 = arith.constant 0 : i32
        %dma_start3A_91 = arith.constant 0 : i32
        %dma_start3A_92 = tpu.memref_slice %arg9[%dma_start3A_89, %dma_start3A_90, %dma_start3A_91] : memref<2x128x32xf32, #tpu.memory_space<vmem>> -> memref<1x128x32xf32, #tpu.memory_space<vmem>>
        %dma_start3A_93 = tpu.memref_squeeze %dma_start3A_92 : memref<1x128x32xf32, #tpu.memory_space<vmem>> -> memref<128x32xf32, #tpu.memory_space<vmem>>
        %dma_start3A_94 = arith.constant 0 : i32
        %dma_start3A_95 = tpu.memref_slice %arg7[%add3A_88, %dma_start3A_94] : memref<112x128xi32, #tpu.memory_space<vmem>> -> memref<1x128xi32, #tpu.memory_space<vmem>>
        %dma_start3A_96 = tpu.memref_squeeze %dma_start3A_95 : memref<1x128xi32, #tpu.memory_space<vmem>> -> memref<128xi32, #tpu.memory_space<vmem>>
        %dma_start3A_97 = arith.constant 0 : i32
        %dma_start3A_98 = arith.constant 0 : i32
        %dma_start3A_99 = tpu.memref_slice %arg2[%dma_start3A_97, %dma_start3A_98] : memref<40000x32xf32, #tpu.memory_space<hbm>> -> memref<40000x32xf32, #tpu.memory_space<hbm>>
        tpu.enqueue_indirect_dma source(%dma_start3A_99 : memref<40000x32xf32, #tpu.memory_space<hbm>>) target(%dma_start3A_93 : memref<128x32xf32, #tpu.memory_space<vmem>>) offsets(%dma_start3A_96 : memref<128xi32, #tpu.memory_space<vmem>>) semaphore(%arg11 : memref<!tpu.dma_semaphore, #tpu.memory_space<semaphore_mem>>)
      } else {
      }
      %add3A_81 = arith.constant 1 : i32
      %add3A_82 = arith.addi %mul3A_59, %add3A_81 : i32
      %lt3A_83 = arith.cmpi slt, %add3A_82, %select_n3A : i32
      %convert_element_type3A_84 = arith.extui %lt3A_83 : i1 to i32
      %cond3A_85 = arith.constant 0 : i32
      %cond3A_86 = arith.cmpi ne, %convert_element_type3A_84, %cond3A_85 : i32
      scf.if %cond3A_86 {
        %add3A_87 = arith.constant 1 : i32
        %add3A_88 = arith.addi %mul3A_59, %add3A_87 : i32
        %dma_wait3A_89 = arith.constant 1 : i32
        %dma_wait3A_90 = arith.constant 0 : i32
        %dma_wait3A_91 = arith.constant 0 : i32
        %dma_wait3A_92 = tpu.memref_slice %arg9[%dma_wait3A_89, %dma_wait3A_90, %dma_wait3A_91] : memref<2x128x32xf32, #tpu.memory_space<vmem>> -> memref<1x128x32xf32, #tpu.memory_space<vmem>>
        %dma_wait3A_93 = tpu.memref_squeeze %dma_wait3A_92 : memref<1x128x32xf32, #tpu.memory_space<vmem>> -> memref<128x32xf32, #tpu.memory_space<vmem>>
        %dma_wait3A_94 = arith.constant 0 : i32
        %dma_wait3A_95 = tpu.memref_slice %arg7[%add3A_88, %dma_wait3A_94] : memref<112x128xi32, #tpu.memory_space<vmem>> -> memref<1x128xi32, #tpu.memory_space<vmem>>
        %dma_wait3A_96 = tpu.memref_squeeze %dma_wait3A_95 : memref<1x128xi32, #tpu.memory_space<vmem>> -> memref<128xi32, #tpu.memory_space<vmem>>
        %dma_wait3A_97 = arith.constant 0 : i32
        %dma_wait3A_98 = arith.constant 0 : i32
        %dma_wait3A_99 = tpu.memref_slice %arg2[%dma_wait3A_97, %dma_wait3A_98] : memref<40000x32xf32, #tpu.memory_space<hbm>> -> memref<40000x32xf32, #tpu.memory_space<hbm>>
        tpu.wait_indirect_dma semaphore(%arg12 : memref<!tpu.dma_semaphore, #tpu.memory_space<semaphore_mem>>) src(%dma_wait3A_99 : memref<40000x32xf32, #tpu.memory_space<hbm>>) dst(%dma_wait3A_93 : memref<128x32xf32, #tpu.memory_space<vmem>>)
        %add3A_100 = arith.constant 1 : i32
        %add3A_101 = arith.addi %mul3A_59, %add3A_100 : i32
        %run_scoped3A_102 = arith.constant 1 : i32
        "tpu.region"() ({
          %run_scoped3A_103 = tpu.sem_alloc : memref<!tpu.dma_semaphore, #tpu.memory_space<semaphore_mem>>
          %dma_start3A_104 = arith.constant 0 : i32
          %dma_start3A_105 = arith.constant 0 : i32
          %dma_start3A_106 = tpu.memref_slice %arg9[%run_scoped3A_102, %dma_start3A_104, %dma_start3A_105] : memref<2x128x32xf32, #tpu.memory_space<vmem>> -> memref<1x128x32xf32, #tpu.memory_space<vmem>>
          %dma_start3A_107 = tpu.memref_squeeze %dma_start3A_106 : memref<1x128x32xf32, #tpu.memory_space<vmem>> -> memref<128x32xf32, #tpu.memory_space<vmem>>
          %dma_start3A_108 = arith.constant 0 : i32
          %dma_start3A_109 = tpu.memref_slice %arg8[%add3A_101, %dma_start3A_108] : memref<112x128xi32, #tpu.memory_space<vmem>> -> memref<1x128xi32, #tpu.memory_space<vmem>>
          %dma_start3A_110 = tpu.memref_squeeze %dma_start3A_109 : memref<1x128xi32, #tpu.memory_space<vmem>> -> memref<128xi32, #tpu.memory_space<vmem>>
          %dma_start3A_111 = arith.constant 0 : i32
          %dma_start3A_112 = arith.constant 0 : i32
          %dma_start3A_113 = tpu.memref_slice %arg10[%dma_start3A_111, %dma_start3A_112] : memref<10112x32xf32, #tpu.memory_space<vmem_shared>> -> memref<10112x32xf32, #tpu.memory_space<vmem_shared>>
          tpu.enqueue_indirect_dma source(%dma_start3A_107 : memref<128x32xf32, #tpu.memory_space<vmem>>) target(%dma_start3A_113 : memref<10112x32xf32, #tpu.memory_space<vmem_shared>>) offsets(%dma_start3A_110 : memref<128xi32, #tpu.memory_space<vmem>>) semaphore(%run_scoped3A_103 : memref<!tpu.dma_semaphore, #tpu.memory_space<semaphore_mem>>) {add = true}
          %dma_wait3A_114 = arith.constant 0 : i32
          %dma_wait3A_115 = arith.constant 0 : i32
          %dma_wait3A_116 = tpu.memref_slice %arg9[%run_scoped3A_102, %dma_wait3A_114, %dma_wait3A_115] : memref<2x128x32xf32, #tpu.memory_space<vmem>> -> memref<1x128x32xf32, #tpu.memory_space<vmem>>
          %dma_wait3A_117 = tpu.memref_squeeze %dma_wait3A_116 : memref<1x128x32xf32, #tpu.memory_space<vmem>> -> memref<128x32xf32, #tpu.memory_space<vmem>>
          %dma_wait3A_118 = arith.constant 0 : i32
          %dma_wait3A_119 = tpu.memref_slice %arg8[%add3A_101, %dma_wait3A_118] : memref<112x128xi32, #tpu.memory_space<vmem>> -> memref<1x128xi32, #tpu.memory_space<vmem>>
          %dma_wait3A_120 = tpu.memref_squeeze %dma_wait3A_119 : memref<1x128xi32, #tpu.memory_space<vmem>> -> memref<128xi32, #tpu.memory_space<vmem>>
          %dma_wait3A_121 = arith.constant 0 : i32
          %dma_wait3A_122 = arith.constant 0 : i32
          %dma_wait3A_123 = tpu.memref_slice %arg10[%dma_wait3A_121, %dma_wait3A_122] : memref<10112x32xf32, #tpu.memory_space<vmem_shared>> -> memref<10112x32xf32, #tpu.memory_space<vmem_shared>>
          tpu.wait_indirect_dma semaphore(%run_scoped3A_103 : memref<!tpu.dma_semaphore, #tpu.memory_space<semaphore_mem>>) src(%dma_wait3A_117 : memref<128x32xf32, #tpu.memory_space<vmem>>) dst(%dma_wait3A_123 : memref<10112x32xf32, #tpu.memory_space<vmem_shared>>)
          tpu.yield
        }) : () -> ()
      } else {
      }
    }
    %while3A_51 = arith.constant 1 : i32
    scf.for %while3A_57 = %while3A_49 to %while3A_45 step %while3A_51  : i32 {
      %mul3A_58 = arith.constant 2 : i32
      %mul3A_59 = arith.muli %mul3A_58, %while3A_57 : i32
      %add3A_60 = arith.constant 1 : i32
      %add3A_61 = arith.addi %mul3A_59, %add3A_60 : i32
      %lt3A = arith.cmpi slt, %add3A_61, %select_n3A : i32
      %convert_element_type3A_62 = arith.extui %lt3A : i1 to i32
      %cond3A_63 = arith.constant 0 : i32
      %cond3A_64 = arith.cmpi ne, %convert_element_type3A_62, %cond3A_63 : i32
      scf.if %cond3A_64 {
        %add3A_87 = arith.constant 1 : i32
        %add3A_88 = arith.addi %mul3A_59, %add3A_87 : i32
        %dma_start3A_89 = arith.constant 1 : i32
        %dma_start3A_90 = arith.constant 0 : i32
        %dma_start3A_91 = arith.constant 0 : i32
        %dma_start3A_92 = tpu.memref_slice %arg9[%dma_start3A_89, %dma_start3A_90, %dma_start3A_91] : memref<2x128x32xf32, #tpu.memory_space<vmem>> -> memref<1x128x32xf32, #tpu.memory_space<vmem>>
        %dma_start3A_93 = tpu.memref_squeeze %dma_start3A_92 : memref<1x128x32xf32, #tpu.memory_space<vmem>> -> memref<128x32xf32, #tpu.memory_space<vmem>>
        %dma_start3A_94 = arith.constant 0 : i32
        %dma_start3A_95 = tpu.memref_slice %arg7[%add3A_88, %dma_start3A_94] : memref<112x128xi32, #tpu.memory_space<vmem>> -> memref<1x128xi32, #tpu.memory_space<vmem>>
        %dma_start3A_96 = tpu.memref_squeeze %dma_start3A_95 : memref<1x128xi32, #tpu.memory_space<vmem>> -> memref<128xi32, #tpu.memory_space<vmem>>
        %dma_start3A_97 = arith.constant 0 : i32
        %dma_start3A_98 = arith.constant 0 : i32
        %dma_start3A_99 = tpu.memref_slice %arg2[%dma_start3A_97, %dma_start3A_98] : memref<40000x32xf32, #tpu.memory_space<hbm>> -> memref<40000x32xf32, #tpu.memory_space<hbm>>
        tpu.enqueue_indirect_dma source(%dma_start3A_99 : memref<40000x32xf32, #tpu.memory_space<hbm>>) target(%dma_start3A_93 : memref<128x32xf32, #tpu.memory_space<vmem>>) offsets(%dma_start3A_96 : memref<128xi32, #tpu.memory_space<vmem>>) semaphore(%arg12 : memref<!tpu.dma_semaphore, #tpu.memory_space<semaphore_mem>>)
      } else {
      }
      %dma_wait3A = arith.constant 0 : i32
      %dma_wait3A_65 = arith.constant 0 : i32
      %dma_wait3A_66 = arith.constant 0 : i32
      %dma_wait3A_67 = tpu.memref_slice %arg9[%dma_wait3A, %dma_wait3A_65, %dma_wait3A_66] : memref<2x128x32xf32, #tpu.memory_space<vmem>> -> memref<1x128x32xf32, #tpu.memory_space<vmem>>
      %dma_wait3A_68 = tpu.memref_squeeze %dma_wait3A_67 : memref<1x128x32xf32, #tpu.memory_space<vmem>> -> memref<128x32xf32, #tpu.memory_space<vmem>>
      %dma_wait3A_69 = arith.constant 0 : i32
      %dma_wait3A_70 = tpu.memref_slice %arg7[%mul3A_59, %dma_wait3A_69] : memref<112x128xi32, #tpu.memory_space<vmem>> -> memref<1x128xi32, #tpu.memory_space<vmem>>
      %dma_wait3A_71 = tpu.memref_squeeze %dma_wait3A_70 : memref<1x128xi32, #tpu.memory_space<vmem>> -> memref<128xi32, #tpu.memory_space<vmem>>
      %dma_wait3A_72 = arith.constant 0 : i32
      %dma_wait3A_73 = arith.constant 0 : i32
      %dma_wait3A_74 = tpu.memref_slice %arg2[%dma_wait3A_72, %dma_wait3A_73] : memref<40000x32xf32, #tpu.memory_space<hbm>> -> memref<40000x32xf32, #tpu.memory_space<hbm>>
      tpu.wait_indirect_dma semaphore(%arg11 : memref<!tpu.dma_semaphore, #tpu.memory_space<semaphore_mem>>) src(%dma_wait3A_74 : memref<40000x32xf32, #tpu.memory_space<hbm>>) dst(%dma_wait3A_68 : memref<128x32xf32, #tpu.memory_space<vmem>>)
      %run_scoped3A = arith.constant 0 : i32
      "tpu.region"() ({
        %run_scoped3A_87 = tpu.sem_alloc : memref<!tpu.dma_semaphore, #tpu.memory_space<semaphore_mem>>
        %dma_start3A_88 = arith.constant 0 : i32
        %dma_start3A_89 = arith.constant 0 : i32
        %dma_start3A_90 = tpu.memref_slice %arg9[%run_scoped3A, %dma_start3A_88, %dma_start3A_89] : memref<2x128x32xf32, #tpu.memory_space<vmem>> -> memref<1x128x32xf32, #tpu.memory_space<vmem>>
        %dma_start3A_91 = tpu.memref_squeeze %dma_start3A_90 : memref<1x128x32xf32, #tpu.memory_space<vmem>> -> memref<128x32xf32, #tpu.memory_space<vmem>>
        %dma_start3A_92 = arith.constant 0 : i32
        %dma_start3A_93 = tpu.memref_slice %arg8[%mul3A_59, %dma_start3A_92] : memref<112x128xi32, #tpu.memory_space<vmem>> -> memref<1x128xi32, #tpu.memory_space<vmem>>
        %dma_start3A_94 = tpu.memref_squeeze %dma_start3A_93 : memref<1x128xi32, #tpu.memory_space<vmem>> -> memref<128xi32, #tpu.memory_space<vmem>>
        %dma_start3A_95 = arith.constant 0 : i32
        %dma_start3A_96 = arith.constant 0 : i32
        %dma_start3A_97 = tpu.memref_slice %arg10[%dma_start3A_95, %dma_start3A_96] : memref<10112x32xf32, #tpu.memory_space<vmem_shared>> -> memref<10112x32xf32, #tpu.memory_space<vmem_shared>>
        tpu.enqueue_indirect_dma source(%dma_start3A_91 : memref<128x32xf32, #tpu.memory_space<vmem>>) target(%dma_start3A_97 : memref<10112x32xf32, #tpu.memory_space<vmem_shared>>) offsets(%dma_start3A_94 : memref<128xi32, #tpu.memory_space<vmem>>) semaphore(%run_scoped3A_87 : memref<!tpu.dma_semaphore, #tpu.memory_space<semaphore_mem>>) {add = true}
        %dma_wait3A_98 = arith.constant 0 : i32
        %dma_wait3A_99 = arith.constant 0 : i32
        %dma_wait3A_100 = tpu.memref_slice %arg9[%run_scoped3A, %dma_wait3A_98, %dma_wait3A_99] : memref<2x128x32xf32, #tpu.memory_space<vmem>> -> memref<1x128x32xf32, #tpu.memory_space<vmem>>
        %dma_wait3A_101 = tpu.memref_squeeze %dma_wait3A_100 : memref<1x128x32xf32, #tpu.memory_space<vmem>> -> memref<128x32xf32, #tpu.memory_space<vmem>>
        %dma_wait3A_102 = arith.constant 0 : i32
        %dma_wait3A_103 = tpu.memref_slice %arg8[%mul3A_59, %dma_wait3A_102] : memref<112x128xi32, #tpu.memory_space<vmem>> -> memref<1x128xi32, #tpu.memory_space<vmem>>
        %dma_wait3A_104 = tpu.memref_squeeze %dma_wait3A_103 : memref<1x128xi32, #tpu.memory_space<vmem>> -> memref<128xi32, #tpu.memory_space<vmem>>
        %dma_wait3A_105 = arith.constant 0 : i32
        %dma_wait3A_106 = arith.constant 0 : i32
        %dma_wait3A_107 = tpu.memref_slice %arg10[%dma_wait3A_105, %dma_wait3A_106] : memref<10112x32xf32, #tpu.memory_space<vmem_shared>> -> memref<10112x32xf32, #tpu.memory_space<vmem_shared>>
        tpu.wait_indirect_dma semaphore(%run_scoped3A_87 : memref<!tpu.dma_semaphore, #tpu.memory_space<semaphore_mem>>) src(%dma_wait3A_101 : memref<128x32xf32, #tpu.memory_space<vmem>>) dst(%dma_wait3A_107 : memref<10112x32xf32, #tpu.memory_space<vmem_shared>>)
        tpu.yield
      }) : () -> ()
      %add3A_75 = arith.constant 2 : i32
      %add3A_76 = arith.addi %mul3A_59, %add3A_75 : i32
      %lt3A_77 = arith.cmpi slt, %add3A_76, %select_n3A : i32
      %convert_element_type3A_78 = arith.extui %lt3A_77 : i1 to i32
      %cond3A_79 = arith.constant 0 : i32
      %cond3A_80 = arith.cmpi ne, %convert_element_type3A_78, %cond3A_79 : i32
      scf.if %cond3A_80 {
        %add3A_87 = arith.constant 2 : i32
        %add3A_88 = arith.addi %mul3A_59, %add3A_87 : i32
        %dma_start3A_89 = arith.constant 0 : i32
        %dma_start3A_90 = arith.constant 0 : i32
        %dma_start3A_91 = arith.constant 0 : i32
        %dma_start3A_92 = tpu.memref_slice %arg9[%dma_start3A_89, %dma_start3A_90, %dma_start3A_91] : memref<2x128x32xf32, #tpu.memory_space<vmem>> -> memref<1x128x32xf32, #tpu.memory_space<vmem>>
        %dma_start3A_93 = tpu.memref_squeeze %dma_start3A_92 : memref<1x128x32xf32, #tpu.memory_space<vmem>> -> memref<128x32xf32, #tpu.memory_space<vmem>>
        %dma_start3A_94 = arith.constant 0 : i32
        %dma_start3A_95 = tpu.memref_slice %arg7[%add3A_88, %dma_start3A_94] : memref<112x128xi32, #tpu.memory_space<vmem>> -> memref<1x128xi32, #tpu.memory_space<vmem>>
        %dma_start3A_96 = tpu.memref_squeeze %dma_start3A_95 : memref<1x128xi32, #tpu.memory_space<vmem>> -> memref<128xi32, #tpu.memory_space<vmem>>
        %dma_start3A_97 = arith.constant 0 : i32
        %dma_start3A_98 = arith.constant 0 : i32
        %dma_start3A_99 = tpu.memref_slice %arg2[%dma_start3A_97, %dma_start3A_98] : memref<40000x32xf32, #tpu.memory_space<hbm>> -> memref<40000x32xf32, #tpu.memory_space<hbm>>
        tpu.enqueue_indirect_dma source(%dma_start3A_99 : memref<40000x32xf32, #tpu.memory_space<hbm>>) target(%dma_start3A_93 : memref<128x32xf32, #tpu.memory_space<vmem>>) offsets(%dma_start3A_96 : memref<128xi32, #tpu.memory_space<vmem>>) semaphore(%arg11 : memref<!tpu.dma_semaphore, #tpu.memory_space<semaphore_mem>>)
      } else {
      }
      %add3A_81 = arith.constant 1 : i32
      %add3A_82 = arith.addi %mul3A_59, %add3A_81 : i32
      %lt3A_83 = arith.cmpi slt, %add3A_82, %select_n3A : i32
      %convert_element_type3A_84 = arith.extui %lt3A_83 : i1 to i32
      %cond3A_85 = arith.constant 0 : i32
      %cond3A_86 = arith.cmpi ne, %convert_element_type3A_84, %cond3A_85 : i32
      scf.if %cond3A_86 {
        %add3A_87 = arith.constant 1 : i32
        %add3A_88 = arith.addi %mul3A_59, %add3A_87 : i32
        %dma_wait3A_89 = arith.constant 1 : i32
        %dma_wait3A_90 = arith.constant 0 : i32
        %dma_wait3A_91 = arith.constant 0 : i32
        %dma_wait3A_92 = tpu.memref_slice %arg9[%dma_wait3A_89, %dma_wait3A_90, %dma_wait3A_91] : memref<2x128x32xf32, #tpu.memory_space<vmem>> -> memref<1x128x32xf32, #tpu.memory_space<vmem>>
        %dma_wait3A_93 = tpu.memref_squeeze %dma_wait3A_92 : memref<1x128x32xf32, #tpu.memory_space<vmem>> -> memref<128x32xf32, #tpu.memory_space<vmem>>
        %dma_wait3A_94 = arith.constant 0 : i32
        %dma_wait3A_95 = tpu.memref_slice %arg7[%add3A_88, %dma_wait3A_94] : memref<112x128xi32, #tpu.memory_space<vmem>> -> memref<1x128xi32, #tpu.memory_space<vmem>>
        %dma_wait3A_96 = tpu.memref_squeeze %dma_wait3A_95 : memref<1x128xi32, #tpu.memory_space<vmem>> -> memref<128xi32, #tpu.memory_space<vmem>>
        %dma_wait3A_97 = arith.constant 0 : i32
        %dma_wait3A_98 = arith.constant 0 : i32
        %dma_wait3A_99 = tpu.memref_slice %arg2[%dma_wait3A_97, %dma_wait3A_98] : memref<40000x32xf32, #tpu.memory_space<hbm>> -> memref<40000x32xf32, #tpu.memory_space<hbm>>
        tpu.wait_indirect_dma semaphore(%arg12 : memref<!tpu.dma_semaphore, #tpu.memory_space<semaphore_mem>>) src(%dma_wait3A_99 : memref<40000x32xf32, #tpu.memory_space<hbm>>) dst(%dma_wait3A_93 : memref<128x32xf32, #tpu.memory_space<vmem>>)
        %add3A_100 = arith.constant 1 : i32
        %add3A_101 = arith.addi %mul3A_59, %add3A_100 : i32
        %run_scoped3A_102 = arith.constant 1 : i32
        "tpu.region"() ({
          %run_scoped3A_103 = tpu.sem_alloc : memref<!tpu.dma_semaphore, #tpu.memory_space<semaphore_mem>>
          %dma_start3A_104 = arith.constant 0 : i32
          %dma_start3A_105 = arith.constant 0 : i32
          %dma_start3A_106 = tpu.memref_slice %arg9[%run_scoped3A_102, %dma_start3A_104, %dma_start3A_105] : memref<2x128x32xf32, #tpu.memory_space<vmem>> -> memref<1x128x32xf32, #tpu.memory_space<vmem>>
          %dma_start3A_107 = tpu.memref_squeeze %dma_start3A_106 : memref<1x128x32xf32, #tpu.memory_space<vmem>> -> memref<128x32xf32, #tpu.memory_space<vmem>>
          %dma_start3A_108 = arith.constant 0 : i32
          %dma_start3A_109 = tpu.memref_slice %arg8[%add3A_101, %dma_start3A_108] : memref<112x128xi32, #tpu.memory_space<vmem>> -> memref<1x128xi32, #tpu.memory_space<vmem>>
          %dma_start3A_110 = tpu.memref_squeeze %dma_start3A_109 : memref<1x128xi32, #tpu.memory_space<vmem>> -> memref<128xi32, #tpu.memory_space<vmem>>
          %dma_start3A_111 = arith.constant 0 : i32
          %dma_start3A_112 = arith.constant 0 : i32
          %dma_start3A_113 = tpu.memref_slice %arg10[%dma_start3A_111, %dma_start3A_112] : memref<10112x32xf32, #tpu.memory_space<vmem_shared>> -> memref<10112x32xf32, #tpu.memory_space<vmem_shared>>
          tpu.enqueue_indirect_dma source(%dma_start3A_107 : memref<128x32xf32, #tpu.memory_space<vmem>>) target(%dma_start3A_113 : memref<10112x32xf32, #tpu.memory_space<vmem_shared>>) offsets(%dma_start3A_110 : memref<128xi32, #tpu.memory_space<vmem>>) semaphore(%run_scoped3A_103 : memref<!tpu.dma_semaphore, #tpu.memory_space<semaphore_mem>>) {add = true}
          %dma_wait3A_114 = arith.constant 0 : i32
          %dma_wait3A_115 = arith.constant 0 : i32
          %dma_wait3A_116 = tpu.memref_slice %arg9[%run_scoped3A_102, %dma_wait3A_114, %dma_wait3A_115] : memref<2x128x32xf32, #tpu.memory_space<vmem>> -> memref<1x128x32xf32, #tpu.memory_space<vmem>>
          %dma_wait3A_117 = tpu.memref_squeeze %dma_wait3A_116 : memref<1x128x32xf32, #tpu.memory_space<vmem>> -> memref<128x32xf32, #tpu.memory_space<vmem>>
          %dma_wait3A_118 = arith.constant 0 : i32
          %dma_wait3A_119 = tpu.memref_slice %arg8[%add3A_101, %dma_wait3A_118] : memref<112x128xi32, #tpu.memory_space<vmem>> -> memref<1x128xi32, #tpu.memory_space<vmem>>
          %dma_wait3A_120 = tpu.memref_squeeze %dma_wait3A_119 : memref<1x128xi32, #tpu.memory_space<vmem>> -> memref<128xi32, #tpu.memory_space<vmem>>
          %dma_wait3A_121 = arith.constant 0 : i32
          %dma_wait3A_122 = arith.constant 0 : i32
          %dma_wait3A_123 = tpu.memref_slice %arg10[%dma_wait3A_121, %dma_wait3A_122] : memref<10112x32xf32, #tpu.memory_space<vmem_shared>> -> memref<10112x32xf32, #tpu.memory_space<vmem_shared>>
          tpu.wait_indirect_dma semaphore(%run_scoped3A_103 : memref<!tpu.dma_semaphore, #tpu.memory_space<semaphore_mem>>) src(%dma_wait3A_117 : memref<128x32xf32, #tpu.memory_space<vmem>>) dst(%dma_wait3A_123 : memref<10112x32xf32, #tpu.memory_space<vmem_shared>>)
          tpu.yield
        }) : () -> ()
      } else {
      }
    }
    %barrier3A_52 = arith.constant 0 : index
    tpu.barrier barrier_id(%barrier3A_52)
    %mul3A_53 = arith.constant 632 : i32
    %mul3A_54 = arith.muli %arg1, %mul3A_53 : i32
    %mul3A_55 = arith.constant 632 : i32
    %mul3A_56 = arith.muli %arg1, %mul3A_55 : i32
    "tpu.region"() ({
      %run_scoped3A = tpu.sem_alloc : memref<!tpu.dma_semaphore, #tpu.memory_space<semaphore_mem>>
      %dma_start3A_57 = arith.constant 0 : i32
      %dma_start3A_58 = arith.constant 0 : i32
      %dma_start3A_59 = tpu.memref_slice %arg6[%arg0, %dma_start3A_57, %dma_start3A_58] : memref<2x10112x32xf32, #tpu.memory_space<hbm>> -> memref<1x10112x32xf32, #tpu.memory_space<hbm>>
      %dma_start3A_60 = tpu.memref_squeeze %dma_start3A_59 : memref<1x10112x32xf32, #tpu.memory_space<hbm>> -> memref<10112x32xf32, #tpu.memory_space<hbm>>
      %dma_start3A_61 = arith.constant 0 : i32
      %dma_start3A_62 = tpu.memref_slice %dma_start3A_60[%mul3A_56, %dma_start3A_61] : memref<10112x32xf32, #tpu.memory_space<hbm>> -> memref<632x32xf32, #tpu.memory_space<hbm>>
      %dma_start3A_63 = arith.constant 0 : i32
      %dma_start3A_64 = tpu.memref_slice %arg10[%mul3A_54, %dma_start3A_63] : memref<10112x32xf32, #tpu.memory_space<vmem_shared>> -> memref<632x32xf32, #tpu.memory_space<vmem_shared>>
      tpu.enqueue_dma source(%dma_start3A_64 : memref<632x32xf32, #tpu.memory_space<vmem_shared>>) target(%dma_start3A_62 : memref<632x32xf32, #tpu.memory_space<hbm>>) target_semaphore(%run_scoped3A : memref<!tpu.dma_semaphore, #tpu.memory_space<semaphore_mem>>)
      %dma_wait3A = arith.constant 0 : i32
      %dma_wait3A_65 = arith.constant 0 : i32
      %dma_wait3A_66 = tpu.memref_slice %arg6[%arg0, %dma_wait3A, %dma_wait3A_65] : memref<2x10112x32xf32, #tpu.memory_space<hbm>> -> memref<1x10112x32xf32, #tpu.memory_space<hbm>>
      %dma_wait3A_67 = tpu.memref_squeeze %dma_wait3A_66 : memref<1x10112x32xf32, #tpu.memory_space<hbm>> -> memref<10112x32xf32, #tpu.memory_space<hbm>>
      %dma_wait3A_68 = arith.constant 0 : i32
      %dma_wait3A_69 = tpu.memref_slice %dma_wait3A_67[%mul3A_56, %dma_wait3A_68] : memref<10112x32xf32, #tpu.memory_space<hbm>> -> memref<632x32xf32, #tpu.memory_space<hbm>>
      %dma_wait3A_70 = arith.constant 0 : i32
      %dma_wait3A_71 = tpu.memref_slice %arg10[%mul3A_54, %dma_wait3A_70] : memref<10112x32xf32, #tpu.memory_space<vmem_shared>> -> memref<632x32xf32, #tpu.memory_space<vmem_shared>>
      tpu.wait_dma2 semaphore(%run_scoped3A : memref<!tpu.dma_semaphore, #tpu.memory_space<semaphore_mem>>) src(%dma_wait3A_71 : memref<632x32xf32, #tpu.memory_space<vmem_shared>>) dst(%dma_wait3A_69 : memref<632x32xf32, #tpu.memory_space<hbm>>)
      tpu.yield
    }) : () -> ()
    return
  }
}

#map = affine_map<(d0, d1) -> (0, 0)>
#map1 = affine_map<(d0, d1) -> (0, 0, 0)>
module attributes {stable_mosaic.version = 14 : i64} {
  func.func @_sc_rgcn_body(%arg0: i32, %arg1: i32, %arg2: memref<40000x32xf32, #tpu.memory_space<hbm>>, %arg3: memref<2560x128xi32, #tpu.memory_space<hbm>>, %arg4: memref<2560x128xi32, #tpu.memory_space<hbm>>, %arg5: memref<10112x32xf32, #tpu.memory_space<hbm>>, %arg6: memref<2x10112x32xf32, #tpu.memory_space<hbm>>, %arg7: memref<112x128xi32, #tpu.memory_space<vmem>>, %arg8: memref<112x128xi32, #tpu.memory_space<vmem>>, %arg9: memref<2x128x32xf32, #tpu.memory_space<vmem>>, %arg10: memref<10112x32xf32, #tpu.memory_space<vmem_shared>>, %arg11: memref<!tpu.dma_semaphore, #tpu.memory_space<semaphore_mem>>, %arg12: memref<!tpu.dma_semaphore, #tpu.memory_space<semaphore_mem>>) attributes {dimension_semantics = [#tpu.dimension_semantics<core_parallel>, #tpu.dimension_semantics<subcore_parallel>], iteration_bounds = array<i64: 2, 16>, scalar_prefetch = 0 : i64, scratch_operands = 6 : i64, tpu.core_type = #tpu.core_type<sc_vector_subcore>, window_params = [{transform_indices = #map}, {transform_indices = #map}, {transform_indices = #map}, {transform_indices = #map}, {transform_indices = #map1}]} {
    %mul3A = arith.constant 632 : i32
    %mul3A_0 = arith.muli %arg1, %mul3A : i32
    %mul3A_1 = arith.constant 632 : i32
    %mul3A_2 = arith.muli %arg1, %mul3A_1 : i32
    "tpu.region"() ({
      %run_scoped3A = tpu.sem_alloc : memref<!tpu.dma_semaphore, #tpu.memory_space<semaphore_mem>>
      %dma_start3A_57 = arith.constant 0 : i32
      %dma_start3A_58 = tpu.memref_slice %arg10[%mul3A_2, %dma_start3A_57] : memref<10112x32xf32, #tpu.memory_space<vmem_shared>> -> memref<632x32xf32, #tpu.memory_space<vmem_shared>>
      %dma_start3A_59 = arith.constant 0 : i32
      %dma_start3A_60 = tpu.memref_slice %arg5[%mul3A_0, %dma_start3A_59] : memref<10112x32xf32, #tpu.memory_space<hbm>> -> memref<632x32xf32, #tpu.memory_space<hbm>>
      tpu.enqueue_dma source(%dma_start3A_60 : memref<632x32xf32, #tpu.memory_space<hbm>>) target(%dma_start3A_58 : memref<632x32xf32, #tpu.memory_space<vmem_shared>>) target_semaphore(%run_scoped3A : memref<!tpu.dma_semaphore, #tpu.memory_space<semaphore_mem>>)
      %dma_wait3A = arith.constant 0 : i32
      %dma_wait3A_61 = tpu.memref_slice %arg10[%mul3A_2, %dma_wait3A] : memref<10112x32xf32, #tpu.memory_space<vmem_shared>> -> memref<632x32xf32, #tpu.memory_space<vmem_shared>>
      %dma_wait3A_62 = arith.constant 0 : i32
      %dma_wait3A_63 = tpu.memref_slice %arg5[%mul3A_0, %dma_wait3A_62] : memref<10112x32xf32, #tpu.memory_space<hbm>> -> memref<632x32xf32, #tpu.memory_space<hbm>>
      tpu.wait_dma2 semaphore(%run_scoped3A : memref<!tpu.dma_semaphore, #tpu.memory_space<semaphore_mem>>) src(%dma_wait3A_63 : memref<632x32xf32, #tpu.memory_space<hbm>>) dst(%dma_wait3A_61 : memref<632x32xf32, #tpu.memory_space<vmem_shared>>)
      tpu.yield
    }) : () -> ()
    %eq3A = arith.constant 0 : i32
    %eq3A_3 = arith.cmpi eq, %arg0, %eq3A : i32
    %convert_element_type3A = arith.extui %eq3A_3 : i1 to i32
    %cond3A = arith.constant 0 : i32
    %cond3A_4 = arith.cmpi ne, %convert_element_type3A, %cond3A : i32
    scf.if %cond3A_4 {
      %mul3A_57 = arith.constant 112 : i32
      %mul3A_58 = arith.muli %arg1, %mul3A_57 : i32
      "tpu.region"() ({
        %run_scoped3A = tpu.sem_alloc : memref<!tpu.dma_semaphore, #tpu.memory_space<semaphore_mem>>
        %dma_start3A_61 = arith.constant 0 : i32
        %dma_start3A_62 = arith.constant 0 : i32
        %dma_start3A_63 = tpu.memref_slice %arg7[%dma_start3A_61, %dma_start3A_62] : memref<112x128xi32, #tpu.memory_space<vmem>> -> memref<112x128xi32, #tpu.memory_space<vmem>>
        %dma_start3A_64 = arith.constant 0 : i32
        %dma_start3A_65 = tpu.memref_slice %arg3[%mul3A_58, %dma_start3A_64] : memref<2560x128xi32, #tpu.memory_space<hbm>> -> memref<112x128xi32, #tpu.memory_space<hbm>>
        %dma_start3A_66 = arith.constant 0 : i32
        %dma_start3A_67 = arith.constant 0 : i32
        %dma_start3A_68 = tpu.memref_slice %arg7[%dma_start3A_66, %dma_start3A_67] : memref<112x128xi32, #tpu.memory_space<vmem>> -> memref<112x128xi32, #tpu.memory_space<vmem>>
        %dma_start3A_69 = arith.constant 0 : i32
        %dma_start3A_70 = tpu.memref_slice %arg3[%mul3A_58, %dma_start3A_69] : memref<2560x128xi32, #tpu.memory_space<hbm>> -> memref<112x128xi32, #tpu.memory_space<hbm>>
        tpu.enqueue_dma source(%dma_start3A_70 : memref<112x128xi32, #tpu.memory_space<hbm>>) target(%dma_start3A_68 : memref<112x128xi32, #tpu.memory_space<vmem>>) target_semaphore(%run_scoped3A : memref<!tpu.dma_semaphore, #tpu.memory_space<semaphore_mem>>)
        %dma_wait3A = arith.constant 0 : i32
        %dma_wait3A_71 = arith.constant 0 : i32
        %dma_wait3A_72 = tpu.memref_slice %arg7[%dma_wait3A, %dma_wait3A_71] : memref<112x128xi32, #tpu.memory_space<vmem>> -> memref<112x128xi32, #tpu.memory_space<vmem>>
        %dma_wait3A_73 = arith.constant 0 : i32
        %dma_wait3A_74 = tpu.memref_slice %arg3[%mul3A_58, %dma_wait3A_73] : memref<2560x128xi32, #tpu.memory_space<hbm>> -> memref<112x128xi32, #tpu.memory_space<hbm>>
        %dma_wait3A_75 = arith.constant 0 : i32
        %dma_wait3A_76 = arith.constant 0 : i32
        %dma_wait3A_77 = tpu.memref_slice %arg7[%dma_wait3A_75, %dma_wait3A_76] : memref<112x128xi32, #tpu.memory_space<vmem>> -> memref<112x128xi32, #tpu.memory_space<vmem>>
        %dma_wait3A_78 = arith.constant 0 : i32
        %dma_wait3A_79 = tpu.memref_slice %arg3[%mul3A_58, %dma_wait3A_78] : memref<2560x128xi32, #tpu.memory_space<hbm>> -> memref<112x128xi32, #tpu.memory_space<hbm>>
        tpu.wait_dma2 semaphore(%run_scoped3A : memref<!tpu.dma_semaphore, #tpu.memory_space<semaphore_mem>>) src(%dma_wait3A_79 : memref<112x128xi32, #tpu.memory_space<hbm>>) dst(%dma_wait3A_77 : memref<112x128xi32, #tpu.memory_space<vmem>>)
        tpu.yield
      }) : () -> ()
      %mul3A_59 = arith.constant 112 : i32
      %mul3A_60 = arith.muli %arg1, %mul3A_59 : i32
      "tpu.region"() ({
        %run_scoped3A = tpu.sem_alloc : memref<!tpu.dma_semaphore, #tpu.memory_space<semaphore_mem>>
        %dma_start3A_61 = arith.constant 0 : i32
        %dma_start3A_62 = arith.constant 0 : i32
        %dma_start3A_63 = tpu.memref_slice %arg8[%dma_start3A_61, %dma_start3A_62] : memref<112x128xi32, #tpu.memory_space<vmem>> -> memref<112x128xi32, #tpu.memory_space<vmem>>
        %dma_start3A_64 = arith.constant 0 : i32
        %dma_start3A_65 = tpu.memref_slice %arg4[%mul3A_60, %dma_start3A_64] : memref<2560x128xi32, #tpu.memory_space<hbm>> -> memref<112x128xi32, #tpu.memory_space<hbm>>
        %dma_start3A_66 = arith.constant 0 : i32
        %dma_start3A_67 = arith.constant 0 : i32
        %dma_start3A_68 = tpu.memref_slice %arg8[%dma_start3A_66, %dma_start3A_67] : memref<112x128xi32, #tpu.memory_space<vmem>> -> memref<112x128xi32, #tpu.memory_space<vmem>>
        %dma_start3A_69 = arith.constant 0 : i32
        %dma_start3A_70 = tpu.memref_slice %arg4[%mul3A_60, %dma_start3A_69] : memref<2560x128xi32, #tpu.memory_space<hbm>> -> memref<112x128xi32, #tpu.memory_space<hbm>>
        tpu.enqueue_dma source(%dma_start3A_70 : memref<112x128xi32, #tpu.memory_space<hbm>>) target(%dma_start3A_68 : memref<112x128xi32, #tpu.memory_space<vmem>>) target_semaphore(%run_scoped3A : memref<!tpu.dma_semaphore, #tpu.memory_space<semaphore_mem>>)
        %dma_wait3A = arith.constant 0 : i32
        %dma_wait3A_71 = arith.constant 0 : i32
        %dma_wait3A_72 = tpu.memref_slice %arg8[%dma_wait3A, %dma_wait3A_71] : memref<112x128xi32, #tpu.memory_space<vmem>> -> memref<112x128xi32, #tpu.memory_space<vmem>>
        %dma_wait3A_73 = arith.constant 0 : i32
        %dma_wait3A_74 = tpu.memref_slice %arg4[%mul3A_60, %dma_wait3A_73] : memref<2560x128xi32, #tpu.memory_space<hbm>> -> memref<112x128xi32, #tpu.memory_space<hbm>>
        %dma_wait3A_75 = arith.constant 0 : i32
        %dma_wait3A_76 = arith.constant 0 : i32
        %dma_wait3A_77 = tpu.memref_slice %arg8[%dma_wait3A_75, %dma_wait3A_76] : memref<112x128xi32, #tpu.memory_space<vmem>> -> memref<112x128xi32, #tpu.memory_space<vmem>>
        %dma_wait3A_78 = arith.constant 0 : i32
        %dma_wait3A_79 = tpu.memref_slice %arg4[%mul3A_60, %dma_wait3A_78] : memref<2560x128xi32, #tpu.memory_space<hbm>> -> memref<112x128xi32, #tpu.memory_space<hbm>>
        tpu.wait_dma2 semaphore(%run_scoped3A : memref<!tpu.dma_semaphore, #tpu.memory_space<semaphore_mem>>) src(%dma_wait3A_79 : memref<112x128xi32, #tpu.memory_space<hbm>>) dst(%dma_wait3A_77 : memref<112x128xi32, #tpu.memory_space<vmem>>)
        tpu.yield
      }) : () -> ()
    } else {
    }
    %eq3A_5 = arith.constant 1 : i32
    %eq3A_6 = arith.cmpi eq, %arg0, %eq3A_5 : i32
    %convert_element_type3A_7 = arith.extui %eq3A_6 : i1 to i32
    %cond3A_8 = arith.constant 0 : i32
    %cond3A_9 = arith.cmpi ne, %convert_element_type3A_7, %cond3A_8 : i32
    scf.if %cond3A_9 {
      %mul3A_57 = arith.constant 48 : i32
      %mul3A_58 = arith.muli %arg1, %mul3A_57 : i32
      %add3A_59 = arith.constant 1792 : i32
      %add3A_60 = arith.addi %add3A_59, %mul3A_58 : i32
      "tpu.region"() ({
        %run_scoped3A = tpu.sem_alloc : memref<!tpu.dma_semaphore, #tpu.memory_space<semaphore_mem>>
        %dma_start3A_65 = arith.constant 0 : i32
        %dma_start3A_66 = arith.constant 0 : i32
        %dma_start3A_67 = tpu.memref_slice %arg7[%dma_start3A_65, %dma_start3A_66] : memref<112x128xi32, #tpu.memory_space<vmem>> -> memref<48x128xi32, #tpu.memory_space<vmem>>
        %dma_start3A_68 = arith.constant 0 : i32
        %dma_start3A_69 = tpu.memref_slice %arg3[%add3A_60, %dma_start3A_68] : memref<2560x128xi32, #tpu.memory_space<hbm>> -> memref<48x128xi32, #tpu.memory_space<hbm>>
        %dma_start3A_70 = arith.constant 0 : i32
        %dma_start3A_71 = arith.constant 0 : i32
        %dma_start3A_72 = tpu.memref_slice %arg7[%dma_start3A_70, %dma_start3A_71] : memref<112x128xi32, #tpu.memory_space<vmem>> -> memref<48x128xi32, #tpu.memory_space<vmem>>
        %dma_start3A_73 = arith.constant 0 : i32
        %dma_start3A_74 = tpu.memref_slice %arg3[%add3A_60, %dma_start3A_73] : memref<2560x128xi32, #tpu.memory_space<hbm>> -> memref<48x128xi32, #tpu.memory_space<hbm>>
        tpu.enqueue_dma source(%dma_start3A_74 : memref<48x128xi32, #tpu.memory_space<hbm>>) target(%dma_start3A_72 : memref<48x128xi32, #tpu.memory_space<vmem>>) target_semaphore(%run_scoped3A : memref<!tpu.dma_semaphore, #tpu.memory_space<semaphore_mem>>)
        %dma_wait3A = arith.constant 0 : i32
        %dma_wait3A_75 = arith.constant 0 : i32
        %dma_wait3A_76 = tpu.memref_slice %arg7[%dma_wait3A, %dma_wait3A_75] : memref<112x128xi32, #tpu.memory_space<vmem>> -> memref<48x128xi32, #tpu.memory_space<vmem>>
        %dma_wait3A_77 = arith.constant 0 : i32
        %dma_wait3A_78 = tpu.memref_slice %arg3[%add3A_60, %dma_wait3A_77] : memref<2560x128xi32, #tpu.memory_space<hbm>> -> memref<48x128xi32, #tpu.memory_space<hbm>>
        %dma_wait3A_79 = arith.constant 0 : i32
        %dma_wait3A_80 = arith.constant 0 : i32
        %dma_wait3A_81 = tpu.memref_slice %arg7[%dma_wait3A_79, %dma_wait3A_80] : memref<112x128xi32, #tpu.memory_space<vmem>> -> memref<48x128xi32, #tpu.memory_space<vmem>>
        %dma_wait3A_82 = arith.constant 0 : i32
        %dma_wait3A_83 = tpu.memref_slice %arg3[%add3A_60, %dma_wait3A_82] : memref<2560x128xi32, #tpu.memory_space<hbm>> -> memref<48x128xi32, #tpu.memory_space<hbm>>
        tpu.wait_dma2 semaphore(%run_scoped3A : memref<!tpu.dma_semaphore, #tpu.memory_space<semaphore_mem>>) src(%dma_wait3A_83 : memref<48x128xi32, #tpu.memory_space<hbm>>) dst(%dma_wait3A_81 : memref<48x128xi32, #tpu.memory_space<vmem>>)
        tpu.yield
      }) : () -> ()
      %mul3A_61 = arith.constant 48 : i32
      %mul3A_62 = arith.muli %arg1, %mul3A_61 : i32
      %add3A_63 = arith.constant 1792 : i32
      %add3A_64 = arith.addi %add3A_63, %mul3A_62 : i32
      "tpu.region"() ({
        %run_scoped3A = tpu.sem_alloc : memref<!tpu.dma_semaphore, #tpu.memory_space<semaphore_mem>>
        %dma_start3A_65 = arith.constant 0 : i32
        %dma_start3A_66 = arith.constant 0 : i32
        %dma_start3A_67 = tpu.memref_slice %arg8[%dma_start3A_65, %dma_start3A_66] : memref<112x128xi32, #tpu.memory_space<vmem>> -> memref<48x128xi32, #tpu.memory_space<vmem>>
        %dma_start3A_68 = arith.constant 0 : i32
        %dma_start3A_69 = tpu.memref_slice %arg4[%add3A_64, %dma_start3A_68] : memref<2560x128xi32, #tpu.memory_space<hbm>> -> memref<48x128xi32, #tpu.memory_space<hbm>>
        %dma_start3A_70 = arith.constant 0 : i32
        %dma_start3A_71 = arith.constant 0 : i32
        %dma_start3A_72 = tpu.memref_slice %arg8[%dma_start3A_70, %dma_start3A_71] : memref<112x128xi32, #tpu.memory_space<vmem>> -> memref<48x128xi32, #tpu.memory_space<vmem>>
        %dma_start3A_73 = arith.constant 0 : i32
        %dma_start3A_74 = tpu.memref_slice %arg4[%add3A_64, %dma_start3A_73] : memref<2560x128xi32, #tpu.memory_space<hbm>> -> memref<48x128xi32, #tpu.memory_space<hbm>>
        tpu.enqueue_dma source(%dma_start3A_74 : memref<48x128xi32, #tpu.memory_space<hbm>>) target(%dma_start3A_72 : memref<48x128xi32, #tpu.memory_space<vmem>>) target_semaphore(%run_scoped3A : memref<!tpu.dma_semaphore, #tpu.memory_space<semaphore_mem>>)
        %dma_wait3A = arith.constant 0 : i32
        %dma_wait3A_75 = arith.constant 0 : i32
        %dma_wait3A_76 = tpu.memref_slice %arg8[%dma_wait3A, %dma_wait3A_75] : memref<112x128xi32, #tpu.memory_space<vmem>> -> memref<48x128xi32, #tpu.memory_space<vmem>>
        %dma_wait3A_77 = arith.constant 0 : i32
        %dma_wait3A_78 = tpu.memref_slice %arg4[%add3A_64, %dma_wait3A_77] : memref<2560x128xi32, #tpu.memory_space<hbm>> -> memref<48x128xi32, #tpu.memory_space<hbm>>
        %dma_wait3A_79 = arith.constant 0 : i32
        %dma_wait3A_80 = arith.constant 0 : i32
        %dma_wait3A_81 = tpu.memref_slice %arg8[%dma_wait3A_79, %dma_wait3A_80] : memref<112x128xi32, #tpu.memory_space<vmem>> -> memref<48x128xi32, #tpu.memory_space<vmem>>
        %dma_wait3A_82 = arith.constant 0 : i32
        %dma_wait3A_83 = tpu.memref_slice %arg4[%add3A_64, %dma_wait3A_82] : memref<2560x128xi32, #tpu.memory_space<hbm>> -> memref<48x128xi32, #tpu.memory_space<hbm>>
        tpu.wait_dma2 semaphore(%run_scoped3A : memref<!tpu.dma_semaphore, #tpu.memory_space<semaphore_mem>>) src(%dma_wait3A_83 : memref<48x128xi32, #tpu.memory_space<hbm>>) dst(%dma_wait3A_81 : memref<48x128xi32, #tpu.memory_space<vmem>>)
        tpu.yield
      }) : () -> ()
    } else {
    }
    %barrier3A = arith.constant 0 : index
    tpu.barrier barrier_id(%barrier3A)
    %eq3A_10 = arith.constant 0 : i32
    %eq3A_11 = arith.cmpi eq, %arg0, %eq3A_10 : i32
    %jit3A = arith.constant 112 : i32
    %jit3A_12 = arith.constant 48 : i32
    %select_n3A = arith.select %eq3A_11, %jit3A, %jit3A_12 : i32
    %dma_start3A = arith.constant 0 : i32
    %dma_start3A_13 = arith.constant 0 : i32
    %dma_start3A_14 = arith.constant 0 : i32
    %dma_start3A_15 = arith.constant 0 : i32
    %dma_start3A_16 = tpu.memref_slice %arg9[%dma_start3A_13, %dma_start3A_14, %dma_start3A_15] : memref<2x128x32xf32, #tpu.memory_space<vmem>> -> memref<1x128x32xf32, #tpu.memory_space<vmem>>
    %dma_start3A_17 = tpu.memref_squeeze %dma_start3A_16 : memref<1x128x32xf32, #tpu.memory_space<vmem>> -> memref<128x32xf32, #tpu.memory_space<vmem>>
    %dma_start3A_18 = arith.constant 0 : i32
    %dma_start3A_19 = tpu.memref_slice %arg7[%dma_start3A, %dma_start3A_18] : memref<112x128xi32, #tpu.memory_space<vmem>> -> memref<1x128xi32, #tpu.memory_space<vmem>>
    %dma_start3A_20 = tpu.memref_squeeze %dma_start3A_19 : memref<1x128xi32, #tpu.memory_space<vmem>> -> memref<128xi32, #tpu.memory_space<vmem>>
    %dma_start3A_21 = arith.constant 0 : i32
    %dma_start3A_22 = arith.constant 0 : i32
    %dma_start3A_23 = tpu.memref_slice %arg2[%dma_start3A_21, %dma_start3A_22] : memref<40000x32xf32, #tpu.memory_space<hbm>> -> memref<40000x32xf32, #tpu.memory_space<hbm>>
    tpu.enqueue_indirect_dma source(%dma_start3A_23 : memref<40000x32xf32, #tpu.memory_space<hbm>>) target(%dma_start3A_17 : memref<128x32xf32, #tpu.memory_space<vmem>>) offsets(%dma_start3A_20 : memref<128xi32, #tpu.memory_space<vmem>>) semaphore(%arg11 : memref<!tpu.dma_semaphore, #tpu.memory_space<semaphore_mem>>)
    %add3A = arith.constant 1 : i32
    %add3A_24 = arith.addi %select_n3A, %add3A : i32
    %jit3A_25 = arith.constant 2 : i32
    %div3A = arith.divsi %add3A_24, %jit3A_25 : i32
    %sign3A = arith.constant 0 : i32
    %sign3A_26 = arith.cmpi sgt, %add3A_24, %sign3A : i32
    %sign3A_27 = arith.extui %sign3A_26 : i1 to i32
    %sign3A_28 = arith.constant 0 : i32
    %sign3A_29 = arith.cmpi slt, %add3A_24, %sign3A_28 : i32
    %sign3A_30 = arith.extui %sign3A_29 : i1 to i32
    %sign3A_31 = arith.subi %sign3A_27, %sign3A_30 : i32
    %sign3A_32 = arith.constant 0 : i32
    %sign3A_33 = arith.cmpi sgt, %jit3A_25, %sign3A_32 : i32
    %sign3A_34 = arith.extui %sign3A_33 : i1 to i32
    %sign3A_35 = arith.constant 0 : i32
    %sign3A_36 = arith.cmpi slt, %jit3A_25, %sign3A_35 : i32
    %sign3A_37 = arith.extui %sign3A_36 : i1 to i32
    %sign3A_38 = arith.subi %sign3A_34, %sign3A_37 : i32
    %ne3A = arith.cmpi ne, %sign3A_31, %sign3A_38 : i32
    %rem3A = arith.remsi %add3A_24, %jit3A_25 : i32
    %ne3A_39 = arith.constant 0 : i32
    %ne3A_40 = arith.cmpi ne, %rem3A, %ne3A_39 : i32
    %and3A = arith.andi %ne3A, %ne3A_40 : i1
    %sub3A = arith.constant 1 : i32
    %sub3A_41 = arith.subi %div3A, %sub3A : i32
    %select_n3A_42 = arith.select %and3A, %sub3A_41, %div3A : i32
    %while3A = arith.constant 0 : i32
    %while3A_43 = arith.constant 0 : i32
    %while3A_44 = arith.subi %select_n3A_42, %while3A_43 : i32
    %while3A_45 = arith.addi %while3A_43, %while3A_44 : i32
    %while3A_46 = arith.constant 1 : i32
    %while3A_47 = arith.divsi %while3A_44, %while3A_46 : i32
    %while3A_48 = arith.muli %while3A_47, %while3A_46 : i32
    %while3A_49 = arith.addi %while3A_43, %while3A_48 : i32
    %while3A_50 = arith.constant 1 : i32
    scf.for %while3A_57 = %while3A_43 to %while3A_49 step %while3A_50  : i32 {
      %mul3A_58 = arith.constant 2 : i32
      %mul3A_59 = arith.muli %mul3A_58, %while3A_57 : i32
      %add3A_60 = arith.constant 1 : i32
      %add3A_61 = arith.addi %mul3A_59, %add3A_60 : i32
      %lt3A = arith.cmpi slt, %add3A_61, %select_n3A : i32
      %convert_element_type3A_62 = arith.extui %lt3A : i1 to i32
      %cond3A_63 = arith.constant 0 : i32
      %cond3A_64 = arith.cmpi ne, %convert_element_type3A_62, %cond3A_63 : i32
      scf.if %cond3A_64 {
        %add3A_87 = arith.constant 1 : i32
        %add3A_88 = arith.addi %mul3A_59, %add3A_87 : i32
        %dma_start3A_89 = arith.constant 1 : i32
        %dma_start3A_90 = arith.constant 0 : i32
        %dma_start3A_91 = arith.constant 0 : i32
        %dma_start3A_92 = tpu.memref_slice %arg9[%dma_start3A_89, %dma_start3A_90, %dma_start3A_91] : memref<2x128x32xf32, #tpu.memory_space<vmem>> -> memref<1x128x32xf32, #tpu.memory_space<vmem>>
        %dma_start3A_93 = tpu.memref_squeeze %dma_start3A_92 : memref<1x128x32xf32, #tpu.memory_space<vmem>> -> memref<128x32xf32, #tpu.memory_space<vmem>>
        %dma_start3A_94 = arith.constant 0 : i32
        %dma_start3A_95 = tpu.memref_slice %arg7[%add3A_88, %dma_start3A_94] : memref<112x128xi32, #tpu.memory_space<vmem>> -> memref<1x128xi32, #tpu.memory_space<vmem>>
        %dma_start3A_96 = tpu.memref_squeeze %dma_start3A_95 : memref<1x128xi32, #tpu.memory_space<vmem>> -> memref<128xi32, #tpu.memory_space<vmem>>
        %dma_start3A_97 = arith.constant 0 : i32
        %dma_start3A_98 = arith.constant 0 : i32
        %dma_start3A_99 = tpu.memref_slice %arg2[%dma_start3A_97, %dma_start3A_98] : memref<40000x32xf32, #tpu.memory_space<hbm>> -> memref<40000x32xf32, #tpu.memory_space<hbm>>
        tpu.enqueue_indirect_dma source(%dma_start3A_99 : memref<40000x32xf32, #tpu.memory_space<hbm>>) target(%dma_start3A_93 : memref<128x32xf32, #tpu.memory_space<vmem>>) offsets(%dma_start3A_96 : memref<128xi32, #tpu.memory_space<vmem>>) semaphore(%arg12 : memref<!tpu.dma_semaphore, #tpu.memory_space<semaphore_mem>>)
      } else {
      }
      %dma_wait3A = arith.constant 0 : i32
      %dma_wait3A_65 = arith.constant 0 : i32
      %dma_wait3A_66 = arith.constant 0 : i32
      %dma_wait3A_67 = tpu.memref_slice %arg9[%dma_wait3A, %dma_wait3A_65, %dma_wait3A_66] : memref<2x128x32xf32, #tpu.memory_space<vmem>> -> memref<1x128x32xf32, #tpu.memory_space<vmem>>
      %dma_wait3A_68 = tpu.memref_squeeze %dma_wait3A_67 : memref<1x128x32xf32, #tpu.memory_space<vmem>> -> memref<128x32xf32, #tpu.memory_space<vmem>>
      %dma_wait3A_69 = arith.constant 0 : i32
      %dma_wait3A_70 = tpu.memref_slice %arg7[%mul3A_59, %dma_wait3A_69] : memref<112x128xi32, #tpu.memory_space<vmem>> -> memref<1x128xi32, #tpu.memory_space<vmem>>
      %dma_wait3A_71 = tpu.memref_squeeze %dma_wait3A_70 : memref<1x128xi32, #tpu.memory_space<vmem>> -> memref<128xi32, #tpu.memory_space<vmem>>
      %dma_wait3A_72 = arith.constant 0 : i32
      %dma_wait3A_73 = arith.constant 0 : i32
      %dma_wait3A_74 = tpu.memref_slice %arg2[%dma_wait3A_72, %dma_wait3A_73] : memref<40000x32xf32, #tpu.memory_space<hbm>> -> memref<40000x32xf32, #tpu.memory_space<hbm>>
      tpu.wait_indirect_dma semaphore(%arg11 : memref<!tpu.dma_semaphore, #tpu.memory_space<semaphore_mem>>) src(%dma_wait3A_74 : memref<40000x32xf32, #tpu.memory_space<hbm>>) dst(%dma_wait3A_68 : memref<128x32xf32, #tpu.memory_space<vmem>>)
      %run_scoped3A = arith.constant 0 : i32
      "tpu.region"() ({
        %run_scoped3A_87 = tpu.sem_alloc : memref<!tpu.dma_semaphore, #tpu.memory_space<semaphore_mem>>
        %dma_start3A_88 = arith.constant 0 : i32
        %dma_start3A_89 = arith.constant 0 : i32
        %dma_start3A_90 = tpu.memref_slice %arg9[%run_scoped3A, %dma_start3A_88, %dma_start3A_89] : memref<2x128x32xf32, #tpu.memory_space<vmem>> -> memref<1x128x32xf32, #tpu.memory_space<vmem>>
        %dma_start3A_91 = tpu.memref_squeeze %dma_start3A_90 : memref<1x128x32xf32, #tpu.memory_space<vmem>> -> memref<128x32xf32, #tpu.memory_space<vmem>>
        %dma_start3A_92 = arith.constant 0 : i32
        %dma_start3A_93 = tpu.memref_slice %arg8[%mul3A_59, %dma_start3A_92] : memref<112x128xi32, #tpu.memory_space<vmem>> -> memref<1x128xi32, #tpu.memory_space<vmem>>
        %dma_start3A_94 = tpu.memref_squeeze %dma_start3A_93 : memref<1x128xi32, #tpu.memory_space<vmem>> -> memref<128xi32, #tpu.memory_space<vmem>>
        %dma_start3A_95 = arith.constant 0 : i32
        %dma_start3A_96 = arith.constant 0 : i32
        %dma_start3A_97 = tpu.memref_slice %arg10[%dma_start3A_95, %dma_start3A_96] : memref<10112x32xf32, #tpu.memory_space<vmem_shared>> -> memref<10112x32xf32, #tpu.memory_space<vmem_shared>>
        tpu.enqueue_indirect_dma source(%dma_start3A_91 : memref<128x32xf32, #tpu.memory_space<vmem>>) target(%dma_start3A_97 : memref<10112x32xf32, #tpu.memory_space<vmem_shared>>) offsets(%dma_start3A_94 : memref<128xi32, #tpu.memory_space<vmem>>) semaphore(%run_scoped3A_87 : memref<!tpu.dma_semaphore, #tpu.memory_space<semaphore_mem>>) {add = true}
        %dma_wait3A_98 = arith.constant 0 : i32
        %dma_wait3A_99 = arith.constant 0 : i32
        %dma_wait3A_100 = tpu.memref_slice %arg9[%run_scoped3A, %dma_wait3A_98, %dma_wait3A_99] : memref<2x128x32xf32, #tpu.memory_space<vmem>> -> memref<1x128x32xf32, #tpu.memory_space<vmem>>
        %dma_wait3A_101 = tpu.memref_squeeze %dma_wait3A_100 : memref<1x128x32xf32, #tpu.memory_space<vmem>> -> memref<128x32xf32, #tpu.memory_space<vmem>>
        %dma_wait3A_102 = arith.constant 0 : i32
        %dma_wait3A_103 = tpu.memref_slice %arg8[%mul3A_59, %dma_wait3A_102] : memref<112x128xi32, #tpu.memory_space<vmem>> -> memref<1x128xi32, #tpu.memory_space<vmem>>
        %dma_wait3A_104 = tpu.memref_squeeze %dma_wait3A_103 : memref<1x128xi32, #tpu.memory_space<vmem>> -> memref<128xi32, #tpu.memory_space<vmem>>
        %dma_wait3A_105 = arith.constant 0 : i32
        %dma_wait3A_106 = arith.constant 0 : i32
        %dma_wait3A_107 = tpu.memref_slice %arg10[%dma_wait3A_105, %dma_wait3A_106] : memref<10112x32xf32, #tpu.memory_space<vmem_shared>> -> memref<10112x32xf32, #tpu.memory_space<vmem_shared>>
        tpu.wait_indirect_dma semaphore(%run_scoped3A_87 : memref<!tpu.dma_semaphore, #tpu.memory_space<semaphore_mem>>) src(%dma_wait3A_101 : memref<128x32xf32, #tpu.memory_space<vmem>>) dst(%dma_wait3A_107 : memref<10112x32xf32, #tpu.memory_space<vmem_shared>>)
        tpu.yield
      }) : () -> ()
      %add3A_75 = arith.constant 2 : i32
      %add3A_76 = arith.addi %mul3A_59, %add3A_75 : i32
      %lt3A_77 = arith.cmpi slt, %add3A_76, %select_n3A : i32
      %convert_element_type3A_78 = arith.extui %lt3A_77 : i1 to i32
      %cond3A_79 = arith.constant 0 : i32
      %cond3A_80 = arith.cmpi ne, %convert_element_type3A_78, %cond3A_79 : i32
      scf.if %cond3A_80 {
        %add3A_87 = arith.constant 2 : i32
        %add3A_88 = arith.addi %mul3A_59, %add3A_87 : i32
        %dma_start3A_89 = arith.constant 0 : i32
        %dma_start3A_90 = arith.constant 0 : i32
        %dma_start3A_91 = arith.constant 0 : i32
        %dma_start3A_92 = tpu.memref_slice %arg9[%dma_start3A_89, %dma_start3A_90, %dma_start3A_91] : memref<2x128x32xf32, #tpu.memory_space<vmem>> -> memref<1x128x32xf32, #tpu.memory_space<vmem>>
        %dma_start3A_93 = tpu.memref_squeeze %dma_start3A_92 : memref<1x128x32xf32, #tpu.memory_space<vmem>> -> memref<128x32xf32, #tpu.memory_space<vmem>>
        %dma_start3A_94 = arith.constant 0 : i32
        %dma_start3A_95 = tpu.memref_slice %arg7[%add3A_88, %dma_start3A_94] : memref<112x128xi32, #tpu.memory_space<vmem>> -> memref<1x128xi32, #tpu.memory_space<vmem>>
        %dma_start3A_96 = tpu.memref_squeeze %dma_start3A_95 : memref<1x128xi32, #tpu.memory_space<vmem>> -> memref<128xi32, #tpu.memory_space<vmem>>
        %dma_start3A_97 = arith.constant 0 : i32
        %dma_start3A_98 = arith.constant 0 : i32
        %dma_start3A_99 = tpu.memref_slice %arg2[%dma_start3A_97, %dma_start3A_98] : memref<40000x32xf32, #tpu.memory_space<hbm>> -> memref<40000x32xf32, #tpu.memory_space<hbm>>
        tpu.enqueue_indirect_dma source(%dma_start3A_99 : memref<40000x32xf32, #tpu.memory_space<hbm>>) target(%dma_start3A_93 : memref<128x32xf32, #tpu.memory_space<vmem>>) offsets(%dma_start3A_96 : memref<128xi32, #tpu.memory_space<vmem>>) semaphore(%arg11 : memref<!tpu.dma_semaphore, #tpu.memory_space<semaphore_mem>>)
      } else {
      }
      %add3A_81 = arith.constant 1 : i32
      %add3A_82 = arith.addi %mul3A_59, %add3A_81 : i32
      %lt3A_83 = arith.cmpi slt, %add3A_82, %select_n3A : i32
      %convert_element_type3A_84 = arith.extui %lt3A_83 : i1 to i32
      %cond3A_85 = arith.constant 0 : i32
      %cond3A_86 = arith.cmpi ne, %convert_element_type3A_84, %cond3A_85 : i32
      scf.if %cond3A_86 {
        %add3A_87 = arith.constant 1 : i32
        %add3A_88 = arith.addi %mul3A_59, %add3A_87 : i32
        %dma_wait3A_89 = arith.constant 1 : i32
        %dma_wait3A_90 = arith.constant 0 : i32
        %dma_wait3A_91 = arith.constant 0 : i32
        %dma_wait3A_92 = tpu.memref_slice %arg9[%dma_wait3A_89, %dma_wait3A_90, %dma_wait3A_91] : memref<2x128x32xf32, #tpu.memory_space<vmem>> -> memref<1x128x32xf32, #tpu.memory_space<vmem>>
        %dma_wait3A_93 = tpu.memref_squeeze %dma_wait3A_92 : memref<1x128x32xf32, #tpu.memory_space<vmem>> -> memref<128x32xf32, #tpu.memory_space<vmem>>
        %dma_wait3A_94 = arith.constant 0 : i32
        %dma_wait3A_95 = tpu.memref_slice %arg7[%add3A_88, %dma_wait3A_94] : memref<112x128xi32, #tpu.memory_space<vmem>> -> memref<1x128xi32, #tpu.memory_space<vmem>>
        %dma_wait3A_96 = tpu.memref_squeeze %dma_wait3A_95 : memref<1x128xi32, #tpu.memory_space<vmem>> -> memref<128xi32, #tpu.memory_space<vmem>>
        %dma_wait3A_97 = arith.constant 0 : i32
        %dma_wait3A_98 = arith.constant 0 : i32
        %dma_wait3A_99 = tpu.memref_slice %arg2[%dma_wait3A_97, %dma_wait3A_98] : memref<40000x32xf32, #tpu.memory_space<hbm>> -> memref<40000x32xf32, #tpu.memory_space<hbm>>
        tpu.wait_indirect_dma semaphore(%arg12 : memref<!tpu.dma_semaphore, #tpu.memory_space<semaphore_mem>>) src(%dma_wait3A_99 : memref<40000x32xf32, #tpu.memory_space<hbm>>) dst(%dma_wait3A_93 : memref<128x32xf32, #tpu.memory_space<vmem>>)
        %add3A_100 = arith.constant 1 : i32
        %add3A_101 = arith.addi %mul3A_59, %add3A_100 : i32
        %run_scoped3A_102 = arith.constant 1 : i32
        "tpu.region"() ({
          %run_scoped3A_103 = tpu.sem_alloc : memref<!tpu.dma_semaphore, #tpu.memory_space<semaphore_mem>>
          %dma_start3A_104 = arith.constant 0 : i32
          %dma_start3A_105 = arith.constant 0 : i32
          %dma_start3A_106 = tpu.memref_slice %arg9[%run_scoped3A_102, %dma_start3A_104, %dma_start3A_105] : memref<2x128x32xf32, #tpu.memory_space<vmem>> -> memref<1x128x32xf32, #tpu.memory_space<vmem>>
          %dma_start3A_107 = tpu.memref_squeeze %dma_start3A_106 : memref<1x128x32xf32, #tpu.memory_space<vmem>> -> memref<128x32xf32, #tpu.memory_space<vmem>>
          %dma_start3A_108 = arith.constant 0 : i32
          %dma_start3A_109 = tpu.memref_slice %arg8[%add3A_101, %dma_start3A_108] : memref<112x128xi32, #tpu.memory_space<vmem>> -> memref<1x128xi32, #tpu.memory_space<vmem>>
          %dma_start3A_110 = tpu.memref_squeeze %dma_start3A_109 : memref<1x128xi32, #tpu.memory_space<vmem>> -> memref<128xi32, #tpu.memory_space<vmem>>
          %dma_start3A_111 = arith.constant 0 : i32
          %dma_start3A_112 = arith.constant 0 : i32
          %dma_start3A_113 = tpu.memref_slice %arg10[%dma_start3A_111, %dma_start3A_112] : memref<10112x32xf32, #tpu.memory_space<vmem_shared>> -> memref<10112x32xf32, #tpu.memory_space<vmem_shared>>
          tpu.enqueue_indirect_dma source(%dma_start3A_107 : memref<128x32xf32, #tpu.memory_space<vmem>>) target(%dma_start3A_113 : memref<10112x32xf32, #tpu.memory_space<vmem_shared>>) offsets(%dma_start3A_110 : memref<128xi32, #tpu.memory_space<vmem>>) semaphore(%run_scoped3A_103 : memref<!tpu.dma_semaphore, #tpu.memory_space<semaphore_mem>>) {add = true}
          %dma_wait3A_114 = arith.constant 0 : i32
          %dma_wait3A_115 = arith.constant 0 : i32
          %dma_wait3A_116 = tpu.memref_slice %arg9[%run_scoped3A_102, %dma_wait3A_114, %dma_wait3A_115] : memref<2x128x32xf32, #tpu.memory_space<vmem>> -> memref<1x128x32xf32, #tpu.memory_space<vmem>>
          %dma_wait3A_117 = tpu.memref_squeeze %dma_wait3A_116 : memref<1x128x32xf32, #tpu.memory_space<vmem>> -> memref<128x32xf32, #tpu.memory_space<vmem>>
          %dma_wait3A_118 = arith.constant 0 : i32
          %dma_wait3A_119 = tpu.memref_slice %arg8[%add3A_101, %dma_wait3A_118] : memref<112x128xi32, #tpu.memory_space<vmem>> -> memref<1x128xi32, #tpu.memory_space<vmem>>
          %dma_wait3A_120 = tpu.memref_squeeze %dma_wait3A_119 : memref<1x128xi32, #tpu.memory_space<vmem>> -> memref<128xi32, #tpu.memory_space<vmem>>
          %dma_wait3A_121 = arith.constant 0 : i32
          %dma_wait3A_122 = arith.constant 0 : i32
          %dma_wait3A_123 = tpu.memref_slice %arg10[%dma_wait3A_121, %dma_wait3A_122] : memref<10112x32xf32, #tpu.memory_space<vmem_shared>> -> memref<10112x32xf32, #tpu.memory_space<vmem_shared>>
          tpu.wait_indirect_dma semaphore(%run_scoped3A_103 : memref<!tpu.dma_semaphore, #tpu.memory_space<semaphore_mem>>) src(%dma_wait3A_117 : memref<128x32xf32, #tpu.memory_space<vmem>>) dst(%dma_wait3A_123 : memref<10112x32xf32, #tpu.memory_space<vmem_shared>>)
          tpu.yield
        }) : () -> ()
      } else {
      }
    }
    %while3A_51 = arith.constant 1 : i32
    scf.for %while3A_57 = %while3A_49 to %while3A_45 step %while3A_51  : i32 {
      %mul3A_58 = arith.constant 2 : i32
      %mul3A_59 = arith.muli %mul3A_58, %while3A_57 : i32
      %add3A_60 = arith.constant 1 : i32
      %add3A_61 = arith.addi %mul3A_59, %add3A_60 : i32
      %lt3A = arith.cmpi slt, %add3A_61, %select_n3A : i32
      %convert_element_type3A_62 = arith.extui %lt3A : i1 to i32
      %cond3A_63 = arith.constant 0 : i32
      %cond3A_64 = arith.cmpi ne, %convert_element_type3A_62, %cond3A_63 : i32
      scf.if %cond3A_64 {
        %add3A_87 = arith.constant 1 : i32
        %add3A_88 = arith.addi %mul3A_59, %add3A_87 : i32
        %dma_start3A_89 = arith.constant 1 : i32
        %dma_start3A_90 = arith.constant 0 : i32
        %dma_start3A_91 = arith.constant 0 : i32
        %dma_start3A_92 = tpu.memref_slice %arg9[%dma_start3A_89, %dma_start3A_90, %dma_start3A_91] : memref<2x128x32xf32, #tpu.memory_space<vmem>> -> memref<1x128x32xf32, #tpu.memory_space<vmem>>
        %dma_start3A_93 = tpu.memref_squeeze %dma_start3A_92 : memref<1x128x32xf32, #tpu.memory_space<vmem>> -> memref<128x32xf32, #tpu.memory_space<vmem>>
        %dma_start3A_94 = arith.constant 0 : i32
        %dma_start3A_95 = tpu.memref_slice %arg7[%add3A_88, %dma_start3A_94] : memref<112x128xi32, #tpu.memory_space<vmem>> -> memref<1x128xi32, #tpu.memory_space<vmem>>
        %dma_start3A_96 = tpu.memref_squeeze %dma_start3A_95 : memref<1x128xi32, #tpu.memory_space<vmem>> -> memref<128xi32, #tpu.memory_space<vmem>>
        %dma_start3A_97 = arith.constant 0 : i32
        %dma_start3A_98 = arith.constant 0 : i32
        %dma_start3A_99 = tpu.memref_slice %arg2[%dma_start3A_97, %dma_start3A_98] : memref<40000x32xf32, #tpu.memory_space<hbm>> -> memref<40000x32xf32, #tpu.memory_space<hbm>>
        tpu.enqueue_indirect_dma source(%dma_start3A_99 : memref<40000x32xf32, #tpu.memory_space<hbm>>) target(%dma_start3A_93 : memref<128x32xf32, #tpu.memory_space<vmem>>) offsets(%dma_start3A_96 : memref<128xi32, #tpu.memory_space<vmem>>) semaphore(%arg12 : memref<!tpu.dma_semaphore, #tpu.memory_space<semaphore_mem>>)
      } else {
      }
      %dma_wait3A = arith.constant 0 : i32
      %dma_wait3A_65 = arith.constant 0 : i32
      %dma_wait3A_66 = arith.constant 0 : i32
      %dma_wait3A_67 = tpu.memref_slice %arg9[%dma_wait3A, %dma_wait3A_65, %dma_wait3A_66] : memref<2x128x32xf32, #tpu.memory_space<vmem>> -> memref<1x128x32xf32, #tpu.memory_space<vmem>>
      %dma_wait3A_68 = tpu.memref_squeeze %dma_wait3A_67 : memref<1x128x32xf32, #tpu.memory_space<vmem>> -> memref<128x32xf32, #tpu.memory_space<vmem>>
      %dma_wait3A_69 = arith.constant 0 : i32
      %dma_wait3A_70 = tpu.memref_slice %arg7[%mul3A_59, %dma_wait3A_69] : memref<112x128xi32, #tpu.memory_space<vmem>> -> memref<1x128xi32, #tpu.memory_space<vmem>>
      %dma_wait3A_71 = tpu.memref_squeeze %dma_wait3A_70 : memref<1x128xi32, #tpu.memory_space<vmem>> -> memref<128xi32, #tpu.memory_space<vmem>>
      %dma_wait3A_72 = arith.constant 0 : i32
      %dma_wait3A_73 = arith.constant 0 : i32
      %dma_wait3A_74 = tpu.memref_slice %arg2[%dma_wait3A_72, %dma_wait3A_73] : memref<40000x32xf32, #tpu.memory_space<hbm>> -> memref<40000x32xf32, #tpu.memory_space<hbm>>
      tpu.wait_indirect_dma semaphore(%arg11 : memref<!tpu.dma_semaphore, #tpu.memory_space<semaphore_mem>>) src(%dma_wait3A_74 : memref<40000x32xf32, #tpu.memory_space<hbm>>) dst(%dma_wait3A_68 : memref<128x32xf32, #tpu.memory_space<vmem>>)
      %run_scoped3A = arith.constant 0 : i32
      "tpu.region"() ({
        %run_scoped3A_87 = tpu.sem_alloc : memref<!tpu.dma_semaphore, #tpu.memory_space<semaphore_mem>>
        %dma_start3A_88 = arith.constant 0 : i32
        %dma_start3A_89 = arith.constant 0 : i32
        %dma_start3A_90 = tpu.memref_slice %arg9[%run_scoped3A, %dma_start3A_88, %dma_start3A_89] : memref<2x128x32xf32, #tpu.memory_space<vmem>> -> memref<1x128x32xf32, #tpu.memory_space<vmem>>
        %dma_start3A_91 = tpu.memref_squeeze %dma_start3A_90 : memref<1x128x32xf32, #tpu.memory_space<vmem>> -> memref<128x32xf32, #tpu.memory_space<vmem>>
        %dma_start3A_92 = arith.constant 0 : i32
        %dma_start3A_93 = tpu.memref_slice %arg8[%mul3A_59, %dma_start3A_92] : memref<112x128xi32, #tpu.memory_space<vmem>> -> memref<1x128xi32, #tpu.memory_space<vmem>>
        %dma_start3A_94 = tpu.memref_squeeze %dma_start3A_93 : memref<1x128xi32, #tpu.memory_space<vmem>> -> memref<128xi32, #tpu.memory_space<vmem>>
        %dma_start3A_95 = arith.constant 0 : i32
        %dma_start3A_96 = arith.constant 0 : i32
        %dma_start3A_97 = tpu.memref_slice %arg10[%dma_start3A_95, %dma_start3A_96] : memref<10112x32xf32, #tpu.memory_space<vmem_shared>> -> memref<10112x32xf32, #tpu.memory_space<vmem_shared>>
        tpu.enqueue_indirect_dma source(%dma_start3A_91 : memref<128x32xf32, #tpu.memory_space<vmem>>) target(%dma_start3A_97 : memref<10112x32xf32, #tpu.memory_space<vmem_shared>>) offsets(%dma_start3A_94 : memref<128xi32, #tpu.memory_space<vmem>>) semaphore(%run_scoped3A_87 : memref<!tpu.dma_semaphore, #tpu.memory_space<semaphore_mem>>) {add = true}
        %dma_wait3A_98 = arith.constant 0 : i32
        %dma_wait3A_99 = arith.constant 0 : i32
        %dma_wait3A_100 = tpu.memref_slice %arg9[%run_scoped3A, %dma_wait3A_98, %dma_wait3A_99] : memref<2x128x32xf32, #tpu.memory_space<vmem>> -> memref<1x128x32xf32, #tpu.memory_space<vmem>>
        %dma_wait3A_101 = tpu.memref_squeeze %dma_wait3A_100 : memref<1x128x32xf32, #tpu.memory_space<vmem>> -> memref<128x32xf32, #tpu.memory_space<vmem>>
        %dma_wait3A_102 = arith.constant 0 : i32
        %dma_wait3A_103 = tpu.memref_slice %arg8[%mul3A_59, %dma_wait3A_102] : memref<112x128xi32, #tpu.memory_space<vmem>> -> memref<1x128xi32, #tpu.memory_space<vmem>>
        %dma_wait3A_104 = tpu.memref_squeeze %dma_wait3A_103 : memref<1x128xi32, #tpu.memory_space<vmem>> -> memref<128xi32, #tpu.memory_space<vmem>>
        %dma_wait3A_105 = arith.constant 0 : i32
        %dma_wait3A_106 = arith.constant 0 : i32
        %dma_wait3A_107 = tpu.memref_slice %arg10[%dma_wait3A_105, %dma_wait3A_106] : memref<10112x32xf32, #tpu.memory_space<vmem_shared>> -> memref<10112x32xf32, #tpu.memory_space<vmem_shared>>
        tpu.wait_indirect_dma semaphore(%run_scoped3A_87 : memref<!tpu.dma_semaphore, #tpu.memory_space<semaphore_mem>>) src(%dma_wait3A_101 : memref<128x32xf32, #tpu.memory_space<vmem>>) dst(%dma_wait3A_107 : memref<10112x32xf32, #tpu.memory_space<vmem_shared>>)
        tpu.yield
      }) : () -> ()
      %add3A_75 = arith.constant 2 : i32
      %add3A_76 = arith.addi %mul3A_59, %add3A_75 : i32
      %lt3A_77 = arith.cmpi slt, %add3A_76, %select_n3A : i32
      %convert_element_type3A_78 = arith.extui %lt3A_77 : i1 to i32
      %cond3A_79 = arith.constant 0 : i32
      %cond3A_80 = arith.cmpi ne, %convert_element_type3A_78, %cond3A_79 : i32
      scf.if %cond3A_80 {
        %add3A_87 = arith.constant 2 : i32
        %add3A_88 = arith.addi %mul3A_59, %add3A_87 : i32
        %dma_start3A_89 = arith.constant 0 : i32
        %dma_start3A_90 = arith.constant 0 : i32
        %dma_start3A_91 = arith.constant 0 : i32
        %dma_start3A_92 = tpu.memref_slice %arg9[%dma_start3A_89, %dma_start3A_90, %dma_start3A_91] : memref<2x128x32xf32, #tpu.memory_space<vmem>> -> memref<1x128x32xf32, #tpu.memory_space<vmem>>
        %dma_start3A_93 = tpu.memref_squeeze %dma_start3A_92 : memref<1x128x32xf32, #tpu.memory_space<vmem>> -> memref<128x32xf32, #tpu.memory_space<vmem>>
        %dma_start3A_94 = arith.constant 0 : i32
        %dma_start3A_95 = tpu.memref_slice %arg7[%add3A_88, %dma_start3A_94] : memref<112x128xi32, #tpu.memory_space<vmem>> -> memref<1x128xi32, #tpu.memory_space<vmem>>
        %dma_start3A_96 = tpu.memref_squeeze %dma_start3A_95 : memref<1x128xi32, #tpu.memory_space<vmem>> -> memref<128xi32, #tpu.memory_space<vmem>>
        %dma_start3A_97 = arith.constant 0 : i32
        %dma_start3A_98 = arith.constant 0 : i32
        %dma_start3A_99 = tpu.memref_slice %arg2[%dma_start3A_97, %dma_start3A_98] : memref<40000x32xf32, #tpu.memory_space<hbm>> -> memref<40000x32xf32, #tpu.memory_space<hbm>>
        tpu.enqueue_indirect_dma source(%dma_start3A_99 : memref<40000x32xf32, #tpu.memory_space<hbm>>) target(%dma_start3A_93 : memref<128x32xf32, #tpu.memory_space<vmem>>) offsets(%dma_start3A_96 : memref<128xi32, #tpu.memory_space<vmem>>) semaphore(%arg11 : memref<!tpu.dma_semaphore, #tpu.memory_space<semaphore_mem>>)
      } else {
      }
      %add3A_81 = arith.constant 1 : i32
      %add3A_82 = arith.addi %mul3A_59, %add3A_81 : i32
      %lt3A_83 = arith.cmpi slt, %add3A_82, %select_n3A : i32
      %convert_element_type3A_84 = arith.extui %lt3A_83 : i1 to i32
      %cond3A_85 = arith.constant 0 : i32
      %cond3A_86 = arith.cmpi ne, %convert_element_type3A_84, %cond3A_85 : i32
      scf.if %cond3A_86 {
        %add3A_87 = arith.constant 1 : i32
        %add3A_88 = arith.addi %mul3A_59, %add3A_87 : i32
        %dma_wait3A_89 = arith.constant 1 : i32
        %dma_wait3A_90 = arith.constant 0 : i32
        %dma_wait3A_91 = arith.constant 0 : i32
        %dma_wait3A_92 = tpu.memref_slice %arg9[%dma_wait3A_89, %dma_wait3A_90, %dma_wait3A_91] : memref<2x128x32xf32, #tpu.memory_space<vmem>> -> memref<1x128x32xf32, #tpu.memory_space<vmem>>
        %dma_wait3A_93 = tpu.memref_squeeze %dma_wait3A_92 : memref<1x128x32xf32, #tpu.memory_space<vmem>> -> memref<128x32xf32, #tpu.memory_space<vmem>>
        %dma_wait3A_94 = arith.constant 0 : i32
        %dma_wait3A_95 = tpu.memref_slice %arg7[%add3A_88, %dma_wait3A_94] : memref<112x128xi32, #tpu.memory_space<vmem>> -> memref<1x128xi32, #tpu.memory_space<vmem>>
        %dma_wait3A_96 = tpu.memref_squeeze %dma_wait3A_95 : memref<1x128xi32, #tpu.memory_space<vmem>> -> memref<128xi32, #tpu.memory_space<vmem>>
        %dma_wait3A_97 = arith.constant 0 : i32
        %dma_wait3A_98 = arith.constant 0 : i32
        %dma_wait3A_99 = tpu.memref_slice %arg2[%dma_wait3A_97, %dma_wait3A_98] : memref<40000x32xf32, #tpu.memory_space<hbm>> -> memref<40000x32xf32, #tpu.memory_space<hbm>>
        tpu.wait_indirect_dma semaphore(%arg12 : memref<!tpu.dma_semaphore, #tpu.memory_space<semaphore_mem>>) src(%dma_wait3A_99 : memref<40000x32xf32, #tpu.memory_space<hbm>>) dst(%dma_wait3A_93 : memref<128x32xf32, #tpu.memory_space<vmem>>)
        %add3A_100 = arith.constant 1 : i32
        %add3A_101 = arith.addi %mul3A_59, %add3A_100 : i32
        %run_scoped3A_102 = arith.constant 1 : i32
        "tpu.region"() ({
          %run_scoped3A_103 = tpu.sem_alloc : memref<!tpu.dma_semaphore, #tpu.memory_space<semaphore_mem>>
          %dma_start3A_104 = arith.constant 0 : i32
          %dma_start3A_105 = arith.constant 0 : i32
          %dma_start3A_106 = tpu.memref_slice %arg9[%run_scoped3A_102, %dma_start3A_104, %dma_start3A_105] : memref<2x128x32xf32, #tpu.memory_space<vmem>> -> memref<1x128x32xf32, #tpu.memory_space<vmem>>
          %dma_start3A_107 = tpu.memref_squeeze %dma_start3A_106 : memref<1x128x32xf32, #tpu.memory_space<vmem>> -> memref<128x32xf32, #tpu.memory_space<vmem>>
          %dma_start3A_108 = arith.constant 0 : i32
          %dma_start3A_109 = tpu.memref_slice %arg8[%add3A_101, %dma_start3A_108] : memref<112x128xi32, #tpu.memory_space<vmem>> -> memref<1x128xi32, #tpu.memory_space<vmem>>
          %dma_start3A_110 = tpu.memref_squeeze %dma_start3A_109 : memref<1x128xi32, #tpu.memory_space<vmem>> -> memref<128xi32, #tpu.memory_space<vmem>>
          %dma_start3A_111 = arith.constant 0 : i32
          %dma_start3A_112 = arith.constant 0 : i32
          %dma_start3A_113 = tpu.memref_slice %arg10[%dma_start3A_111, %dma_start3A_112] : memref<10112x32xf32, #tpu.memory_space<vmem_shared>> -> memref<10112x32xf32, #tpu.memory_space<vmem_shared>>
          tpu.enqueue_indirect_dma source(%dma_start3A_107 : memref<128x32xf32, #tpu.memory_space<vmem>>) target(%dma_start3A_113 : memref<10112x32xf32, #tpu.memory_space<vmem_shared>>) offsets(%dma_start3A_110 : memref<128xi32, #tpu.memory_space<vmem>>) semaphore(%run_scoped3A_103 : memref<!tpu.dma_semaphore, #tpu.memory_space<semaphore_mem>>) {add = true}
          %dma_wait3A_114 = arith.constant 0 : i32
          %dma_wait3A_115 = arith.constant 0 : i32
          %dma_wait3A_116 = tpu.memref_slice %arg9[%run_scoped3A_102, %dma_wait3A_114, %dma_wait3A_115] : memref<2x128x32xf32, #tpu.memory_space<vmem>> -> memref<1x128x32xf32, #tpu.memory_space<vmem>>
          %dma_wait3A_117 = tpu.memref_squeeze %dma_wait3A_116 : memref<1x128x32xf32, #tpu.memory_space<vmem>> -> memref<128x32xf32, #tpu.memory_space<vmem>>
          %dma_wait3A_118 = arith.constant 0 : i32
          %dma_wait3A_119 = tpu.memref_slice %arg8[%add3A_101, %dma_wait3A_118] : memref<112x128xi32, #tpu.memory_space<vmem>> -> memref<1x128xi32, #tpu.memory_space<vmem>>
          %dma_wait3A_120 = tpu.memref_squeeze %dma_wait3A_119 : memref<1x128xi32, #tpu.memory_space<vmem>> -> memref<128xi32, #tpu.memory_space<vmem>>
          %dma_wait3A_121 = arith.constant 0 : i32
          %dma_wait3A_122 = arith.constant 0 : i32
          %dma_wait3A_123 = tpu.memref_slice %arg10[%dma_wait3A_121, %dma_wait3A_122] : memref<10112x32xf32, #tpu.memory_space<vmem_shared>> -> memref<10112x32xf32, #tpu.memory_space<vmem_shared>>
          tpu.wait_indirect_dma semaphore(%run_scoped3A_103 : memref<!tpu.dma_semaphore, #tpu.memory_space<semaphore_mem>>) src(%dma_wait3A_117 : memref<128x32xf32, #tpu.memory_space<vmem>>) dst(%dma_wait3A_123 : memref<10112x32xf32, #tpu.memory_space<vmem_shared>>)
          tpu.yield
        }) : () -> ()
      } else {
      }
    }
    %barrier3A_52 = arith.constant 0 : index
    tpu.barrier barrier_id(%barrier3A_52)
    %mul3A_53 = arith.constant 632 : i32
    %mul3A_54 = arith.muli %arg1, %mul3A_53 : i32
    %mul3A_55 = arith.constant 632 : i32
    %mul3A_56 = arith.muli %arg1, %mul3A_55 : i32
    "tpu.region"() ({
      %run_scoped3A = tpu.sem_alloc : memref<!tpu.dma_semaphore, #tpu.memory_space<semaphore_mem>>
      %dma_start3A_57 = arith.constant 0 : i32
      %dma_start3A_58 = arith.constant 0 : i32
      %dma_start3A_59 = tpu.memref_slice %arg6[%arg0, %dma_start3A_57, %dma_start3A_58] : memref<2x10112x32xf32, #tpu.memory_space<hbm>> -> memref<1x10112x32xf32, #tpu.memory_space<hbm>>
      %dma_start3A_60 = tpu.memref_squeeze %dma_start3A_59 : memref<1x10112x32xf32, #tpu.memory_space<hbm>> -> memref<10112x32xf32, #tpu.memory_space<hbm>>
      %dma_start3A_61 = arith.constant 0 : i32
      %dma_start3A_62 = tpu.memref_slice %dma_start3A_60[%mul3A_56, %dma_start3A_61] : memref<10112x32xf32, #tpu.memory_space<hbm>> -> memref<632x32xf32, #tpu.memory_space<hbm>>
      %dma_start3A_63 = arith.constant 0 : i32
      %dma_start3A_64 = tpu.memref_slice %arg10[%mul3A_54, %dma_start3A_63] : memref<10112x32xf32, #tpu.memory_space<vmem_shared>> -> memref<632x32xf32, #tpu.memory_space<vmem_shared>>
      tpu.enqueue_dma source(%dma_start3A_64 : memref<632x32xf32, #tpu.memory_space<vmem_shared>>) target(%dma_start3A_62 : memref<632x32xf32, #tpu.memory_space<hbm>>) target_semaphore(%run_scoped3A : memref<!tpu.dma_semaphore, #tpu.memory_space<semaphore_mem>>)
      %dma_wait3A = arith.constant 0 : i32
      %dma_wait3A_65 = arith.constant 0 : i32
      %dma_wait3A_66 = tpu.memref_slice %arg6[%arg0, %dma_wait3A, %dma_wait3A_65] : memref<2x10112x32xf32, #tpu.memory_space<hbm>> -> memref<1x10112x32xf32, #tpu.memory_space<hbm>>
      %dma_wait3A_67 = tpu.memref_squeeze %dma_wait3A_66 : memref<1x10112x32xf32, #tpu.memory_space<hbm>> -> memref<10112x32xf32, #tpu.memory_space<hbm>>
      %dma_wait3A_68 = arith.constant 0 : i32
      %dma_wait3A_69 = tpu.memref_slice %dma_wait3A_67[%mul3A_56, %dma_wait3A_68] : memref<10112x32xf32, #tpu.memory_space<hbm>> -> memref<632x32xf32, #tpu.memory_space<hbm>>
      %dma_wait3A_70 = arith.constant 0 : i32
      %dma_wait3A_71 = tpu.memref_slice %arg10[%mul3A_54, %dma_wait3A_70] : memref<10112x32xf32, #tpu.memory_space<vmem_shared>> -> memref<632x32xf32, #tpu.memory_space<vmem_shared>>
      tpu.wait_dma2 semaphore(%run_scoped3A : memref<!tpu.dma_semaphore, #tpu.memory_space<semaphore_mem>>) src(%dma_wait3A_71 : memref<632x32xf32, #tpu.memory_space<vmem_shared>>) dst(%dma_wait3A_69 : memref<632x32xf32, #tpu.memory_space<hbm>>)
      tpu.yield
    }) : () -> ()
    return
  }
}

module attributes {stable_mosaic.version = 14 : i64} {
  func.func @_stage_body(%arg0: i32, %arg1: memref<2000x128xf32, #tpu.memory_space<vmem>>, %arg2: memref<2000x3xf32, #tpu.memory_space<vmem>>, %arg3: memref<1152x256xbf16, #tpu.memory_space<vmem>>, %arg4: memref<3x256xf32, #tpu.memory_space<vmem>>, %arg5: memref<2000x256xf32, #tpu.memory_space<vmem>>, %arg6: memref<3x3x256xf32, #tpu.memory_space<vmem>>) attributes {dimension_semantics = [#tpu.dimension_semantics<arbitrary>], iteration_bounds = array<i64: 5>, scalar_prefetch = 0 : i64, scratch_operands = 0 : i64, tpu.core_type = #tpu.core_type<tc>, window_params = [{transform_indices = @transform_0, window_bounds = array<i64: 2000, 128>}, {transform_indices = @transform_1, window_bounds = array<i64: 2000, 3>}, {pipeline_mode = #tpu.pipeline_mode<synchronous>, transform_indices = @transform_2, window_bounds = array<i64: 1152, 256>}, {pipeline_mode = #tpu.pipeline_mode<synchronous>, transform_indices = @transform_3, window_bounds = array<i64: 3, 256>}, {transform_indices = @transform_4, window_bounds = array<i64: 2000, 256>}, {pipeline_mode = #tpu.pipeline_mode<synchronous>, transform_indices = @transform_5, window_bounds = array<i64: 3, 3, 256>}]} {
    %get3A = arith.constant 0 : index
    %get3A_0 = arith.constant 0 : index
    %get3A_1 = vector.load %arg1[%get3A, %get3A_0] : memref<2000x128xf32, #tpu.memory_space<vmem>>, vector<2000x128xf32>
    %get3A_2 = arith.constant 0 : index
    %get3A_3 = arith.constant 0 : index
    %get3A_4 = vector.load %arg2[%get3A_2, %get3A_3] : memref<2000x3xf32, #tpu.memory_space<vmem>>, vector<2000x3xf32>
    %convert_element_type3A = arith.truncf %get3A_4 : vector<2000x3xf32> to vector<2000x3xbf16>
    %concatenate3A = tpu.concatenate %convert_element_type3A, %convert_element_type3A in 1 : vector<2000x3xbf16>, vector<2000x3xbf16> -> vector<2000x6xbf16>
    %get3A_5 = arith.constant 0 : index
    %get3A_6 = arith.constant 0 : index
    %get3A_7 = vector.load %arg4[%get3A_5, %get3A_6] : memref<3x256xf32, #tpu.memory_space<vmem>>, vector<3x256xf32>
    %convert_element_type3A_8 = arith.truncf %get3A_7 : vector<3x256xf32> to vector<3x256xbf16>
    %convert_element_type3A_9 = arith.extf %convert_element_type3A_8 : vector<3x256xbf16> to vector<3x256xf32>
    %sub3A = arith.subf %get3A_7, %convert_element_type3A_9 : vector<3x256xf32>
    %convert_element_type3A_10 = arith.truncf %sub3A : vector<3x256xf32> to vector<3x256xbf16>
    %concatenate3A_11 = tpu.concatenate %convert_element_type3A_8, %convert_element_type3A_10 in 0 : vector<3x256xbf16>, vector<3x256xbf16> -> vector<6x256xbf16>
    %dot_general3A = arith.constant dense<0.000000e+00> : vector<2000x256xf32>
    %dot_general3A_12 = tpu.matmul %concatenate3A, %concatenate3A_11, %dot_general3A {dimension_numbers = #tpu.dot_dimension_numbers<[1], [0], [0], [1], [0, 0, 1, 1], [], []>, transpose_lhs_hint = false} : vector<2000x6xbf16>, vector<6x256xbf16>, vector<2000x256xf32> -> vector<2000x256xf32>
    %convert_element_type3A_13 = arith.truncf %get3A_1 : vector<2000x128xf32> to vector<2000x128xbf16>
    %convert_element_type3A_14 = arith.extf %convert_element_type3A_13 : vector<2000x128xbf16> to vector<2000x128xf32>
    %sub3A_15 = arith.subf %get3A_1, %convert_element_type3A_14 : vector<2000x128xf32>
    %convert_element_type3A_16 = arith.truncf %sub3A_15 : vector<2000x128xf32> to vector<2000x128xbf16>
    %slice3A = vector.extract_strided_slice %convert_element_type3A {offsets = [0, 0], sizes = [2000, 1], strides = [1, 1]} : vector<2000x3xbf16> to vector<2000x1xbf16>
    %mul3A = vector.broadcast %slice3A : vector<2000x1xbf16> to vector<2000x128xbf16>
    %mul3A_17 = arith.mulf %convert_element_type3A_13, %mul3A : vector<2000x128xbf16>
    %slice3A_18 = vector.extract_strided_slice %convert_element_type3A {offsets = [0, 0], sizes = [2000, 1], strides = [1, 1]} : vector<2000x3xbf16> to vector<2000x1xbf16>
    %mul3A_19 = vector.broadcast %slice3A_18 : vector<2000x1xbf16> to vector<2000x128xbf16>
    %mul3A_20 = arith.mulf %convert_element_type3A_16, %mul3A_19 : vector<2000x128xbf16>
    %slice3A_21 = vector.extract_strided_slice %convert_element_type3A {offsets = [0, 0], sizes = [2000, 1], strides = [1, 1]} : vector<2000x3xbf16> to vector<2000x1xbf16>
    %mul3A_22 = vector.broadcast %slice3A_21 : vector<2000x1xbf16> to vector<2000x128xbf16>
    %mul3A_23 = arith.mulf %convert_element_type3A_13, %mul3A_22 : vector<2000x128xbf16>
    %slice3A_24 = vector.extract_strided_slice %convert_element_type3A {offsets = [0, 1], sizes = [2000, 1], strides = [1, 1]} : vector<2000x3xbf16> to vector<2000x1xbf16>
    %mul3A_25 = vector.broadcast %slice3A_24 : vector<2000x1xbf16> to vector<2000x128xbf16>
    %mul3A_26 = arith.mulf %convert_element_type3A_13, %mul3A_25 : vector<2000x128xbf16>
    %slice3A_27 = vector.extract_strided_slice %convert_element_type3A {offsets = [0, 1], sizes = [2000, 1], strides = [1, 1]} : vector<2000x3xbf16> to vector<2000x1xbf16>
    %mul3A_28 = vector.broadcast %slice3A_27 : vector<2000x1xbf16> to vector<2000x128xbf16>
    %mul3A_29 = arith.mulf %convert_element_type3A_16, %mul3A_28 : vector<2000x128xbf16>
    %slice3A_30 = vector.extract_strided_slice %convert_element_type3A {offsets = [0, 1], sizes = [2000, 1], strides = [1, 1]} : vector<2000x3xbf16> to vector<2000x1xbf16>
    %mul3A_31 = vector.broadcast %slice3A_30 : vector<2000x1xbf16> to vector<2000x128xbf16>
    %mul3A_32 = arith.mulf %convert_element_type3A_13, %mul3A_31 : vector<2000x128xbf16>
    %slice3A_33 = vector.extract_strided_slice %convert_element_type3A {offsets = [0, 2], sizes = [2000, 1], strides = [1, 1]} : vector<2000x3xbf16> to vector<2000x1xbf16>
    %mul3A_34 = vector.broadcast %slice3A_33 : vector<2000x1xbf16> to vector<2000x128xbf16>
    %mul3A_35 = arith.mulf %convert_element_type3A_13, %mul3A_34 : vector<2000x128xbf16>
    %slice3A_36 = vector.extract_strided_slice %convert_element_type3A {offsets = [0, 2], sizes = [2000, 1], strides = [1, 1]} : vector<2000x3xbf16> to vector<2000x1xbf16>
    %mul3A_37 = vector.broadcast %slice3A_36 : vector<2000x1xbf16> to vector<2000x128xbf16>
    %mul3A_38 = arith.mulf %convert_element_type3A_16, %mul3A_37 : vector<2000x128xbf16>
    %slice3A_39 = vector.extract_strided_slice %convert_element_type3A {offsets = [0, 2], sizes = [2000, 1], strides = [1, 1]} : vector<2000x3xbf16> to vector<2000x1xbf16>
    %mul3A_40 = vector.broadcast %slice3A_39 : vector<2000x1xbf16> to vector<2000x128xbf16>
    %mul3A_41 = arith.mulf %convert_element_type3A_13, %mul3A_40 : vector<2000x128xbf16>
    %concatenate3A_42 = tpu.concatenate %mul3A_17, %mul3A_20, %mul3A_23, %mul3A_26, %mul3A_29, %mul3A_32, %mul3A_35, %mul3A_38, %mul3A_41 in 1 : vector<2000x128xbf16>, vector<2000x128xbf16>, vector<2000x128xbf16>, vector<2000x128xbf16>, vector<2000x128xbf16>, vector<2000x128xbf16>, vector<2000x128xbf16>, vector<2000x128xbf16>, vector<2000x128xbf16> -> vector<2000x1152xbf16>
    %get3A_43 = arith.constant 0 : index
    %get3A_44 = arith.constant 0 : index
    %get3A_45 = vector.load %arg3[%get3A_43, %get3A_44] : memref<1152x256xbf16, #tpu.memory_space<vmem>>, vector<1152x256xbf16>
    %dot_general3A_46 = arith.constant dense<0.000000e+00> : vector<2000x256xf32>
    %dot_general3A_47 = tpu.matmul %concatenate3A_42, %get3A_45, %dot_general3A_46 {dimension_numbers = #tpu.dot_dimension_numbers<[1], [0], [0], [1], [0, 0, 1, 1], [], []>, transpose_lhs_hint = false} : vector<2000x1152xbf16>, vector<1152x256xbf16>, vector<2000x256xf32> -> vector<2000x256xf32>
    %add3A = arith.addf %dot_general3A_47, %dot_general3A_12 : vector<2000x256xf32>
    %swap3A = arith.constant 0 : index
    %swap3A_48 = arith.constant 0 : index
    %swap3A_49 = vector.load %arg5[%swap3A, %swap3A_48] : memref<2000x256xf32, #tpu.memory_space<vmem>>, vector<2000x256xf32>
    tpu.vector_store %arg5[%swap3A, %swap3A_48], %add3A {strides = array<i32>} : memref<2000x256xf32, #tpu.memory_space<vmem>>, vector<2000x256xf32>,
    %eq3A = arith.constant 0 : i32
    %eq3A_50 = arith.cmpi eq, %arg0, %eq3A : i32
    %convert_element_type3A_51 = arith.extui %eq3A_50 : i1 to i32
    %cond3A = arith.constant 0 : i32
    %cond3A_52 = arith.cmpi ne, %convert_element_type3A_51, %cond3A : i32
    scf.if %cond3A_52 {
      %broadcast_in_dim3A_100 = arith.constant 0.000000e+00 : f32
      %broadcast_in_dim3A_101 = vector.broadcast %broadcast_in_dim3A_100 : f32 to vector<3x3x256xf32>
      %swap3A_102 = arith.constant 0 : index
      %swap3A_103 = arith.constant 0 : index
      %swap3A_104 = arith.constant 0 : index
      %swap3A_105 = vector.load %arg6[%swap3A_102, %swap3A_103, %swap3A_104] : memref<3x3x256xf32, #tpu.memory_space<vmem>>, vector<3x3x256xf32>
      tpu.vector_store %arg6[%swap3A_102, %swap3A_103, %swap3A_104], %broadcast_in_dim3A_101 {strides = array<i32>} : memref<3x3x256xf32, #tpu.memory_space<vmem>>, vector<3x3x256xf32>,
    } else {
    }
    %transpose3A = tpu.transpose %get3A_4, [1, 0] : vector<2000x3xf32> -> vector<3x2000xf32>
    %convert_element_type3A_53 = arith.truncf %transpose3A : vector<3x2000xf32> to vector<3x2000xbf16>
    %convert_element_type3A_54 = arith.truncf %add3A : vector<2000x256xf32> to vector<2000x256xbf16>
    %get3A_55 = arith.constant 0 : index
    %get3A_56 = arith.constant 0 : index
    %get3A_57 = arith.constant 0 : index
    %get3A_58 = vector.load %arg6[%get3A_55, %get3A_56, %get3A_57] : memref<3x3x256xf32, #tpu.memory_space<vmem>>, vector<1x3x256xf32>
    %get3A_59 = vector.shape_cast %get3A_58 : vector<1x3x256xf32> to vector<3x256xf32>
    %dot_general3A_60 = arith.constant dense<0.000000e+00> : vector<3x256xf32>
    %dot_general3A_61 = tpu.matmul %convert_element_type3A_53, %convert_element_type3A_54, %dot_general3A_60 {dimension_numbers = #tpu.dot_dimension_numbers<[1], [0], [0], [1], [0, 0, 1, 1], [], []>, transpose_lhs_hint = false} : vector<3x2000xbf16>, vector<2000x256xbf16>, vector<3x256xf32> -> vector<3x256xf32>
    %add3A_62 = arith.addf %get3A_59, %dot_general3A_61 : vector<3x256xf32>
    %swap3A_63 = arith.constant 0 : index
    %swap3A_64 = arith.constant 0 : index
    %swap3A_65 = arith.constant 0 : index
    %swap3A_66 = vector.load %arg6[%swap3A_63, %swap3A_64, %swap3A_65] : memref<3x3x256xf32, #tpu.memory_space<vmem>>, vector<1x3x256xf32>
    %swap3A_67 = vector.shape_cast %swap3A_66 : vector<1x3x256xf32> to vector<3x256xf32>
    %swap3A_68 = vector.shape_cast %add3A_62 : vector<3x256xf32> to vector<1x3x256xf32>
    tpu.vector_store %arg6[%swap3A_63, %swap3A_64, %swap3A_65], %swap3A_68 {strides = array<i32>} : memref<3x3x256xf32, #tpu.memory_space<vmem>>, vector<1x3x256xf32>,
    %get3A_69 = arith.constant 1 : index
    %get3A_70 = arith.constant 0 : index
    %get3A_71 = arith.constant 0 : index
    %get3A_72 = vector.load %arg6[%get3A_69, %get3A_70, %get3A_71] : memref<3x3x256xf32, #tpu.memory_space<vmem>>, vector<1x3x256xf32>
    %get3A_73 = vector.shape_cast %get3A_72 : vector<1x3x256xf32> to vector<3x256xf32>
    %mul3A_74 = arith.mulf %add3A, %add3A : vector<2000x256xf32>
    %convert_element_type3A_75 = arith.truncf %mul3A_74 : vector<2000x256xf32> to vector<2000x256xbf16>
    %dot_general3A_76 = arith.constant dense<0.000000e+00> : vector<3x256xf32>
    %dot_general3A_77 = tpu.matmul %convert_element_type3A_53, %convert_element_type3A_75, %dot_general3A_76 {dimension_numbers = #tpu.dot_dimension_numbers<[1], [0], [0], [1], [0, 0, 1, 1], [], []>, transpose_lhs_hint = false} : vector<3x2000xbf16>, vector<2000x256xbf16>, vector<3x256xf32> -> vector<3x256xf32>
    %add3A_78 = arith.addf %get3A_73, %dot_general3A_77 : vector<3x256xf32>
    %swap3A_79 = arith.constant 1 : index
    %swap3A_80 = arith.constant 0 : index
    %swap3A_81 = arith.constant 0 : index
    %swap3A_82 = vector.load %arg6[%swap3A_79, %swap3A_80, %swap3A_81] : memref<3x3x256xf32, #tpu.memory_space<vmem>>, vector<1x3x256xf32>
    %swap3A_83 = vector.shape_cast %swap3A_82 : vector<1x3x256xf32> to vector<3x256xf32>
    %swap3A_84 = vector.shape_cast %add3A_78 : vector<3x256xf32> to vector<1x3x256xf32>
    tpu.vector_store %arg6[%swap3A_79, %swap3A_80, %swap3A_81], %swap3A_84 {strides = array<i32>} : memref<3x3x256xf32, #tpu.memory_space<vmem>>, vector<1x3x256xf32>,
    %get3A_85 = arith.constant 2 : index
    %get3A_86 = arith.constant 0 : index
    %get3A_87 = arith.constant 0 : index
    %get3A_88 = vector.load %arg6[%get3A_85, %get3A_86, %get3A_87] : memref<3x3x256xf32, #tpu.memory_space<vmem>>, vector<1x3x256xf32>
    %get3A_89 = vector.shape_cast %get3A_88 : vector<1x3x256xf32> to vector<3x256xf32>
    %broadcast_in_dim3A = arith.constant 1.000000e+00 : bf16
    %broadcast_in_dim3A_90 = vector.broadcast %broadcast_in_dim3A : bf16 to vector<2000x256xbf16>
    %dot_general3A_91 = arith.constant dense<0.000000e+00> : vector<3x256xf32>
    %dot_general3A_92 = tpu.matmul %convert_element_type3A_53, %broadcast_in_dim3A_90, %dot_general3A_91 {dimension_numbers = #tpu.dot_dimension_numbers<[1], [0], [0], [1], [0, 0, 1, 1], [], []>, transpose_lhs_hint = false} : vector<3x2000xbf16>, vector<2000x256xbf16>, vector<3x256xf32> -> vector<3x256xf32>
    %add3A_93 = arith.addf %get3A_89, %dot_general3A_92 : vector<3x256xf32>
    %swap3A_94 = arith.constant 2 : index
    %swap3A_95 = arith.constant 0 : index
    %swap3A_96 = arith.constant 0 : index
    %swap3A_97 = vector.load %arg6[%swap3A_94, %swap3A_95, %swap3A_96] : memref<3x3x256xf32, #tpu.memory_space<vmem>>, vector<1x3x256xf32>
    %swap3A_98 = vector.shape_cast %swap3A_97 : vector<1x3x256xf32> to vector<3x256xf32>
    %swap3A_99 = vector.shape_cast %add3A_93 : vector<3x256xf32> to vector<1x3x256xf32>
    tpu.vector_store %arg6[%swap3A_94, %swap3A_95, %swap3A_96], %swap3A_99 {strides = array<i32>} : memref<3x3x256xf32, #tpu.memory_space<vmem>>, vector<1x3x256xf32>,
    return
  }
  func.func @transform_0(%arg0: i32) -> (i32, i32) {
    %c0_i32 = arith.constant 0 : i32
    %c0_i32_0 = arith.constant 0 : i32
    return %arg0, %c0_i32 : i32, i32
  }
  func.func @transform_1(%arg0: i32) -> (i32, i32) {
    %c0_i32 = arith.constant 0 : i32
    %c0_i32_0 = arith.constant 0 : i32
    return %arg0, %c0_i32 : i32, i32
  }
  func.func @transform_2(%arg0: i32) -> (i32, i32) {
    %c0_i32 = arith.constant 0 : i32
    %c0_i32_0 = arith.constant 0 : i32
    %c0_i32_1 = arith.constant 0 : i32
    return %c0_i32, %c0_i32_0 : i32, i32
  }
  func.func @transform_3(%arg0: i32) -> (i32, i32) {
    %c0_i32 = arith.constant 0 : i32
    %c0_i32_0 = arith.constant 0 : i32
    %c0_i32_1 = arith.constant 0 : i32
    return %c0_i32, %c0_i32_0 : i32, i32
  }
  func.func @transform_4(%arg0: i32) -> (i32, i32) {
    %c0_i32 = arith.constant 0 : i32
    %c0_i32_0 = arith.constant 0 : i32
    return %arg0, %c0_i32 : i32, i32
  }
  func.func @transform_5(%arg0: i32) -> (i32, i32, i32) {
    %c0_i32 = arith.constant 0 : i32
    %c0_i32_0 = arith.constant 0 : i32
    %c0_i32_1 = arith.constant 0 : i32
    %c0_i32_2 = arith.constant 0 : i32
    return %c0_i32, %c0_i32_0, %c0_i32_1 : i32, i32, i32
  }
}

module attributes {stable_mosaic.version = 14 : i64} {
  func.func @_prep_body(%arg0: memref<2560x128xi32, #tpu.memory_space<vmem>>, %arg1: memref<2560x128xi32, #tpu.memory_space<vmem>>, %arg2: memref<10000x1xi32, #tpu.memory_space<vmem>>, %arg3: memref<2560x128xi32, #tpu.memory_space<vmem>>, %arg4: memref<10000x3xf32, #tpu.memory_space<vmem>>) attributes {dimension_semantics = [], scalar_prefetch = 0 : i64, scratch_operands = 0 : i64, tpu.core_type = #tpu.core_type<tc>} {
    %get3A = arith.constant 0 : index
    %get3A_0 = arith.constant 0 : index
    %get3A_1 = vector.load %arg1[%get3A, %get3A_0] : memref<2560x128xi32, #tpu.memory_space<vmem>>, vector<2560x128xi32>
    %mul3A = arith.constant 4 : i32
    %mul3A_2 = vector.broadcast %mul3A : i32 to vector<2560x128xi32>
    %mul3A_3 = arith.muli %get3A_1, %mul3A_2 : vector<2560x128xi32>
    %get3A_4 = arith.constant 0 : index
    %get3A_5 = arith.constant 0 : index
    %get3A_6 = vector.load %arg0[%get3A_4, %get3A_5] : memref<2560x128xi32, #tpu.memory_space<vmem>>, vector<2560x128xi32>
    %add3A = arith.addi %mul3A_3, %get3A_6 : vector<2560x128xi32>
    %swap3A = arith.constant 0 : index
    %swap3A_7 = arith.constant 0 : index
    %swap3A_8 = vector.load %arg3[%swap3A, %swap3A_7] : memref<2560x128xi32, #tpu.memory_space<vmem>>, vector<2560x128xi32>
    tpu.vector_store %arg3[%swap3A, %swap3A_7], %add3A {strides = array<i32>} : memref<2560x128xi32, #tpu.memory_space<vmem>>, vector<2560x128xi32>,
    %iota3A = tpu.iota {dimensions = array<i32: 1>} : vector<10000x3xi32>
    %get3A_9 = arith.constant 0 : index
    %get3A_10 = arith.constant 0 : index
    %get3A_11 = vector.load %arg2[%get3A_9, %get3A_10] : memref<10000x1xi32, #tpu.memory_space<vmem>>, vector<10000x1xi32>
    %eq3A = vector.broadcast %get3A_11 : vector<10000x1xi32> to vector<10000x3xi32>
    %eq3A_12 = arith.cmpi eq, %eq3A, %iota3A : vector<10000x3xi32>
    %convert_element_type3A = arith.extui %eq3A_12 : vector<10000x3xi1> to vector<10000x3xi32>
    %convert_element_type3A_13 = arith.sitofp %convert_element_type3A : vector<10000x3xi32> to vector<10000x3xf32>
    %swap3A_14 = arith.constant 0 : index
    %swap3A_15 = arith.constant 0 : index
    %swap3A_16 = vector.load %arg4[%swap3A_14, %swap3A_15] : memref<10000x3xf32, #tpu.memory_space<vmem>>, vector<10000x3xf32>
    tpu.vector_store %arg4[%swap3A_14, %swap3A_15], %convert_element_type3A_13 {strides = array<i32>} : memref<10000x3xf32, #tpu.memory_space<vmem>>, vector<10000x3xf32>,
    return
  }
}

module attributes {stable_mosaic.version = 14 : i64} {
  func.func @_stage_body(%arg0: i32, %arg1: memref<2000x256xf32, #tpu.memory_space<vmem>>, %arg2: memref<2000x3xf32, #tpu.memory_space<vmem>>, %arg3: memref<2304x32xbf16, #tpu.memory_space<vmem>>, %arg4: memref<3x32xf32, #tpu.memory_space<vmem>>, %arg5: memref<3x3x256xf32, #tpu.memory_space<vmem>>, %arg6: memref<3x256xf32, #tpu.memory_space<vmem>>, %arg7: memref<3x256xf32, #tpu.memory_space<vmem>>, %arg8: memref<2000x32xf32, #tpu.memory_space<vmem>>, %arg9: memref<3x3x32xf32, #tpu.memory_space<vmem>>) attributes {dimension_semantics = [#tpu.dimension_semantics<arbitrary>], iteration_bounds = array<i64: 5>, scalar_prefetch = 0 : i64, scratch_operands = 0 : i64, tpu.core_type = #tpu.core_type<tc>, window_params = [{transform_indices = @transform_0, window_bounds = array<i64: 2000, 256>}, {transform_indices = @transform_1, window_bounds = array<i64: 2000, 3>}, {pipeline_mode = #tpu.pipeline_mode<synchronous>, transform_indices = @transform_2, window_bounds = array<i64: 2304, 32>}, {pipeline_mode = #tpu.pipeline_mode<synchronous>, transform_indices = @transform_3, window_bounds = array<i64: 3, 32>}, {pipeline_mode = #tpu.pipeline_mode<synchronous>, transform_indices = @transform_4, window_bounds = array<i64: 3, 3, 256>}, {pipeline_mode = #tpu.pipeline_mode<synchronous>, transform_indices = @transform_5, window_bounds = array<i64: 3, 256>}, {pipeline_mode = #tpu.pipeline_mode<synchronous>, transform_indices = @transform_6, window_bounds = array<i64: 3, 256>}, {transform_indices = @transform_7, window_bounds = array<i64: 2000, 32>}, {pipeline_mode = #tpu.pipeline_mode<synchronous>, transform_indices = @transform_8, window_bounds = array<i64: 3, 3, 32>}]} {
    %get3A = arith.constant 0 : index
    %get3A_0 = arith.constant 0 : index
    %get3A_1 = vector.load %arg1[%get3A, %get3A_0] : memref<2000x256xf32, #tpu.memory_space<vmem>>, vector<2000x256xf32>
    %get3A_2 = arith.constant 0 : index
    %get3A_3 = arith.constant 0 : index
    %get3A_4 = vector.load %arg2[%get3A_2, %get3A_3] : memref<2000x3xf32, #tpu.memory_space<vmem>>, vector<2000x3xf32>
    %convert_element_type3A = arith.truncf %get3A_4 : vector<2000x3xf32> to vector<2000x3xbf16>
    %concatenate3A = tpu.concatenate %convert_element_type3A, %convert_element_type3A in 1 : vector<2000x3xbf16>, vector<2000x3xbf16> -> vector<2000x6xbf16>
    %get3A_5 = arith.constant 0 : index
    %get3A_6 = arith.constant 0 : index
    %get3A_7 = arith.constant 0 : index
    %get3A_8 = vector.load %arg5[%get3A_5, %get3A_6, %get3A_7] : memref<3x3x256xf32, #tpu.memory_space<vmem>>, vector<3x3x256xf32>
    %get3A_9 = arith.constant 0 : index
    %get3A_10 = arith.constant 0 : index
    %get3A_11 = vector.load %arg6[%get3A_9, %get3A_10] : memref<3x256xf32, #tpu.memory_space<vmem>>, vector<3x256xf32>
    %get3A_12 = arith.constant 0 : index
    %get3A_13 = arith.constant 0 : index
    %get3A_14 = vector.load %arg7[%get3A_12, %get3A_13] : memref<3x256xf32, #tpu.memory_space<vmem>>, vector<3x256xf32>
    %slice3A = vector.extract_strided_slice %get3A_8 {offsets = [2, 0, 0], sizes = [1, 3, 256], strides = [1, 1, 1]} : vector<3x3x256xf32> to vector<1x3x256xf32>
    %squeeze3A = vector.shape_cast %slice3A : vector<1x3x256xf32> to vector<3x256xf32>
    %max3A = arith.constant 1.000000e+00 : f32
    %max3A_15 = vector.broadcast %max3A : f32 to vector<3x256xf32>
    %max3A_16 = arith.maximumf %squeeze3A, %max3A_15 : vector<3x256xf32>
    %slice3A_17 = vector.extract_strided_slice %get3A_8 {offsets = [0, 0, 0], sizes = [1, 3, 256], strides = [1, 1, 1]} : vector<3x3x256xf32> to vector<1x3x256xf32>
    %squeeze3A_18 = vector.shape_cast %slice3A_17 : vector<1x3x256xf32> to vector<3x256xf32>
    %div3A = arith.divf %squeeze3A_18, %max3A_16 : vector<3x256xf32>
    %slice3A_19 = vector.extract_strided_slice %get3A_8 {offsets = [1, 0, 0], sizes = [1, 3, 256], strides = [1, 1, 1]} : vector<3x3x256xf32> to vector<1x3x256xf32>
    %squeeze3A_20 = vector.shape_cast %slice3A_19 : vector<1x3x256xf32> to vector<3x256xf32>
    %div3A_21 = arith.divf %squeeze3A_20, %max3A_16 : vector<3x256xf32>
    %mul3A = arith.mulf %div3A, %div3A : vector<3x256xf32>
    %sub3A = arith.subf %div3A_21, %mul3A : vector<3x256xf32>
    %max3A_22 = arith.constant 0.000000e+00 : f32
    %max3A_23 = vector.broadcast %max3A_22 : f32 to vector<3x256xf32>
    %max3A_24 = arith.maximumf %sub3A, %max3A_23 : vector<3x256xf32>
    %add3A = arith.constant 9.99999974E-6 : f32
    %add3A_25 = vector.broadcast %add3A : f32 to vector<3x256xf32>
    %add3A_26 = arith.addf %max3A_24, %add3A_25 : vector<3x256xf32>
    %rsqrt3A = math.rsqrt %add3A_26 : vector<3x256xf32>
    %mul3A_27 = arith.mulf %rsqrt3A, %get3A_11 : vector<3x256xf32>
    %mul3A_28 = arith.mulf %div3A, %mul3A_27 : vector<3x256xf32>
    %sub3A_29 = arith.subf %get3A_14, %mul3A_28 : vector<3x256xf32>
    %get3A_30 = arith.constant 0 : index
    %get3A_31 = arith.constant 0 : index
    %get3A_32 = vector.load %arg4[%get3A_30, %get3A_31] : memref<3x32xf32, #tpu.memory_space<vmem>>, vector<3x32xf32>
    %concatenate3A_33 = tpu.concatenate %mul3A_27, %sub3A_29, %get3A_32 in 1 : vector<3x256xf32>, vector<3x256xf32>, vector<3x32xf32> -> vector<3x544xf32>
    %convert_element_type3A_34 = arith.truncf %concatenate3A_33 : vector<3x544xf32> to vector<3x544xbf16>
    %convert_element_type3A_35 = arith.extf %convert_element_type3A_34 : vector<3x544xbf16> to vector<3x544xf32>
    %sub3A_36 = arith.subf %concatenate3A_33, %convert_element_type3A_35 : vector<3x544xf32>
    %convert_element_type3A_37 = arith.truncf %sub3A_36 : vector<3x544xf32> to vector<3x544xbf16>
    %concatenate3A_38 = tpu.concatenate %convert_element_type3A_34, %convert_element_type3A_37 in 0 : vector<3x544xbf16>, vector<3x544xbf16> -> vector<6x544xbf16>
    %dot_general3A = arith.constant dense<0.000000e+00> : vector<2000x544xf32>
    %dot_general3A_39 = tpu.matmul %concatenate3A, %concatenate3A_38, %dot_general3A {dimension_numbers = #tpu.dot_dimension_numbers<[1], [0], [0], [1], [0, 0, 1, 1], [], []>, transpose_lhs_hint = false} : vector<2000x6xbf16>, vector<6x544xbf16>, vector<2000x544xf32> -> vector<2000x544xf32>
    %slice3A_40 = vector.extract_strided_slice %dot_general3A_39 {offsets = [0, 0], sizes = [2000, 256], strides = [1, 1]} : vector<2000x544xf32> to vector<2000x256xf32>
    %slice3A_41 = vector.extract_strided_slice %dot_general3A_39 {offsets = [0, 256], sizes = [2000, 256], strides = [1, 1]} : vector<2000x544xf32> to vector<2000x256xf32>
    %slice3A_42 = vector.extract_strided_slice %dot_general3A_39 {offsets = [0, 512], sizes = [2000, 32], strides = [1, 1]} : vector<2000x544xf32> to vector<2000x32xf32>
    %mul3A_43 = arith.mulf %get3A_1, %slice3A_40 : vector<2000x256xf32>
    %add3A_44 = arith.addf %mul3A_43, %slice3A_41 : vector<2000x256xf32>
    %jit3A = arith.constant 0.00999999977 : f32
    %ge3A = arith.constant 0.000000e+00 : f32
    %ge3A_45 = vector.broadcast %ge3A : f32 to vector<2000x256xf32>
    %ge3A_46 = arith.cmpf oge, %add3A_44, %ge3A_45 : vector<2000x256xf32>
    %mul3A_47 = vector.broadcast %jit3A : f32 to vector<2000x256xf32>
    %mul3A_48 = arith.mulf %mul3A_47, %add3A_44 : vector<2000x256xf32>
    %select_n3A = arith.select %ge3A_46, %add3A_44, %mul3A_48 : vector<2000x256xi1>, vector<2000x256xf32>
    %convert_element_type3A_49 = arith.truncf %select_n3A : vector<2000x256xf32> to vector<2000x256xbf16>
    %convert_element_type3A_50 = arith.extf %convert_element_type3A_49 : vector<2000x256xbf16> to vector<2000x256xf32>
    %sub3A_51 = arith.subf %select_n3A, %convert_element_type3A_50 : vector<2000x256xf32>
    %convert_element_type3A_52 = arith.truncf %sub3A_51 : vector<2000x256xf32> to vector<2000x256xbf16>
    %slice3A_53 = vector.extract_strided_slice %convert_element_type3A {offsets = [0, 0], sizes = [2000, 1], strides = [1, 1]} : vector<2000x3xbf16> to vector<2000x1xbf16>
    %mul3A_54 = vector.broadcast %slice3A_53 : vector<2000x1xbf16> to vector<2000x256xbf16>
    %mul3A_55 = arith.mulf %convert_element_type3A_49, %mul3A_54 : vector<2000x256xbf16>
    %slice3A_56 = vector.extract_strided_slice %convert_element_type3A {offsets = [0, 0], sizes = [2000, 1], strides = [1, 1]} : vector<2000x3xbf16> to vector<2000x1xbf16>
    %mul3A_57 = vector.broadcast %slice3A_56 : vector<2000x1xbf16> to vector<2000x256xbf16>
    %mul3A_58 = arith.mulf %convert_element_type3A_52, %mul3A_57 : vector<2000x256xbf16>
    %slice3A_59 = vector.extract_strided_slice %convert_element_type3A {offsets = [0, 0], sizes = [2000, 1], strides = [1, 1]} : vector<2000x3xbf16> to vector<2000x1xbf16>
    %mul3A_60 = vector.broadcast %slice3A_59 : vector<2000x1xbf16> to vector<2000x256xbf16>
    %mul3A_61 = arith.mulf %convert_element_type3A_49, %mul3A_60 : vector<2000x256xbf16>
    %slice3A_62 = vector.extract_strided_slice %convert_element_type3A {offsets = [0, 1], sizes = [2000, 1], strides = [1, 1]} : vector<2000x3xbf16> to vector<2000x1xbf16>
    %mul3A_63 = vector.broadcast %slice3A_62 : vector<2000x1xbf16> to vector<2000x256xbf16>
    %mul3A_64 = arith.mulf %convert_element_type3A_49, %mul3A_63 : vector<2000x256xbf16>
    %slice3A_65 = vector.extract_strided_slice %convert_element_type3A {offsets = [0, 1], sizes = [2000, 1], strides = [1, 1]} : vector<2000x3xbf16> to vector<2000x1xbf16>
    %mul3A_66 = vector.broadcast %slice3A_65 : vector<2000x1xbf16> to vector<2000x256xbf16>
    %mul3A_67 = arith.mulf %convert_element_type3A_52, %mul3A_66 : vector<2000x256xbf16>
    %slice3A_68 = vector.extract_strided_slice %convert_element_type3A {offsets = [0, 1], sizes = [2000, 1], strides = [1, 1]} : vector<2000x3xbf16> to vector<2000x1xbf16>
    %mul3A_69 = vector.broadcast %slice3A_68 : vector<2000x1xbf16> to vector<2000x256xbf16>
    %mul3A_70 = arith.mulf %convert_element_type3A_49, %mul3A_69 : vector<2000x256xbf16>
    %slice3A_71 = vector.extract_strided_slice %convert_element_type3A {offsets = [0, 2], sizes = [2000, 1], strides = [1, 1]} : vector<2000x3xbf16> to vector<2000x1xbf16>
    %mul3A_72 = vector.broadcast %slice3A_71 : vector<2000x1xbf16> to vector<2000x256xbf16>
    %mul3A_73 = arith.mulf %convert_element_type3A_49, %mul3A_72 : vector<2000x256xbf16>
    %slice3A_74 = vector.extract_strided_slice %convert_element_type3A {offsets = [0, 2], sizes = [2000, 1], strides = [1, 1]} : vector<2000x3xbf16> to vector<2000x1xbf16>
    %mul3A_75 = vector.broadcast %slice3A_74 : vector<2000x1xbf16> to vector<2000x256xbf16>
    %mul3A_76 = arith.mulf %convert_element_type3A_52, %mul3A_75 : vector<2000x256xbf16>
    %slice3A_77 = vector.extract_strided_slice %convert_element_type3A {offsets = [0, 2], sizes = [2000, 1], strides = [1, 1]} : vector<2000x3xbf16> to vector<2000x1xbf16>
    %mul3A_78 = vector.broadcast %slice3A_77 : vector<2000x1xbf16> to vector<2000x256xbf16>
    %mul3A_79 = arith.mulf %convert_element_type3A_49, %mul3A_78 : vector<2000x256xbf16>
    %concatenate3A_80 = tpu.concatenate %mul3A_55, %mul3A_58, %mul3A_61, %mul3A_64, %mul3A_67, %mul3A_70, %mul3A_73, %mul3A_76, %mul3A_79 in 1 : vector<2000x256xbf16>, vector<2000x256xbf16>, vector<2000x256xbf16>, vector<2000x256xbf16>, vector<2000x256xbf16>, vector<2000x256xbf16>, vector<2000x256xbf16>, vector<2000x256xbf16>, vector<2000x256xbf16> -> vector<2000x2304xbf16>
    %get3A_81 = arith.constant 0 : index
    %get3A_82 = arith.constant 0 : index
    %get3A_83 = vector.load %arg3[%get3A_81, %get3A_82] : memref<2304x32xbf16, #tpu.memory_space<vmem>>, vector<2304x32xbf16>
    %dot_general3A_84 = arith.constant dense<0.000000e+00> : vector<2000x32xf32>
    %dot_general3A_85 = tpu.matmul %concatenate3A_80, %get3A_83, %dot_general3A_84 {dimension_numbers = #tpu.dot_dimension_numbers<[1], [0], [0], [1], [0, 0, 1, 1], [], []>, transpose_lhs_hint = false} : vector<2000x2304xbf16>, vector<2304x32xbf16>, vector<2000x32xf32> -> vector<2000x32xf32>
    %add3A_86 = arith.addf %dot_general3A_85, %slice3A_42 : vector<2000x32xf32>
    %swap3A = arith.constant 0 : index
    %swap3A_87 = arith.constant 0 : index
    %swap3A_88 = vector.load %arg8[%swap3A, %swap3A_87] : memref<2000x32xf32, #tpu.memory_space<vmem>>, vector<2000x32xf32>
    tpu.vector_store %arg8[%swap3A, %swap3A_87], %add3A_86 {strides = array<i32>} : memref<2000x32xf32, #tpu.memory_space<vmem>>, vector<2000x32xf32>,
    %eq3A = arith.constant 0 : i32
    %eq3A_89 = arith.cmpi eq, %arg0, %eq3A : i32
    %convert_element_type3A_90 = arith.extui %eq3A_89 : i1 to i32
    %cond3A = arith.constant 0 : i32
    %cond3A_91 = arith.cmpi ne, %convert_element_type3A_90, %cond3A : i32
    scf.if %cond3A_91 {
      %broadcast_in_dim3A_139 = arith.constant 0.000000e+00 : f32
      %broadcast_in_dim3A_140 = vector.broadcast %broadcast_in_dim3A_139 : f32 to vector<3x3x32xf32>
      %swap3A_141 = arith.constant 0 : index
      %swap3A_142 = arith.constant 0 : index
      %swap3A_143 = arith.constant 0 : index
      %swap3A_144 = vector.load %arg9[%swap3A_141, %swap3A_142, %swap3A_143] : memref<3x3x32xf32, #tpu.memory_space<vmem>>, vector<3x3x32xf32>
      tpu.vector_store %arg9[%swap3A_141, %swap3A_142, %swap3A_143], %broadcast_in_dim3A_140 {strides = array<i32>} : memref<3x3x32xf32, #tpu.memory_space<vmem>>, vector<3x3x32xf32>,
    } else {
    }
    %transpose3A = tpu.transpose %get3A_4, [1, 0] : vector<2000x3xf32> -> vector<3x2000xf32>
    %convert_element_type3A_92 = arith.truncf %transpose3A : vector<3x2000xf32> to vector<3x2000xbf16>
    %convert_element_type3A_93 = arith.truncf %add3A_86 : vector<2000x32xf32> to vector<2000x32xbf16>
    %get3A_94 = arith.constant 0 : index
    %get3A_95 = arith.constant 0 : index
    %get3A_96 = arith.constant 0 : index
    %get3A_97 = vector.load %arg9[%get3A_94, %get3A_95, %get3A_96] : memref<3x3x32xf32, #tpu.memory_space<vmem>>, vector<1x3x32xf32>
    %get3A_98 = vector.shape_cast %get3A_97 : vector<1x3x32xf32> to vector<3x32xf32>
    %dot_general3A_99 = arith.constant dense<0.000000e+00> : vector<3x32xf32>
    %dot_general3A_100 = tpu.matmul %convert_element_type3A_92, %convert_element_type3A_93, %dot_general3A_99 {dimension_numbers = #tpu.dot_dimension_numbers<[1], [0], [0], [1], [0, 0, 1, 1], [], []>, transpose_lhs_hint = false} : vector<3x2000xbf16>, vector<2000x32xbf16>, vector<3x32xf32> -> vector<3x32xf32>
    %add3A_101 = arith.addf %get3A_98, %dot_general3A_100 : vector<3x32xf32>
    %swap3A_102 = arith.constant 0 : index
    %swap3A_103 = arith.constant 0 : index
    %swap3A_104 = arith.constant 0 : index
    %swap3A_105 = vector.load %arg9[%swap3A_102, %swap3A_103, %swap3A_104] : memref<3x3x32xf32, #tpu.memory_space<vmem>>, vector<1x3x32xf32>
    %swap3A_106 = vector.shape_cast %swap3A_105 : vector<1x3x32xf32> to vector<3x32xf32>
    %swap3A_107 = vector.shape_cast %add3A_101 : vector<3x32xf32> to vector<1x3x32xf32>
    tpu.vector_store %arg9[%swap3A_102, %swap3A_103, %swap3A_104], %swap3A_107 {strides = array<i32>} : memref<3x3x32xf32, #tpu.memory_space<vmem>>, vector<1x3x32xf32>,
    %get3A_108 = arith.constant 1 : index
    %get3A_109 = arith.constant 0 : index
    %get3A_110 = arith.constant 0 : index
    %get3A_111 = vector.load %arg9[%get3A_108, %get3A_109, %get3A_110] : memref<3x3x32xf32, #tpu.memory_space<vmem>>, vector<1x3x32xf32>
    %get3A_112 = vector.shape_cast %get3A_111 : vector<1x3x32xf32> to vector<3x32xf32>
    %mul3A_113 = arith.mulf %add3A_86, %add3A_86 : vector<2000x32xf32>
    %convert_element_type3A_114 = arith.truncf %mul3A_113 : vector<2000x32xf32> to vector<2000x32xbf16>
    %dot_general3A_115 = arith.constant dense<0.000000e+00> : vector<3x32xf32>
    %dot_general3A_116 = tpu.matmul %convert_element_type3A_92, %convert_element_type3A_114, %dot_general3A_115 {dimension_numbers = #tpu.dot_dimension_numbers<[1], [0], [0], [1], [0, 0, 1, 1], [], []>, transpose_lhs_hint = false} : vector<3x2000xbf16>, vector<2000x32xbf16>, vector<3x32xf32> -> vector<3x32xf32>
    %add3A_117 = arith.addf %get3A_112, %dot_general3A_116 : vector<3x32xf32>
    %swap3A_118 = arith.constant 1 : index
    %swap3A_119 = arith.constant 0 : index
    %swap3A_120 = arith.constant 0 : index
    %swap3A_121 = vector.load %arg9[%swap3A_118, %swap3A_119, %swap3A_120] : memref<3x3x32xf32, #tpu.memory_space<vmem>>, vector<1x3x32xf32>
    %swap3A_122 = vector.shape_cast %swap3A_121 : vector<1x3x32xf32> to vector<3x32xf32>
    %swap3A_123 = vector.shape_cast %add3A_117 : vector<3x32xf32> to vector<1x3x32xf32>
    tpu.vector_store %arg9[%swap3A_118, %swap3A_119, %swap3A_120], %swap3A_123 {strides = array<i32>} : memref<3x3x32xf32, #tpu.memory_space<vmem>>, vector<1x3x32xf32>,
    %get3A_124 = arith.constant 2 : index
    %get3A_125 = arith.constant 0 : index
    %get3A_126 = arith.constant 0 : index
    %get3A_127 = vector.load %arg9[%get3A_124, %get3A_125, %get3A_126] : memref<3x3x32xf32, #tpu.memory_space<vmem>>, vector<1x3x32xf32>
    %get3A_128 = vector.shape_cast %get3A_127 : vector<1x3x32xf32> to vector<3x32xf32>
    %broadcast_in_dim3A = arith.constant 1.000000e+00 : bf16
    %broadcast_in_dim3A_129 = vector.broadcast %broadcast_in_dim3A : bf16 to vector<2000x32xbf16>
    %dot_general3A_130 = arith.constant dense<0.000000e+00> : vector<3x32xf32>
    %dot_general3A_131 = tpu.matmul %convert_element_type3A_92, %broadcast_in_dim3A_129, %dot_general3A_130 {dimension_numbers = #tpu.dot_dimension_numbers<[1], [0], [0], [1], [0, 0, 1, 1], [], []>, transpose_lhs_hint = false} : vector<3x2000xbf16>, vector<2000x32xbf16>, vector<3x32xf32> -> vector<3x32xf32>
    %add3A_132 = arith.addf %get3A_128, %dot_general3A_131 : vector<3x32xf32>
    %swap3A_133 = arith.constant 2 : index
    %swap3A_134 = arith.constant 0 : index
    %swap3A_135 = arith.constant 0 : index
    %swap3A_136 = vector.load %arg9[%swap3A_133, %swap3A_134, %swap3A_135] : memref<3x3x32xf32, #tpu.memory_space<vmem>>, vector<1x3x32xf32>
    %swap3A_137 = vector.shape_cast %swap3A_136 : vector<1x3x32xf32> to vector<3x32xf32>
    %swap3A_138 = vector.shape_cast %add3A_132 : vector<3x32xf32> to vector<1x3x32xf32>
    tpu.vector_store %arg9[%swap3A_133, %swap3A_134, %swap3A_135], %swap3A_138 {strides = array<i32>} : memref<3x3x32xf32, #tpu.memory_space<vmem>>, vector<1x3x32xf32>,
    return
  }
  func.func @transform_0(%arg0: i32) -> (i32, i32) {
    %c0_i32 = arith.constant 0 : i32
    %c0_i32_0 = arith.constant 0 : i32
    return %arg0, %c0_i32 : i32, i32
  }
  func.func @transform_1(%arg0: i32) -> (i32, i32) {
    %c0_i32 = arith.constant 0 : i32
    %c0_i32_0 = arith.constant 0 : i32
    return %arg0, %c0_i32 : i32, i32
  }
  func.func @transform_2(%arg0: i32) -> (i32, i32) {
    %c0_i32 = arith.constant 0 : i32
    %c0_i32_0 = arith.constant 0 : i32
    %c0_i32_1 = arith.constant 0 : i32
    return %c0_i32, %c0_i32_0 : i32, i32
  }
  func.func @transform_3(%arg0: i32) -> (i32, i32) {
    %c0_i32 = arith.constant 0 : i32
    %c0_i32_0 = arith.constant 0 : i32
    %c0_i32_1 = arith.constant 0 : i32
    return %c0_i32, %c0_i32_0 : i32, i32
  }
  func.func @transform_4(%arg0: i32) -> (i32, i32, i32) {
    %c0_i32 = arith.constant 0 : i32
    %c0_i32_0 = arith.constant 0 : i32
    %c0_i32_1 = arith.constant 0 : i32
    %c0_i32_2 = arith.constant 0 : i32
    return %c0_i32, %c0_i32_0, %c0_i32_1 : i32, i32, i32
  }
  func.func @transform_5(%arg0: i32) -> (i32, i32) {
    %c0_i32 = arith.constant 0 : i32
    %c0_i32_0 = arith.constant 0 : i32
    %c0_i32_1 = arith.constant 0 : i32
    return %c0_i32, %c0_i32_0 : i32, i32
  }
  func.func @transform_6(%arg0: i32) -> (i32, i32) {
    %c0_i32 = arith.constant 0 : i32
    %c0_i32_0 = arith.constant 0 : i32
    %c0_i32_1 = arith.constant 0 : i32
    return %c0_i32, %c0_i32_0 : i32, i32
  }
  func.func @transform_7(%arg0: i32) -> (i32, i32) {
    %c0_i32 = arith.constant 0 : i32
    %c0_i32_0 = arith.constant 0 : i32
    return %arg0, %c0_i32 : i32, i32
  }
  func.func @transform_8(%arg0: i32) -> (i32, i32, i32) {
    %c0_i32 = arith.constant 0 : i32
    %c0_i32_0 = arith.constant 0 : i32
    %c0_i32_1 = arith.constant 0 : i32
    %c0_i32_2 = arith.constant 0 : i32
    return %c0_i32, %c0_i32_0, %c0_i32_1 : i32, i32, i32
  }
}

module attributes {stable_mosaic.version = 14 : i64} {
  func.func @_rgcn_dense_body(%arg0: i32, %arg1: memref<2000x32xf32, #tpu.memory_space<vmem>>, %arg2: memref<2000x3xf32, #tpu.memory_space<vmem>>, %arg3: memref<3x3x32xf32, #tpu.memory_space<vmem>>, %arg4: memref<3x32xf32, #tpu.memory_space<vmem>>, %arg5: memref<3x32xf32, #tpu.memory_space<vmem>>, %arg6: memref<96x160xbf16, #tpu.memory_space<vmem>>, %arg7: memref<2000x128xf32, #tpu.memory_space<vmem>>, %arg8: memref<2000x32xf32, #tpu.memory_space<vmem>>) attributes {dimension_semantics = [#tpu.dimension_semantics<arbitrary>], iteration_bounds = array<i64: 5>, scalar_prefetch = 0 : i64, scratch_operands = 0 : i64, tpu.core_type = #tpu.core_type<tc>, window_params = [{transform_indices = @transform_0, window_bounds = array<i64: 2000, 32>}, {transform_indices = @transform_1, window_bounds = array<i64: 2000, 3>}, {pipeline_mode = #tpu.pipeline_mode<synchronous>, transform_indices = @transform_2, window_bounds = array<i64: 3, 3, 32>}, {pipeline_mode = #tpu.pipeline_mode<synchronous>, transform_indices = @transform_3, window_bounds = array<i64: 3, 32>}, {pipeline_mode = #tpu.pipeline_mode<synchronous>, transform_indices = @transform_4, window_bounds = array<i64: 3, 32>}, {pipeline_mode = #tpu.pipeline_mode<synchronous>, transform_indices = @transform_5, window_bounds = array<i64: 96, 160>}, {transform_indices = @transform_6, window_bounds = array<i64: 2000, 128>}, {transform_indices = @transform_7, window_bounds = array<i64: 2000, 32>}]} {
    %get3A = arith.constant 0 : index
    %get3A_0 = arith.constant 0 : index
    %get3A_1 = vector.load %arg2[%get3A, %get3A_0] : memref<2000x3xf32, #tpu.memory_space<vmem>>, vector<2000x3xf32>
    %convert_element_type3A = arith.truncf %get3A_1 : vector<2000x3xf32> to vector<2000x3xbf16>
    %get3A_2 = arith.constant 0 : index
    %get3A_3 = arith.constant 0 : index
    %get3A_4 = arith.constant 0 : index
    %get3A_5 = vector.load %arg3[%get3A_2, %get3A_3, %get3A_4] : memref<3x3x32xf32, #tpu.memory_space<vmem>>, vector<3x3x32xf32>
    %get3A_6 = arith.constant 0 : index
    %get3A_7 = arith.constant 0 : index
    %get3A_8 = vector.load %arg4[%get3A_6, %get3A_7] : memref<3x32xf32, #tpu.memory_space<vmem>>, vector<3x32xf32>
    %get3A_9 = arith.constant 0 : index
    %get3A_10 = arith.constant 0 : index
    %get3A_11 = vector.load %arg5[%get3A_9, %get3A_10] : memref<3x32xf32, #tpu.memory_space<vmem>>, vector<3x32xf32>
    %slice3A = vector.extract_strided_slice %get3A_5 {offsets = [2, 0, 0], sizes = [1, 3, 32], strides = [1, 1, 1]} : vector<3x3x32xf32> to vector<1x3x32xf32>
    %squeeze3A = vector.shape_cast %slice3A : vector<1x3x32xf32> to vector<3x32xf32>
    %max3A = arith.constant 1.000000e+00 : f32
    %max3A_12 = vector.broadcast %max3A : f32 to vector<3x32xf32>
    %max3A_13 = arith.maximumf %squeeze3A, %max3A_12 : vector<3x32xf32>
    %slice3A_14 = vector.extract_strided_slice %get3A_5 {offsets = [0, 0, 0], sizes = [1, 3, 32], strides = [1, 1, 1]} : vector<3x3x32xf32> to vector<1x3x32xf32>
    %squeeze3A_15 = vector.shape_cast %slice3A_14 : vector<1x3x32xf32> to vector<3x32xf32>
    %div3A = arith.divf %squeeze3A_15, %max3A_13 : vector<3x32xf32>
    %slice3A_16 = vector.extract_strided_slice %get3A_5 {offsets = [1, 0, 0], sizes = [1, 3, 32], strides = [1, 1, 1]} : vector<3x3x32xf32> to vector<1x3x32xf32>
    %squeeze3A_17 = vector.shape_cast %slice3A_16 : vector<1x3x32xf32> to vector<3x32xf32>
    %div3A_18 = arith.divf %squeeze3A_17, %max3A_13 : vector<3x32xf32>
    %mul3A = arith.mulf %div3A, %div3A : vector<3x32xf32>
    %sub3A = arith.subf %div3A_18, %mul3A : vector<3x32xf32>
    %max3A_19 = arith.constant 0.000000e+00 : f32
    %max3A_20 = vector.broadcast %max3A_19 : f32 to vector<3x32xf32>
    %max3A_21 = arith.maximumf %sub3A, %max3A_20 : vector<3x32xf32>
    %add3A = arith.constant 9.99999974E-6 : f32
    %add3A_22 = vector.broadcast %add3A : f32 to vector<3x32xf32>
    %add3A_23 = arith.addf %max3A_21, %add3A_22 : vector<3x32xf32>
    %rsqrt3A = math.rsqrt %add3A_23 : vector<3x32xf32>
    %mul3A_24 = arith.mulf %rsqrt3A, %get3A_8 : vector<3x32xf32>
    %mul3A_25 = arith.mulf %div3A, %mul3A_24 : vector<3x32xf32>
    %sub3A_26 = arith.subf %get3A_11, %mul3A_25 : vector<3x32xf32>
    %concatenate3A = tpu.concatenate %convert_element_type3A, %convert_element_type3A in 1 : vector<2000x3xbf16>, vector<2000x3xbf16> -> vector<2000x6xbf16>
    %concatenate3A_27 = tpu.concatenate %mul3A_24, %sub3A_26 in 1 : vector<3x32xf32>, vector<3x32xf32> -> vector<3x64xf32>
    %convert_element_type3A_28 = arith.truncf %concatenate3A_27 : vector<3x64xf32> to vector<3x64xbf16>
    %convert_element_type3A_29 = arith.extf %convert_element_type3A_28 : vector<3x64xbf16> to vector<3x64xf32>
    %sub3A_30 = arith.subf %concatenate3A_27, %convert_element_type3A_29 : vector<3x64xf32>
    %convert_element_type3A_31 = arith.truncf %sub3A_30 : vector<3x64xf32> to vector<3x64xbf16>
    %concatenate3A_32 = tpu.concatenate %convert_element_type3A_28, %convert_element_type3A_31 in 0 : vector<3x64xbf16>, vector<3x64xbf16> -> vector<6x64xbf16>
    %dot_general3A = arith.constant dense<0.000000e+00> : vector<2000x64xf32>
    %dot_general3A_33 = tpu.matmul %concatenate3A, %concatenate3A_32, %dot_general3A {dimension_numbers = #tpu.dot_dimension_numbers<[1], [0], [0], [1], [0, 0, 1, 1], [], []>, transpose_lhs_hint = false} : vector<2000x6xbf16>, vector<6x64xbf16>, vector<2000x64xf32> -> vector<2000x64xf32>
    %slice3A_34 = vector.extract_strided_slice %dot_general3A_33 {offsets = [0, 0], sizes = [2000, 32], strides = [1, 1]} : vector<2000x64xf32> to vector<2000x32xf32>
    %slice3A_35 = vector.extract_strided_slice %dot_general3A_33 {offsets = [0, 32], sizes = [2000, 32], strides = [1, 1]} : vector<2000x64xf32> to vector<2000x32xf32>
    %get3A_36 = arith.constant 0 : index
    %get3A_37 = arith.constant 0 : index
    %get3A_38 = vector.load %arg1[%get3A_36, %get3A_37] : memref<2000x32xf32, #tpu.memory_space<vmem>>, vector<2000x32xf32>
    %mul3A_39 = arith.mulf %get3A_38, %slice3A_34 : vector<2000x32xf32>
    %add3A_40 = arith.addf %mul3A_39, %slice3A_35 : vector<2000x32xf32>
    %jit3A = arith.constant 0.00999999977 : f32
    %ge3A = arith.constant 0.000000e+00 : f32
    %ge3A_41 = vector.broadcast %ge3A : f32 to vector<2000x32xf32>
    %ge3A_42 = arith.cmpf oge, %add3A_40, %ge3A_41 : vector<2000x32xf32>
    %mul3A_43 = vector.broadcast %jit3A : f32 to vector<2000x32xf32>
    %mul3A_44 = arith.mulf %mul3A_43, %add3A_40 : vector<2000x32xf32>
    %select_n3A = arith.select %ge3A_42, %add3A_40, %mul3A_44 : vector<2000x32xi1>, vector<2000x32xf32>
    %convert_element_type3A_45 = arith.truncf %select_n3A : vector<2000x32xf32> to vector<2000x32xbf16>
    %convert_element_type3A_46 = arith.extf %convert_element_type3A_45 : vector<2000x32xbf16> to vector<2000x32xf32>
    %sub3A_47 = arith.subf %select_n3A, %convert_element_type3A_46 : vector<2000x32xf32>
    %convert_element_type3A_48 = arith.truncf %sub3A_47 : vector<2000x32xf32> to vector<2000x32xbf16>
    %concatenate3A_49 = tpu.concatenate %convert_element_type3A_45, %convert_element_type3A_48, %convert_element_type3A_45 in 1 : vector<2000x32xbf16>, vector<2000x32xbf16>, vector<2000x32xbf16> -> vector<2000x96xbf16>
    %get3A_50 = arith.constant 0 : index
    %get3A_51 = arith.constant 0 : index
    %get3A_52 = vector.load %arg6[%get3A_50, %get3A_51] : memref<96x160xbf16, #tpu.memory_space<vmem>>, vector<96x160xbf16>
    %dot_general3A_53 = arith.constant dense<0.000000e+00> : vector<2000x160xf32>
    %dot_general3A_54 = tpu.matmul %concatenate3A_49, %get3A_52, %dot_general3A_53 {dimension_numbers = #tpu.dot_dimension_numbers<[1], [0], [0], [1], [0, 0, 1, 1], [], []>, transpose_lhs_hint = false} : vector<2000x96xbf16>, vector<96x160xbf16>, vector<2000x160xf32> -> vector<2000x160xf32>
    %slice3A_55 = vector.extract_strided_slice %dot_general3A_54 {offsets = [0, 0], sizes = [2000, 128], strides = [1, 1]} : vector<2000x160xf32> to vector<2000x128xf32>
    %swap3A = arith.constant 0 : index
    %swap3A_56 = arith.constant 0 : index
    %swap3A_57 = vector.load %arg7[%swap3A, %swap3A_56] : memref<2000x128xf32, #tpu.memory_space<vmem>>, vector<2000x128xf32>
    tpu.vector_store %arg7[%swap3A, %swap3A_56], %slice3A_55 {strides = array<i32>} : memref<2000x128xf32, #tpu.memory_space<vmem>>, vector<2000x128xf32>,
    %slice3A_58 = vector.extract_strided_slice %dot_general3A_54 {offsets = [0, 128], sizes = [2000, 32], strides = [1, 1]} : vector<2000x160xf32> to vector<2000x32xf32>
    %swap3A_59 = arith.constant 0 : index
    %swap3A_60 = arith.constant 0 : index
    %swap3A_61 = vector.load %arg8[%swap3A_59, %swap3A_60] : memref<2000x32xf32, #tpu.memory_space<vmem>>, vector<2000x32xf32>
    tpu.vector_store %arg8[%swap3A_59, %swap3A_60], %slice3A_58 {strides = array<i32>} : memref<2000x32xf32, #tpu.memory_space<vmem>>, vector<2000x32xf32>,
    return
  }
  func.func @transform_0(%arg0: i32) -> (i32, i32) {
    %c0_i32 = arith.constant 0 : i32
    %c0_i32_0 = arith.constant 0 : i32
    return %arg0, %c0_i32 : i32, i32
  }
  func.func @transform_1(%arg0: i32) -> (i32, i32) {
    %c0_i32 = arith.constant 0 : i32
    %c0_i32_0 = arith.constant 0 : i32
    return %arg0, %c0_i32 : i32, i32
  }
  func.func @transform_2(%arg0: i32) -> (i32, i32, i32) {
    %c0_i32 = arith.constant 0 : i32
    %c0_i32_0 = arith.constant 0 : i32
    %c0_i32_1 = arith.constant 0 : i32
    %c0_i32_2 = arith.constant 0 : i32
    return %c0_i32, %c0_i32_0, %c0_i32_1 : i32, i32, i32
  }
  func.func @transform_3(%arg0: i32) -> (i32, i32) {
    %c0_i32 = arith.constant 0 : i32
    %c0_i32_0 = arith.constant 0 : i32
    %c0_i32_1 = arith.constant 0 : i32
    return %c0_i32, %c0_i32_0 : i32, i32
  }
  func.func @transform_4(%arg0: i32) -> (i32, i32) {
    %c0_i32 = arith.constant 0 : i32
    %c0_i32_0 = arith.constant 0 : i32
    %c0_i32_1 = arith.constant 0 : i32
    return %c0_i32, %c0_i32_0 : i32, i32
  }
  func.func @transform_5(%arg0: i32) -> (i32, i32) {
    %c0_i32 = arith.constant 0 : i32
    %c0_i32_0 = arith.constant 0 : i32
    %c0_i32_1 = arith.constant 0 : i32
    return %c0_i32, %c0_i32_0 : i32, i32
  }
  func.func @transform_6(%arg0: i32) -> (i32, i32) {
    %c0_i32 = arith.constant 0 : i32
    %c0_i32_0 = arith.constant 0 : i32
    return %arg0, %c0_i32 : i32, i32
  }
  func.func @transform_7(%arg0: i32) -> (i32, i32) {
    %c0_i32 = arith.constant 0 : i32
    %c0_i32_0 = arith.constant 0 : i32
    return %arg0, %c0_i32 : i32, i32
  }
}

module attributes {stable_mosaic.version = 14 : i64} {
  func.func @_combine_body(%arg0: i32, %arg1: memref<2000x32xf32, #tpu.memory_space<vmem>>, %arg2: memref<2x2000x32xf32, #tpu.memory_space<vmem>>, %arg3: memref<2000x32xf32, #tpu.memory_space<vmem>>, %arg4: memref<1x32xf32, #tpu.memory_space<vmem>>, %arg5: memref<2000x3xf32, #tpu.memory_space<vmem>>, %arg6: memref<2000x32xf32, #tpu.memory_space<vmem>>, %arg7: memref<3x3x32xf32, #tpu.memory_space<vmem>>) attributes {dimension_semantics = [#tpu.dimension_semantics<arbitrary>], iteration_bounds = array<i64: 5>, scalar_prefetch = 0 : i64, scratch_operands = 0 : i64, tpu.core_type = #tpu.core_type<tc>, window_params = [{transform_indices = @transform_0, window_bounds = array<i64: 2000, 32>}, {transform_indices = @transform_1, window_bounds = array<i64: 2, 2000, 32>}, {transform_indices = @transform_2, window_bounds = array<i64: 2000, 32>}, {pipeline_mode = #tpu.pipeline_mode<synchronous>, transform_indices = @transform_3, window_bounds = array<i64: 1, 32>}, {transform_indices = @transform_4, window_bounds = array<i64: 2000, 3>}, {transform_indices = @transform_5, window_bounds = array<i64: 2000, 32>}, {pipeline_mode = #tpu.pipeline_mode<synchronous>, transform_indices = @transform_6, window_bounds = array<i64: 3, 3, 32>}]} {
    %get3A = arith.constant 0 : index
    %get3A_0 = arith.constant 0 : index
    %get3A_1 = vector.load %arg1[%get3A, %get3A_0] : memref<2000x32xf32, #tpu.memory_space<vmem>>, vector<2000x32xf32>
    %get3A_2 = arith.constant 0 : index
    %get3A_3 = arith.constant 0 : index
    %get3A_4 = arith.constant 0 : index
    %get3A_5 = vector.load %arg2[%get3A_2, %get3A_3, %get3A_4] : memref<2x2000x32xf32, #tpu.memory_space<vmem>>, vector<1x2000x32xf32>
    %get3A_6 = vector.shape_cast %get3A_5 : vector<1x2000x32xf32> to vector<2000x32xf32>
    %add3A = arith.addf %get3A_1, %get3A_6 : vector<2000x32xf32>
    %get3A_7 = arith.constant 1 : index
    %get3A_8 = arith.constant 0 : index
    %get3A_9 = arith.constant 0 : index
    %get3A_10 = vector.load %arg2[%get3A_7, %get3A_8, %get3A_9] : memref<2x2000x32xf32, #tpu.memory_space<vmem>>, vector<1x2000x32xf32>
    %get3A_11 = vector.shape_cast %get3A_10 : vector<1x2000x32xf32> to vector<2000x32xf32>
    %add3A_12 = arith.addf %add3A, %get3A_11 : vector<2000x32xf32>
    %get3A_13 = arith.constant 0 : index
    %get3A_14 = arith.constant 0 : index
    %get3A_15 = vector.load %arg3[%get3A_13, %get3A_14] : memref<2000x32xf32, #tpu.memory_space<vmem>>, vector<2000x32xf32>
    %add3A_16 = arith.addf %add3A_12, %get3A_15 : vector<2000x32xf32>
    %get3A_17 = arith.constant 0 : index
    %get3A_18 = arith.constant 0 : index
    %get3A_19 = vector.load %arg4[%get3A_17, %get3A_18] : memref<1x32xf32, #tpu.memory_space<vmem>>, vector<1x32xf32>
    %add3A_20 = vector.broadcast %get3A_19 : vector<1x32xf32> to vector<2000x32xf32>
    %add3A_21 = arith.addf %add3A_16, %add3A_20 : vector<2000x32xf32>
    %swap3A = arith.constant 0 : index
    %swap3A_22 = arith.constant 0 : index
    %swap3A_23 = vector.load %arg6[%swap3A, %swap3A_22] : memref<2000x32xf32, #tpu.memory_space<vmem>>, vector<2000x32xf32>
    tpu.vector_store %arg6[%swap3A, %swap3A_22], %add3A_21 {strides = array<i32>} : memref<2000x32xf32, #tpu.memory_space<vmem>>, vector<2000x32xf32>,
    %get3A_24 = arith.constant 0 : index
    %get3A_25 = arith.constant 0 : index
    %get3A_26 = vector.load %arg5[%get3A_24, %get3A_25] : memref<2000x3xf32, #tpu.memory_space<vmem>>, vector<2000x3xf32>
    %eq3A = arith.constant 0 : i32
    %eq3A_27 = arith.cmpi eq, %arg0, %eq3A : i32
    %convert_element_type3A = arith.extui %eq3A_27 : i1 to i32
    %cond3A = arith.constant 0 : i32
    %cond3A_28 = arith.cmpi ne, %convert_element_type3A, %cond3A : i32
    scf.if %cond3A_28 {
      %broadcast_in_dim3A_74 = arith.constant 0.000000e+00 : f32
      %broadcast_in_dim3A_75 = vector.broadcast %broadcast_in_dim3A_74 : f32 to vector<3x3x32xf32>
      %swap3A_76 = arith.constant 0 : index
      %swap3A_77 = arith.constant 0 : index
      %swap3A_78 = arith.constant 0 : index
      %swap3A_79 = vector.load %arg7[%swap3A_76, %swap3A_77, %swap3A_78] : memref<3x3x32xf32, #tpu.memory_space<vmem>>, vector<3x3x32xf32>
      tpu.vector_store %arg7[%swap3A_76, %swap3A_77, %swap3A_78], %broadcast_in_dim3A_75 {strides = array<i32>} : memref<3x3x32xf32, #tpu.memory_space<vmem>>, vector<3x3x32xf32>,
    } else {
    }
    %transpose3A = tpu.transpose %get3A_26, [1, 0] : vector<2000x3xf32> -> vector<3x2000xf32>
    %convert_element_type3A_29 = arith.truncf %transpose3A : vector<3x2000xf32> to vector<3x2000xbf16>
    %convert_element_type3A_30 = arith.truncf %add3A_21 : vector<2000x32xf32> to vector<2000x32xbf16>
    %get3A_31 = arith.constant 0 : index
    %get3A_32 = arith.constant 0 : index
    %get3A_33 = arith.constant 0 : index
    %get3A_34 = vector.load %arg7[%get3A_31, %get3A_32, %get3A_33] : memref<3x3x32xf32, #tpu.memory_space<vmem>>, vector<1x3x32xf32>
    %get3A_35 = vector.shape_cast %get3A_34 : vector<1x3x32xf32> to vector<3x32xf32>
    %dot_general3A = arith.constant dense<0.000000e+00> : vector<3x32xf32>
    %dot_general3A_36 = tpu.matmul %convert_element_type3A_29, %convert_element_type3A_30, %dot_general3A {dimension_numbers = #tpu.dot_dimension_numbers<[1], [0], [0], [1], [0, 0, 1, 1], [], []>, transpose_lhs_hint = false} : vector<3x2000xbf16>, vector<2000x32xbf16>, vector<3x32xf32> -> vector<3x32xf32>
    %add3A_37 = arith.addf %get3A_35, %dot_general3A_36 : vector<3x32xf32>
    %swap3A_38 = arith.constant 0 : index
    %swap3A_39 = arith.constant 0 : index
    %swap3A_40 = arith.constant 0 : index
    %swap3A_41 = vector.load %arg7[%swap3A_38, %swap3A_39, %swap3A_40] : memref<3x3x32xf32, #tpu.memory_space<vmem>>, vector<1x3x32xf32>
    %swap3A_42 = vector.shape_cast %swap3A_41 : vector<1x3x32xf32> to vector<3x32xf32>
    %swap3A_43 = vector.shape_cast %add3A_37 : vector<3x32xf32> to vector<1x3x32xf32>
    tpu.vector_store %arg7[%swap3A_38, %swap3A_39, %swap3A_40], %swap3A_43 {strides = array<i32>} : memref<3x3x32xf32, #tpu.memory_space<vmem>>, vector<1x3x32xf32>,
    %get3A_44 = arith.constant 1 : index
    %get3A_45 = arith.constant 0 : index
    %get3A_46 = arith.constant 0 : index
    %get3A_47 = vector.load %arg7[%get3A_44, %get3A_45, %get3A_46] : memref<3x3x32xf32, #tpu.memory_space<vmem>>, vector<1x3x32xf32>
    %get3A_48 = vector.shape_cast %get3A_47 : vector<1x3x32xf32> to vector<3x32xf32>
    %mul3A = arith.mulf %add3A_21, %add3A_21 : vector<2000x32xf32>
    %convert_element_type3A_49 = arith.truncf %mul3A : vector<2000x32xf32> to vector<2000x32xbf16>
    %dot_general3A_50 = arith.constant dense<0.000000e+00> : vector<3x32xf32>
    %dot_general3A_51 = tpu.matmul %convert_element_type3A_29, %convert_element_type3A_49, %dot_general3A_50 {dimension_numbers = #tpu.dot_dimension_numbers<[1], [0], [0], [1], [0, 0, 1, 1], [], []>, transpose_lhs_hint = false} : vector<3x2000xbf16>, vector<2000x32xbf16>, vector<3x32xf32> -> vector<3x32xf32>
    %add3A_52 = arith.addf %get3A_48, %dot_general3A_51 : vector<3x32xf32>
    %swap3A_53 = arith.constant 1 : index
    %swap3A_54 = arith.constant 0 : index
    %swap3A_55 = arith.constant 0 : index
    %swap3A_56 = vector.load %arg7[%swap3A_53, %swap3A_54, %swap3A_55] : memref<3x3x32xf32, #tpu.memory_space<vmem>>, vector<1x3x32xf32>
    %swap3A_57 = vector.shape_cast %swap3A_56 : vector<1x3x32xf32> to vector<3x32xf32>
    %swap3A_58 = vector.shape_cast %add3A_52 : vector<3x32xf32> to vector<1x3x32xf32>
    tpu.vector_store %arg7[%swap3A_53, %swap3A_54, %swap3A_55], %swap3A_58 {strides = array<i32>} : memref<3x3x32xf32, #tpu.memory_space<vmem>>, vector<1x3x32xf32>,
    %get3A_59 = arith.constant 2 : index
    %get3A_60 = arith.constant 0 : index
    %get3A_61 = arith.constant 0 : index
    %get3A_62 = vector.load %arg7[%get3A_59, %get3A_60, %get3A_61] : memref<3x3x32xf32, #tpu.memory_space<vmem>>, vector<1x3x32xf32>
    %get3A_63 = vector.shape_cast %get3A_62 : vector<1x3x32xf32> to vector<3x32xf32>
    %broadcast_in_dim3A = arith.constant 1.000000e+00 : bf16
    %broadcast_in_dim3A_64 = vector.broadcast %broadcast_in_dim3A : bf16 to vector<2000x32xbf16>
    %dot_general3A_65 = arith.constant dense<0.000000e+00> : vector<3x32xf32>
    %dot_general3A_66 = tpu.matmul %convert_element_type3A_29, %broadcast_in_dim3A_64, %dot_general3A_65 {dimension_numbers = #tpu.dot_dimension_numbers<[1], [0], [0], [1], [0, 0, 1, 1], [], []>, transpose_lhs_hint = false} : vector<3x2000xbf16>, vector<2000x32xbf16>, vector<3x32xf32> -> vector<3x32xf32>
    %add3A_67 = arith.addf %get3A_63, %dot_general3A_66 : vector<3x32xf32>
    %swap3A_68 = arith.constant 2 : index
    %swap3A_69 = arith.constant 0 : index
    %swap3A_70 = arith.constant 0 : index
    %swap3A_71 = vector.load %arg7[%swap3A_68, %swap3A_69, %swap3A_70] : memref<3x3x32xf32, #tpu.memory_space<vmem>>, vector<1x3x32xf32>
    %swap3A_72 = vector.shape_cast %swap3A_71 : vector<1x3x32xf32> to vector<3x32xf32>
    %swap3A_73 = vector.shape_cast %add3A_67 : vector<3x32xf32> to vector<1x3x32xf32>
    tpu.vector_store %arg7[%swap3A_68, %swap3A_69, %swap3A_70], %swap3A_73 {strides = array<i32>} : memref<3x3x32xf32, #tpu.memory_space<vmem>>, vector<1x3x32xf32>,
    return
  }
  func.func @transform_0(%arg0: i32) -> (i32, i32) {
    %c0_i32 = arith.constant 0 : i32
    %c0_i32_0 = arith.constant 0 : i32
    return %arg0, %c0_i32 : i32, i32
  }
  func.func @transform_1(%arg0: i32) -> (i32, i32, i32) {
    %c0_i32 = arith.constant 0 : i32
    %c0_i32_0 = arith.constant 0 : i32
    %c0_i32_1 = arith.constant 0 : i32
    return %c0_i32, %arg0, %c0_i32_0 : i32, i32, i32
  }
  func.func @transform_2(%arg0: i32) -> (i32, i32) {
    %c0_i32 = arith.constant 0 : i32
    %c0_i32_0 = arith.constant 0 : i32
    return %arg0, %c0_i32 : i32, i32
  }
  func.func @transform_3(%arg0: i32) -> (i32, i32) {
    %c0_i32 = arith.constant 0 : i32
    %c0_i32_0 = arith.constant 0 : i32
    %c0_i32_1 = arith.constant 0 : i32
    return %c0_i32, %c0_i32_0 : i32, i32
  }
  func.func @transform_4(%arg0: i32) -> (i32, i32) {
    %c0_i32 = arith.constant 0 : i32
    %c0_i32_0 = arith.constant 0 : i32
    return %arg0, %c0_i32 : i32, i32
  }
  func.func @transform_5(%arg0: i32) -> (i32, i32) {
    %c0_i32 = arith.constant 0 : i32
    %c0_i32_0 = arith.constant 0 : i32
    return %arg0, %c0_i32 : i32, i32
  }
  func.func @transform_6(%arg0: i32) -> (i32, i32, i32) {
    %c0_i32 = arith.constant 0 : i32
    %c0_i32_0 = arith.constant 0 : i32
    %c0_i32_1 = arith.constant 0 : i32
    %c0_i32_2 = arith.constant 0 : i32
    return %c0_i32, %c0_i32_0, %c0_i32_1 : i32, i32, i32
  }
}

module attributes {stable_mosaic.version = 14 : i64} {
  func.func @_stage_body(%arg0: i32, %arg1: memref<2000x32xf32, #tpu.memory_space<vmem>>, %arg2: memref<2000x3xf32, #tpu.memory_space<vmem>>, %arg3: memref<288x256xbf16, #tpu.memory_space<vmem>>, %arg4: memref<3x256xf32, #tpu.memory_space<vmem>>, %arg5: memref<3x3x32xf32, #tpu.memory_space<vmem>>, %arg6: memref<3x32xf32, #tpu.memory_space<vmem>>, %arg7: memref<3x32xf32, #tpu.memory_space<vmem>>, %arg8: memref<2000x256xf32, #tpu.memory_space<vmem>>, %arg9: memref<3x3x256xf32, #tpu.memory_space<vmem>>) attributes {dimension_semantics = [#tpu.dimension_semantics<arbitrary>], iteration_bounds = array<i64: 5>, scalar_prefetch = 0 : i64, scratch_operands = 0 : i64, tpu.core_type = #tpu.core_type<tc>, window_params = [{transform_indices = @transform_0, window_bounds = array<i64: 2000, 32>}, {transform_indices = @transform_1, window_bounds = array<i64: 2000, 3>}, {pipeline_mode = #tpu.pipeline_mode<synchronous>, transform_indices = @transform_2, window_bounds = array<i64: 288, 256>}, {pipeline_mode = #tpu.pipeline_mode<synchronous>, transform_indices = @transform_3, window_bounds = array<i64: 3, 256>}, {pipeline_mode = #tpu.pipeline_mode<synchronous>, transform_indices = @transform_4, window_bounds = array<i64: 3, 3, 32>}, {pipeline_mode = #tpu.pipeline_mode<synchronous>, transform_indices = @transform_5, window_bounds = array<i64: 3, 32>}, {pipeline_mode = #tpu.pipeline_mode<synchronous>, transform_indices = @transform_6, window_bounds = array<i64: 3, 32>}, {transform_indices = @transform_7, window_bounds = array<i64: 2000, 256>}, {pipeline_mode = #tpu.pipeline_mode<synchronous>, transform_indices = @transform_8, window_bounds = array<i64: 3, 3, 256>}]} {
    %get3A = arith.constant 0 : index
    %get3A_0 = arith.constant 0 : index
    %get3A_1 = vector.load %arg1[%get3A, %get3A_0] : memref<2000x32xf32, #tpu.memory_space<vmem>>, vector<2000x32xf32>
    %get3A_2 = arith.constant 0 : index
    %get3A_3 = arith.constant 0 : index
    %get3A_4 = vector.load %arg2[%get3A_2, %get3A_3] : memref<2000x3xf32, #tpu.memory_space<vmem>>, vector<2000x3xf32>
    %convert_element_type3A = arith.truncf %get3A_4 : vector<2000x3xf32> to vector<2000x3xbf16>
    %concatenate3A = tpu.concatenate %convert_element_type3A, %convert_element_type3A in 1 : vector<2000x3xbf16>, vector<2000x3xbf16> -> vector<2000x6xbf16>
    %get3A_5 = arith.constant 0 : index
    %get3A_6 = arith.constant 0 : index
    %get3A_7 = arith.constant 0 : index
    %get3A_8 = vector.load %arg5[%get3A_5, %get3A_6, %get3A_7] : memref<3x3x32xf32, #tpu.memory_space<vmem>>, vector<3x3x32xf32>
    %get3A_9 = arith.constant 0 : index
    %get3A_10 = arith.constant 0 : index
    %get3A_11 = vector.load %arg6[%get3A_9, %get3A_10] : memref<3x32xf32, #tpu.memory_space<vmem>>, vector<3x32xf32>
    %get3A_12 = arith.constant 0 : index
    %get3A_13 = arith.constant 0 : index
    %get3A_14 = vector.load %arg7[%get3A_12, %get3A_13] : memref<3x32xf32, #tpu.memory_space<vmem>>, vector<3x32xf32>
    %slice3A = vector.extract_strided_slice %get3A_8 {offsets = [2, 0, 0], sizes = [1, 3, 32], strides = [1, 1, 1]} : vector<3x3x32xf32> to vector<1x3x32xf32>
    %squeeze3A = vector.shape_cast %slice3A : vector<1x3x32xf32> to vector<3x32xf32>
    %max3A = arith.constant 1.000000e+00 : f32
    %max3A_15 = vector.broadcast %max3A : f32 to vector<3x32xf32>
    %max3A_16 = arith.maximumf %squeeze3A, %max3A_15 : vector<3x32xf32>
    %slice3A_17 = vector.extract_strided_slice %get3A_8 {offsets = [0, 0, 0], sizes = [1, 3, 32], strides = [1, 1, 1]} : vector<3x3x32xf32> to vector<1x3x32xf32>
    %squeeze3A_18 = vector.shape_cast %slice3A_17 : vector<1x3x32xf32> to vector<3x32xf32>
    %div3A = arith.divf %squeeze3A_18, %max3A_16 : vector<3x32xf32>
    %slice3A_19 = vector.extract_strided_slice %get3A_8 {offsets = [1, 0, 0], sizes = [1, 3, 32], strides = [1, 1, 1]} : vector<3x3x32xf32> to vector<1x3x32xf32>
    %squeeze3A_20 = vector.shape_cast %slice3A_19 : vector<1x3x32xf32> to vector<3x32xf32>
    %div3A_21 = arith.divf %squeeze3A_20, %max3A_16 : vector<3x32xf32>
    %mul3A = arith.mulf %div3A, %div3A : vector<3x32xf32>
    %sub3A = arith.subf %div3A_21, %mul3A : vector<3x32xf32>
    %max3A_22 = arith.constant 0.000000e+00 : f32
    %max3A_23 = vector.broadcast %max3A_22 : f32 to vector<3x32xf32>
    %max3A_24 = arith.maximumf %sub3A, %max3A_23 : vector<3x32xf32>
    %add3A = arith.constant 9.99999974E-6 : f32
    %add3A_25 = vector.broadcast %add3A : f32 to vector<3x32xf32>
    %add3A_26 = arith.addf %max3A_24, %add3A_25 : vector<3x32xf32>
    %rsqrt3A = math.rsqrt %add3A_26 : vector<3x32xf32>
    %mul3A_27 = arith.mulf %rsqrt3A, %get3A_11 : vector<3x32xf32>
    %mul3A_28 = arith.mulf %div3A, %mul3A_27 : vector<3x32xf32>
    %sub3A_29 = arith.subf %get3A_14, %mul3A_28 : vector<3x32xf32>
    %get3A_30 = arith.constant 0 : index
    %get3A_31 = arith.constant 0 : index
    %get3A_32 = vector.load %arg4[%get3A_30, %get3A_31] : memref<3x256xf32, #tpu.memory_space<vmem>>, vector<3x256xf32>
    %concatenate3A_33 = tpu.concatenate %mul3A_27, %sub3A_29, %get3A_32 in 1 : vector<3x32xf32>, vector<3x32xf32>, vector<3x256xf32> -> vector<3x320xf32>
    %convert_element_type3A_34 = arith.truncf %concatenate3A_33 : vector<3x320xf32> to vector<3x320xbf16>
    %convert_element_type3A_35 = arith.extf %convert_element_type3A_34 : vector<3x320xbf16> to vector<3x320xf32>
    %sub3A_36 = arith.subf %concatenate3A_33, %convert_element_type3A_35 : vector<3x320xf32>
    %convert_element_type3A_37 = arith.truncf %sub3A_36 : vector<3x320xf32> to vector<3x320xbf16>
    %concatenate3A_38 = tpu.concatenate %convert_element_type3A_34, %convert_element_type3A_37 in 0 : vector<3x320xbf16>, vector<3x320xbf16> -> vector<6x320xbf16>
    %dot_general3A = arith.constant dense<0.000000e+00> : vector<2000x320xf32>
    %dot_general3A_39 = tpu.matmul %concatenate3A, %concatenate3A_38, %dot_general3A {dimension_numbers = #tpu.dot_dimension_numbers<[1], [0], [0], [1], [0, 0, 1, 1], [], []>, transpose_lhs_hint = false} : vector<2000x6xbf16>, vector<6x320xbf16>, vector<2000x320xf32> -> vector<2000x320xf32>
    %slice3A_40 = vector.extract_strided_slice %dot_general3A_39 {offsets = [0, 0], sizes = [2000, 32], strides = [1, 1]} : vector<2000x320xf32> to vector<2000x32xf32>
    %slice3A_41 = vector.extract_strided_slice %dot_general3A_39 {offsets = [0, 32], sizes = [2000, 32], strides = [1, 1]} : vector<2000x320xf32> to vector<2000x32xf32>
    %slice3A_42 = vector.extract_strided_slice %dot_general3A_39 {offsets = [0, 64], sizes = [2000, 256], strides = [1, 1]} : vector<2000x320xf32> to vector<2000x256xf32>
    %mul3A_43 = arith.mulf %get3A_1, %slice3A_40 : vector<2000x32xf32>
    %add3A_44 = arith.addf %mul3A_43, %slice3A_41 : vector<2000x32xf32>
    %jit3A = arith.constant 0.00999999977 : f32
    %ge3A = arith.constant 0.000000e+00 : f32
    %ge3A_45 = vector.broadcast %ge3A : f32 to vector<2000x32xf32>
    %ge3A_46 = arith.cmpf oge, %add3A_44, %ge3A_45 : vector<2000x32xf32>
    %mul3A_47 = vector.broadcast %jit3A : f32 to vector<2000x32xf32>
    %mul3A_48 = arith.mulf %mul3A_47, %add3A_44 : vector<2000x32xf32>
    %select_n3A = arith.select %ge3A_46, %add3A_44, %mul3A_48 : vector<2000x32xi1>, vector<2000x32xf32>
    %convert_element_type3A_49 = arith.truncf %select_n3A : vector<2000x32xf32> to vector<2000x32xbf16>
    %convert_element_type3A_50 = arith.extf %convert_element_type3A_49 : vector<2000x32xbf16> to vector<2000x32xf32>
    %sub3A_51 = arith.subf %select_n3A, %convert_element_type3A_50 : vector<2000x32xf32>
    %convert_element_type3A_52 = arith.truncf %sub3A_51 : vector<2000x32xf32> to vector<2000x32xbf16>
    %slice3A_53 = vector.extract_strided_slice %convert_element_type3A {offsets = [0, 0], sizes = [2000, 1], strides = [1, 1]} : vector<2000x3xbf16> to vector<2000x1xbf16>
    %mul3A_54 = vector.broadcast %slice3A_53 : vector<2000x1xbf16> to vector<2000x32xbf16>
    %mul3A_55 = arith.mulf %convert_element_type3A_49, %mul3A_54 : vector<2000x32xbf16>
    %slice3A_56 = vector.extract_strided_slice %convert_element_type3A {offsets = [0, 0], sizes = [2000, 1], strides = [1, 1]} : vector<2000x3xbf16> to vector<2000x1xbf16>
    %mul3A_57 = vector.broadcast %slice3A_56 : vector<2000x1xbf16> to vector<2000x32xbf16>
    %mul3A_58 = arith.mulf %convert_element_type3A_52, %mul3A_57 : vector<2000x32xbf16>
    %slice3A_59 = vector.extract_strided_slice %convert_element_type3A {offsets = [0, 0], sizes = [2000, 1], strides = [1, 1]} : vector<2000x3xbf16> to vector<2000x1xbf16>
    %mul3A_60 = vector.broadcast %slice3A_59 : vector<2000x1xbf16> to vector<2000x32xbf16>
    %mul3A_61 = arith.mulf %convert_element_type3A_49, %mul3A_60 : vector<2000x32xbf16>
    %slice3A_62 = vector.extract_strided_slice %convert_element_type3A {offsets = [0, 1], sizes = [2000, 1], strides = [1, 1]} : vector<2000x3xbf16> to vector<2000x1xbf16>
    %mul3A_63 = vector.broadcast %slice3A_62 : vector<2000x1xbf16> to vector<2000x32xbf16>
    %mul3A_64 = arith.mulf %convert_element_type3A_49, %mul3A_63 : vector<2000x32xbf16>
    %slice3A_65 = vector.extract_strided_slice %convert_element_type3A {offsets = [0, 1], sizes = [2000, 1], strides = [1, 1]} : vector<2000x3xbf16> to vector<2000x1xbf16>
    %mul3A_66 = vector.broadcast %slice3A_65 : vector<2000x1xbf16> to vector<2000x32xbf16>
    %mul3A_67 = arith.mulf %convert_element_type3A_52, %mul3A_66 : vector<2000x32xbf16>
    %slice3A_68 = vector.extract_strided_slice %convert_element_type3A {offsets = [0, 1], sizes = [2000, 1], strides = [1, 1]} : vector<2000x3xbf16> to vector<2000x1xbf16>
    %mul3A_69 = vector.broadcast %slice3A_68 : vector<2000x1xbf16> to vector<2000x32xbf16>
    %mul3A_70 = arith.mulf %convert_element_type3A_49, %mul3A_69 : vector<2000x32xbf16>
    %slice3A_71 = vector.extract_strided_slice %convert_element_type3A {offsets = [0, 2], sizes = [2000, 1], strides = [1, 1]} : vector<2000x3xbf16> to vector<2000x1xbf16>
    %mul3A_72 = vector.broadcast %slice3A_71 : vector<2000x1xbf16> to vector<2000x32xbf16>
    %mul3A_73 = arith.mulf %convert_element_type3A_49, %mul3A_72 : vector<2000x32xbf16>
    %slice3A_74 = vector.extract_strided_slice %convert_element_type3A {offsets = [0, 2], sizes = [2000, 1], strides = [1, 1]} : vector<2000x3xbf16> to vector<2000x1xbf16>
    %mul3A_75 = vector.broadcast %slice3A_74 : vector<2000x1xbf16> to vector<2000x32xbf16>
    %mul3A_76 = arith.mulf %convert_element_type3A_52, %mul3A_75 : vector<2000x32xbf16>
    %slice3A_77 = vector.extract_strided_slice %convert_element_type3A {offsets = [0, 2], sizes = [2000, 1], strides = [1, 1]} : vector<2000x3xbf16> to vector<2000x1xbf16>
    %mul3A_78 = vector.broadcast %slice3A_77 : vector<2000x1xbf16> to vector<2000x32xbf16>
    %mul3A_79 = arith.mulf %convert_element_type3A_49, %mul3A_78 : vector<2000x32xbf16>
    %concatenate3A_80 = tpu.concatenate %mul3A_55, %mul3A_58, %mul3A_61, %mul3A_64, %mul3A_67, %mul3A_70, %mul3A_73, %mul3A_76, %mul3A_79 in 1 : vector<2000x32xbf16>, vector<2000x32xbf16>, vector<2000x32xbf16>, vector<2000x32xbf16>, vector<2000x32xbf16>, vector<2000x32xbf16>, vector<2000x32xbf16>, vector<2000x32xbf16>, vector<2000x32xbf16> -> vector<2000x288xbf16>
    %get3A_81 = arith.constant 0 : index
    %get3A_82 = arith.constant 0 : index
    %get3A_83 = vector.load %arg3[%get3A_81, %get3A_82] : memref<288x256xbf16, #tpu.memory_space<vmem>>, vector<288x256xbf16>
    %dot_general3A_84 = arith.constant dense<0.000000e+00> : vector<2000x256xf32>
    %dot_general3A_85 = tpu.matmul %concatenate3A_80, %get3A_83, %dot_general3A_84 {dimension_numbers = #tpu.dot_dimension_numbers<[1], [0], [0], [1], [0, 0, 1, 1], [], []>, transpose_lhs_hint = false} : vector<2000x288xbf16>, vector<288x256xbf16>, vector<2000x256xf32> -> vector<2000x256xf32>
    %add3A_86 = arith.addf %dot_general3A_85, %slice3A_42 : vector<2000x256xf32>
    %swap3A = arith.constant 0 : index
    %swap3A_87 = arith.constant 0 : index
    %swap3A_88 = vector.load %arg8[%swap3A, %swap3A_87] : memref<2000x256xf32, #tpu.memory_space<vmem>>, vector<2000x256xf32>
    tpu.vector_store %arg8[%swap3A, %swap3A_87], %add3A_86 {strides = array<i32>} : memref<2000x256xf32, #tpu.memory_space<vmem>>, vector<2000x256xf32>,
    %eq3A = arith.constant 0 : i32
    %eq3A_89 = arith.cmpi eq, %arg0, %eq3A : i32
    %convert_element_type3A_90 = arith.extui %eq3A_89 : i1 to i32
    %cond3A = arith.constant 0 : i32
    %cond3A_91 = arith.cmpi ne, %convert_element_type3A_90, %cond3A : i32
    scf.if %cond3A_91 {
      %broadcast_in_dim3A_139 = arith.constant 0.000000e+00 : f32
      %broadcast_in_dim3A_140 = vector.broadcast %broadcast_in_dim3A_139 : f32 to vector<3x3x256xf32>
      %swap3A_141 = arith.constant 0 : index
      %swap3A_142 = arith.constant 0 : index
      %swap3A_143 = arith.constant 0 : index
      %swap3A_144 = vector.load %arg9[%swap3A_141, %swap3A_142, %swap3A_143] : memref<3x3x256xf32, #tpu.memory_space<vmem>>, vector<3x3x256xf32>
      tpu.vector_store %arg9[%swap3A_141, %swap3A_142, %swap3A_143], %broadcast_in_dim3A_140 {strides = array<i32>} : memref<3x3x256xf32, #tpu.memory_space<vmem>>, vector<3x3x256xf32>,
    } else {
    }
    %transpose3A = tpu.transpose %get3A_4, [1, 0] : vector<2000x3xf32> -> vector<3x2000xf32>
    %convert_element_type3A_92 = arith.truncf %transpose3A : vector<3x2000xf32> to vector<3x2000xbf16>
    %convert_element_type3A_93 = arith.truncf %add3A_86 : vector<2000x256xf32> to vector<2000x256xbf16>
    %get3A_94 = arith.constant 0 : index
    %get3A_95 = arith.constant 0 : index
    %get3A_96 = arith.constant 0 : index
    %get3A_97 = vector.load %arg9[%get3A_94, %get3A_95, %get3A_96] : memref<3x3x256xf32, #tpu.memory_space<vmem>>, vector<1x3x256xf32>
    %get3A_98 = vector.shape_cast %get3A_97 : vector<1x3x256xf32> to vector<3x256xf32>
    %dot_general3A_99 = arith.constant dense<0.000000e+00> : vector<3x256xf32>
    %dot_general3A_100 = tpu.matmul %convert_element_type3A_92, %convert_element_type3A_93, %dot_general3A_99 {dimension_numbers = #tpu.dot_dimension_numbers<[1], [0], [0], [1], [0, 0, 1, 1], [], []>, transpose_lhs_hint = false} : vector<3x2000xbf16>, vector<2000x256xbf16>, vector<3x256xf32> -> vector<3x256xf32>
    %add3A_101 = arith.addf %get3A_98, %dot_general3A_100 : vector<3x256xf32>
    %swap3A_102 = arith.constant 0 : index
    %swap3A_103 = arith.constant 0 : index
    %swap3A_104 = arith.constant 0 : index
    %swap3A_105 = vector.load %arg9[%swap3A_102, %swap3A_103, %swap3A_104] : memref<3x3x256xf32, #tpu.memory_space<vmem>>, vector<1x3x256xf32>
    %swap3A_106 = vector.shape_cast %swap3A_105 : vector<1x3x256xf32> to vector<3x256xf32>
    %swap3A_107 = vector.shape_cast %add3A_101 : vector<3x256xf32> to vector<1x3x256xf32>
    tpu.vector_store %arg9[%swap3A_102, %swap3A_103, %swap3A_104], %swap3A_107 {strides = array<i32>} : memref<3x3x256xf32, #tpu.memory_space<vmem>>, vector<1x3x256xf32>,
    %get3A_108 = arith.constant 1 : index
    %get3A_109 = arith.constant 0 : index
    %get3A_110 = arith.constant 0 : index
    %get3A_111 = vector.load %arg9[%get3A_108, %get3A_109, %get3A_110] : memref<3x3x256xf32, #tpu.memory_space<vmem>>, vector<1x3x256xf32>
    %get3A_112 = vector.shape_cast %get3A_111 : vector<1x3x256xf32> to vector<3x256xf32>
    %mul3A_113 = arith.mulf %add3A_86, %add3A_86 : vector<2000x256xf32>
    %convert_element_type3A_114 = arith.truncf %mul3A_113 : vector<2000x256xf32> to vector<2000x256xbf16>
    %dot_general3A_115 = arith.constant dense<0.000000e+00> : vector<3x256xf32>
    %dot_general3A_116 = tpu.matmul %convert_element_type3A_92, %convert_element_type3A_114, %dot_general3A_115 {dimension_numbers = #tpu.dot_dimension_numbers<[1], [0], [0], [1], [0, 0, 1, 1], [], []>, transpose_lhs_hint = false} : vector<3x2000xbf16>, vector<2000x256xbf16>, vector<3x256xf32> -> vector<3x256xf32>
    %add3A_117 = arith.addf %get3A_112, %dot_general3A_116 : vector<3x256xf32>
    %swap3A_118 = arith.constant 1 : index
    %swap3A_119 = arith.constant 0 : index
    %swap3A_120 = arith.constant 0 : index
    %swap3A_121 = vector.load %arg9[%swap3A_118, %swap3A_119, %swap3A_120] : memref<3x3x256xf32, #tpu.memory_space<vmem>>, vector<1x3x256xf32>
    %swap3A_122 = vector.shape_cast %swap3A_121 : vector<1x3x256xf32> to vector<3x256xf32>
    %swap3A_123 = vector.shape_cast %add3A_117 : vector<3x256xf32> to vector<1x3x256xf32>
    tpu.vector_store %arg9[%swap3A_118, %swap3A_119, %swap3A_120], %swap3A_123 {strides = array<i32>} : memref<3x3x256xf32, #tpu.memory_space<vmem>>, vector<1x3x256xf32>,
    %get3A_124 = arith.constant 2 : index
    %get3A_125 = arith.constant 0 : index
    %get3A_126 = arith.constant 0 : index
    %get3A_127 = vector.load %arg9[%get3A_124, %get3A_125, %get3A_126] : memref<3x3x256xf32, #tpu.memory_space<vmem>>, vector<1x3x256xf32>
    %get3A_128 = vector.shape_cast %get3A_127 : vector<1x3x256xf32> to vector<3x256xf32>
    %broadcast_in_dim3A = arith.constant 1.000000e+00 : bf16
    %broadcast_in_dim3A_129 = vector.broadcast %broadcast_in_dim3A : bf16 to vector<2000x256xbf16>
    %dot_general3A_130 = arith.constant dense<0.000000e+00> : vector<3x256xf32>
    %dot_general3A_131 = tpu.matmul %convert_element_type3A_92, %broadcast_in_dim3A_129, %dot_general3A_130 {dimension_numbers = #tpu.dot_dimension_numbers<[1], [0], [0], [1], [0, 0, 1, 1], [], []>, transpose_lhs_hint = false} : vector<3x2000xbf16>, vector<2000x256xbf16>, vector<3x256xf32> -> vector<3x256xf32>
    %add3A_132 = arith.addf %get3A_128, %dot_general3A_131 : vector<3x256xf32>
    %swap3A_133 = arith.constant 2 : index
    %swap3A_134 = arith.constant 0 : index
    %swap3A_135 = arith.constant 0 : index
    %swap3A_136 = vector.load %arg9[%swap3A_133, %swap3A_134, %swap3A_135] : memref<3x3x256xf32, #tpu.memory_space<vmem>>, vector<1x3x256xf32>
    %swap3A_137 = vector.shape_cast %swap3A_136 : vector<1x3x256xf32> to vector<3x256xf32>
    %swap3A_138 = vector.shape_cast %add3A_132 : vector<3x256xf32> to vector<1x3x256xf32>
    tpu.vector_store %arg9[%swap3A_133, %swap3A_134, %swap3A_135], %swap3A_138 {strides = array<i32>} : memref<3x3x256xf32, #tpu.memory_space<vmem>>, vector<1x3x256xf32>,
    return
  }
  func.func @transform_0(%arg0: i32) -> (i32, i32) {
    %c0_i32 = arith.constant 0 : i32
    %c0_i32_0 = arith.constant 0 : i32
    return %arg0, %c0_i32 : i32, i32
  }
  func.func @transform_1(%arg0: i32) -> (i32, i32) {
    %c0_i32 = arith.constant 0 : i32
    %c0_i32_0 = arith.constant 0 : i32
    return %arg0, %c0_i32 : i32, i32
  }
  func.func @transform_2(%arg0: i32) -> (i32, i32) {
    %c0_i32 = arith.constant 0 : i32
    %c0_i32_0 = arith.constant 0 : i32
    %c0_i32_1 = arith.constant 0 : i32
    return %c0_i32, %c0_i32_0 : i32, i32
  }
  func.func @transform_3(%arg0: i32) -> (i32, i32) {
    %c0_i32 = arith.constant 0 : i32
    %c0_i32_0 = arith.constant 0 : i32
    %c0_i32_1 = arith.constant 0 : i32
    return %c0_i32, %c0_i32_0 : i32, i32
  }
  func.func @transform_4(%arg0: i32) -> (i32, i32, i32) {
    %c0_i32 = arith.constant 0 : i32
    %c0_i32_0 = arith.constant 0 : i32
    %c0_i32_1 = arith.constant 0 : i32
    %c0_i32_2 = arith.constant 0 : i32
    return %c0_i32, %c0_i32_0, %c0_i32_1 : i32, i32, i32
  }
  func.func @transform_5(%arg0: i32) -> (i32, i32) {
    %c0_i32 = arith.constant 0 : i32
    %c0_i32_0 = arith.constant 0 : i32
    %c0_i32_1 = arith.constant 0 : i32
    return %c0_i32, %c0_i32_0 : i32, i32
  }
  func.func @transform_6(%arg0: i32) -> (i32, i32) {
    %c0_i32 = arith.constant 0 : i32
    %c0_i32_0 = arith.constant 0 : i32
    %c0_i32_1 = arith.constant 0 : i32
    return %c0_i32, %c0_i32_0 : i32, i32
  }
  func.func @transform_7(%arg0: i32) -> (i32, i32) {
    %c0_i32 = arith.constant 0 : i32
    %c0_i32_0 = arith.constant 0 : i32
    return %arg0, %c0_i32 : i32, i32
  }
  func.func @transform_8(%arg0: i32) -> (i32, i32, i32) {
    %c0_i32 = arith.constant 0 : i32
    %c0_i32_0 = arith.constant 0 : i32
    %c0_i32_1 = arith.constant 0 : i32
    %c0_i32_2 = arith.constant 0 : i32
    return %c0_i32, %c0_i32_0, %c0_i32_1 : i32, i32, i32
  }
}

module attributes {stable_mosaic.version = 14 : i64} {
  func.func @_stage_body(%arg0: i32, %arg1: memref<2000x256xf32, #tpu.memory_space<vmem>>, %arg2: memref<2000x3xf32, #tpu.memory_space<vmem>>, %arg3: memref<2304x32xbf16, #tpu.memory_space<vmem>>, %arg4: memref<3x32xf32, #tpu.memory_space<vmem>>, %arg5: memref<3x3x256xf32, #tpu.memory_space<vmem>>, %arg6: memref<3x256xf32, #tpu.memory_space<vmem>>, %arg7: memref<3x256xf32, #tpu.memory_space<vmem>>, %arg8: memref<2000x32xf32, #tpu.memory_space<vmem>>, %arg9: memref<2000x32xf32, #tpu.memory_space<vmem>>, %arg10: memref<3x3x32xf32, #tpu.memory_space<vmem>>) attributes {dimension_semantics = [#tpu.dimension_semantics<arbitrary>], iteration_bounds = array<i64: 5>, scalar_prefetch = 0 : i64, scratch_operands = 0 : i64, tpu.core_type = #tpu.core_type<tc>, window_params = [{transform_indices = @transform_0, window_bounds = array<i64: 2000, 256>}, {transform_indices = @transform_1, window_bounds = array<i64: 2000, 3>}, {pipeline_mode = #tpu.pipeline_mode<synchronous>, transform_indices = @transform_2, window_bounds = array<i64: 2304, 32>}, {pipeline_mode = #tpu.pipeline_mode<synchronous>, transform_indices = @transform_3, window_bounds = array<i64: 3, 32>}, {pipeline_mode = #tpu.pipeline_mode<synchronous>, transform_indices = @transform_4, window_bounds = array<i64: 3, 3, 256>}, {pipeline_mode = #tpu.pipeline_mode<synchronous>, transform_indices = @transform_5, window_bounds = array<i64: 3, 256>}, {pipeline_mode = #tpu.pipeline_mode<synchronous>, transform_indices = @transform_6, window_bounds = array<i64: 3, 256>}, {transform_indices = @transform_7, window_bounds = array<i64: 2000, 32>}, {transform_indices = @transform_8, window_bounds = array<i64: 2000, 32>}, {pipeline_mode = #tpu.pipeline_mode<synchronous>, transform_indices = @transform_9, window_bounds = array<i64: 3, 3, 32>}]} {
    %get3A = arith.constant 0 : index
    %get3A_0 = arith.constant 0 : index
    %get3A_1 = vector.load %arg1[%get3A, %get3A_0] : memref<2000x256xf32, #tpu.memory_space<vmem>>, vector<2000x256xf32>
    %get3A_2 = arith.constant 0 : index
    %get3A_3 = arith.constant 0 : index
    %get3A_4 = vector.load %arg2[%get3A_2, %get3A_3] : memref<2000x3xf32, #tpu.memory_space<vmem>>, vector<2000x3xf32>
    %convert_element_type3A = arith.truncf %get3A_4 : vector<2000x3xf32> to vector<2000x3xbf16>
    %concatenate3A = tpu.concatenate %convert_element_type3A, %convert_element_type3A in 1 : vector<2000x3xbf16>, vector<2000x3xbf16> -> vector<2000x6xbf16>
    %get3A_5 = arith.constant 0 : index
    %get3A_6 = arith.constant 0 : index
    %get3A_7 = arith.constant 0 : index
    %get3A_8 = vector.load %arg5[%get3A_5, %get3A_6, %get3A_7] : memref<3x3x256xf32, #tpu.memory_space<vmem>>, vector<3x3x256xf32>
    %get3A_9 = arith.constant 0 : index
    %get3A_10 = arith.constant 0 : index
    %get3A_11 = vector.load %arg6[%get3A_9, %get3A_10] : memref<3x256xf32, #tpu.memory_space<vmem>>, vector<3x256xf32>
    %get3A_12 = arith.constant 0 : index
    %get3A_13 = arith.constant 0 : index
    %get3A_14 = vector.load %arg7[%get3A_12, %get3A_13] : memref<3x256xf32, #tpu.memory_space<vmem>>, vector<3x256xf32>
    %slice3A = vector.extract_strided_slice %get3A_8 {offsets = [2, 0, 0], sizes = [1, 3, 256], strides = [1, 1, 1]} : vector<3x3x256xf32> to vector<1x3x256xf32>
    %squeeze3A = vector.shape_cast %slice3A : vector<1x3x256xf32> to vector<3x256xf32>
    %max3A = arith.constant 1.000000e+00 : f32
    %max3A_15 = vector.broadcast %max3A : f32 to vector<3x256xf32>
    %max3A_16 = arith.maximumf %squeeze3A, %max3A_15 : vector<3x256xf32>
    %slice3A_17 = vector.extract_strided_slice %get3A_8 {offsets = [0, 0, 0], sizes = [1, 3, 256], strides = [1, 1, 1]} : vector<3x3x256xf32> to vector<1x3x256xf32>
    %squeeze3A_18 = vector.shape_cast %slice3A_17 : vector<1x3x256xf32> to vector<3x256xf32>
    %div3A = arith.divf %squeeze3A_18, %max3A_16 : vector<3x256xf32>
    %slice3A_19 = vector.extract_strided_slice %get3A_8 {offsets = [1, 0, 0], sizes = [1, 3, 256], strides = [1, 1, 1]} : vector<3x3x256xf32> to vector<1x3x256xf32>
    %squeeze3A_20 = vector.shape_cast %slice3A_19 : vector<1x3x256xf32> to vector<3x256xf32>
    %div3A_21 = arith.divf %squeeze3A_20, %max3A_16 : vector<3x256xf32>
    %mul3A = arith.mulf %div3A, %div3A : vector<3x256xf32>
    %sub3A = arith.subf %div3A_21, %mul3A : vector<3x256xf32>
    %max3A_22 = arith.constant 0.000000e+00 : f32
    %max3A_23 = vector.broadcast %max3A_22 : f32 to vector<3x256xf32>
    %max3A_24 = arith.maximumf %sub3A, %max3A_23 : vector<3x256xf32>
    %add3A = arith.constant 9.99999974E-6 : f32
    %add3A_25 = vector.broadcast %add3A : f32 to vector<3x256xf32>
    %add3A_26 = arith.addf %max3A_24, %add3A_25 : vector<3x256xf32>
    %rsqrt3A = math.rsqrt %add3A_26 : vector<3x256xf32>
    %mul3A_27 = arith.mulf %rsqrt3A, %get3A_11 : vector<3x256xf32>
    %mul3A_28 = arith.mulf %div3A, %mul3A_27 : vector<3x256xf32>
    %sub3A_29 = arith.subf %get3A_14, %mul3A_28 : vector<3x256xf32>
    %get3A_30 = arith.constant 0 : index
    %get3A_31 = arith.constant 0 : index
    %get3A_32 = vector.load %arg4[%get3A_30, %get3A_31] : memref<3x32xf32, #tpu.memory_space<vmem>>, vector<3x32xf32>
    %concatenate3A_33 = tpu.concatenate %mul3A_27, %sub3A_29, %get3A_32 in 1 : vector<3x256xf32>, vector<3x256xf32>, vector<3x32xf32> -> vector<3x544xf32>
    %convert_element_type3A_34 = arith.truncf %concatenate3A_33 : vector<3x544xf32> to vector<3x544xbf16>
    %convert_element_type3A_35 = arith.extf %convert_element_type3A_34 : vector<3x544xbf16> to vector<3x544xf32>
    %sub3A_36 = arith.subf %concatenate3A_33, %convert_element_type3A_35 : vector<3x544xf32>
    %convert_element_type3A_37 = arith.truncf %sub3A_36 : vector<3x544xf32> to vector<3x544xbf16>
    %concatenate3A_38 = tpu.concatenate %convert_element_type3A_34, %convert_element_type3A_37 in 0 : vector<3x544xbf16>, vector<3x544xbf16> -> vector<6x544xbf16>
    %dot_general3A = arith.constant dense<0.000000e+00> : vector<2000x544xf32>
    %dot_general3A_39 = tpu.matmul %concatenate3A, %concatenate3A_38, %dot_general3A {dimension_numbers = #tpu.dot_dimension_numbers<[1], [0], [0], [1], [0, 0, 1, 1], [], []>, transpose_lhs_hint = false} : vector<2000x6xbf16>, vector<6x544xbf16>, vector<2000x544xf32> -> vector<2000x544xf32>
    %slice3A_40 = vector.extract_strided_slice %dot_general3A_39 {offsets = [0, 0], sizes = [2000, 256], strides = [1, 1]} : vector<2000x544xf32> to vector<2000x256xf32>
    %slice3A_41 = vector.extract_strided_slice %dot_general3A_39 {offsets = [0, 256], sizes = [2000, 256], strides = [1, 1]} : vector<2000x544xf32> to vector<2000x256xf32>
    %slice3A_42 = vector.extract_strided_slice %dot_general3A_39 {offsets = [0, 512], sizes = [2000, 32], strides = [1, 1]} : vector<2000x544xf32> to vector<2000x32xf32>
    %mul3A_43 = arith.mulf %get3A_1, %slice3A_40 : vector<2000x256xf32>
    %add3A_44 = arith.addf %mul3A_43, %slice3A_41 : vector<2000x256xf32>
    %jit3A = arith.constant 0.00999999977 : f32
    %ge3A = arith.constant 0.000000e+00 : f32
    %ge3A_45 = vector.broadcast %ge3A : f32 to vector<2000x256xf32>
    %ge3A_46 = arith.cmpf oge, %add3A_44, %ge3A_45 : vector<2000x256xf32>
    %mul3A_47 = vector.broadcast %jit3A : f32 to vector<2000x256xf32>
    %mul3A_48 = arith.mulf %mul3A_47, %add3A_44 : vector<2000x256xf32>
    %select_n3A = arith.select %ge3A_46, %add3A_44, %mul3A_48 : vector<2000x256xi1>, vector<2000x256xf32>
    %convert_element_type3A_49 = arith.truncf %select_n3A : vector<2000x256xf32> to vector<2000x256xbf16>
    %convert_element_type3A_50 = arith.extf %convert_element_type3A_49 : vector<2000x256xbf16> to vector<2000x256xf32>
    %sub3A_51 = arith.subf %select_n3A, %convert_element_type3A_50 : vector<2000x256xf32>
    %convert_element_type3A_52 = arith.truncf %sub3A_51 : vector<2000x256xf32> to vector<2000x256xbf16>
    %slice3A_53 = vector.extract_strided_slice %convert_element_type3A {offsets = [0, 0], sizes = [2000, 1], strides = [1, 1]} : vector<2000x3xbf16> to vector<2000x1xbf16>
    %mul3A_54 = vector.broadcast %slice3A_53 : vector<2000x1xbf16> to vector<2000x256xbf16>
    %mul3A_55 = arith.mulf %convert_element_type3A_49, %mul3A_54 : vector<2000x256xbf16>
    %slice3A_56 = vector.extract_strided_slice %convert_element_type3A {offsets = [0, 0], sizes = [2000, 1], strides = [1, 1]} : vector<2000x3xbf16> to vector<2000x1xbf16>
    %mul3A_57 = vector.broadcast %slice3A_56 : vector<2000x1xbf16> to vector<2000x256xbf16>
    %mul3A_58 = arith.mulf %convert_element_type3A_52, %mul3A_57 : vector<2000x256xbf16>
    %slice3A_59 = vector.extract_strided_slice %convert_element_type3A {offsets = [0, 0], sizes = [2000, 1], strides = [1, 1]} : vector<2000x3xbf16> to vector<2000x1xbf16>
    %mul3A_60 = vector.broadcast %slice3A_59 : vector<2000x1xbf16> to vector<2000x256xbf16>
    %mul3A_61 = arith.mulf %convert_element_type3A_49, %mul3A_60 : vector<2000x256xbf16>
    %slice3A_62 = vector.extract_strided_slice %convert_element_type3A {offsets = [0, 1], sizes = [2000, 1], strides = [1, 1]} : vector<2000x3xbf16> to vector<2000x1xbf16>
    %mul3A_63 = vector.broadcast %slice3A_62 : vector<2000x1xbf16> to vector<2000x256xbf16>
    %mul3A_64 = arith.mulf %convert_element_type3A_49, %mul3A_63 : vector<2000x256xbf16>
    %slice3A_65 = vector.extract_strided_slice %convert_element_type3A {offsets = [0, 1], sizes = [2000, 1], strides = [1, 1]} : vector<2000x3xbf16> to vector<2000x1xbf16>
    %mul3A_66 = vector.broadcast %slice3A_65 : vector<2000x1xbf16> to vector<2000x256xbf16>
    %mul3A_67 = arith.mulf %convert_element_type3A_52, %mul3A_66 : vector<2000x256xbf16>
    %slice3A_68 = vector.extract_strided_slice %convert_element_type3A {offsets = [0, 1], sizes = [2000, 1], strides = [1, 1]} : vector<2000x3xbf16> to vector<2000x1xbf16>
    %mul3A_69 = vector.broadcast %slice3A_68 : vector<2000x1xbf16> to vector<2000x256xbf16>
    %mul3A_70 = arith.mulf %convert_element_type3A_49, %mul3A_69 : vector<2000x256xbf16>
    %slice3A_71 = vector.extract_strided_slice %convert_element_type3A {offsets = [0, 2], sizes = [2000, 1], strides = [1, 1]} : vector<2000x3xbf16> to vector<2000x1xbf16>
    %mul3A_72 = vector.broadcast %slice3A_71 : vector<2000x1xbf16> to vector<2000x256xbf16>
    %mul3A_73 = arith.mulf %convert_element_type3A_49, %mul3A_72 : vector<2000x256xbf16>
    %slice3A_74 = vector.extract_strided_slice %convert_element_type3A {offsets = [0, 2], sizes = [2000, 1], strides = [1, 1]} : vector<2000x3xbf16> to vector<2000x1xbf16>
    %mul3A_75 = vector.broadcast %slice3A_74 : vector<2000x1xbf16> to vector<2000x256xbf16>
    %mul3A_76 = arith.mulf %convert_element_type3A_52, %mul3A_75 : vector<2000x256xbf16>
    %slice3A_77 = vector.extract_strided_slice %convert_element_type3A {offsets = [0, 2], sizes = [2000, 1], strides = [1, 1]} : vector<2000x3xbf16> to vector<2000x1xbf16>
    %mul3A_78 = vector.broadcast %slice3A_77 : vector<2000x1xbf16> to vector<2000x256xbf16>
    %mul3A_79 = arith.mulf %convert_element_type3A_49, %mul3A_78 : vector<2000x256xbf16>
    %concatenate3A_80 = tpu.concatenate %mul3A_55, %mul3A_58, %mul3A_61, %mul3A_64, %mul3A_67, %mul3A_70, %mul3A_73, %mul3A_76, %mul3A_79 in 1 : vector<2000x256xbf16>, vector<2000x256xbf16>, vector<2000x256xbf16>, vector<2000x256xbf16>, vector<2000x256xbf16>, vector<2000x256xbf16>, vector<2000x256xbf16>, vector<2000x256xbf16>, vector<2000x256xbf16> -> vector<2000x2304xbf16>
    %get3A_81 = arith.constant 0 : index
    %get3A_82 = arith.constant 0 : index
    %get3A_83 = vector.load %arg3[%get3A_81, %get3A_82] : memref<2304x32xbf16, #tpu.memory_space<vmem>>, vector<2304x32xbf16>
    %dot_general3A_84 = arith.constant dense<0.000000e+00> : vector<2000x32xf32>
    %dot_general3A_85 = tpu.matmul %concatenate3A_80, %get3A_83, %dot_general3A_84 {dimension_numbers = #tpu.dot_dimension_numbers<[1], [0], [0], [1], [0, 0, 1, 1], [], []>, transpose_lhs_hint = false} : vector<2000x2304xbf16>, vector<2304x32xbf16>, vector<2000x32xf32> -> vector<2000x32xf32>
    %add3A_86 = arith.addf %dot_general3A_85, %slice3A_42 : vector<2000x32xf32>
    %get3A_87 = arith.constant 0 : index
    %get3A_88 = arith.constant 0 : index
    %get3A_89 = vector.load %arg8[%get3A_87, %get3A_88] : memref<2000x32xf32, #tpu.memory_space<vmem>>, vector<2000x32xf32>
    %add3A_90 = arith.addf %add3A_86, %get3A_89 : vector<2000x32xf32>
    %swap3A = arith.constant 0 : index
    %swap3A_91 = arith.constant 0 : index
    %swap3A_92 = vector.load %arg9[%swap3A, %swap3A_91] : memref<2000x32xf32, #tpu.memory_space<vmem>>, vector<2000x32xf32>
    tpu.vector_store %arg9[%swap3A, %swap3A_91], %add3A_90 {strides = array<i32>} : memref<2000x32xf32, #tpu.memory_space<vmem>>, vector<2000x32xf32>,
    %eq3A = arith.constant 0 : i32
    %eq3A_93 = arith.cmpi eq, %arg0, %eq3A : i32
    %convert_element_type3A_94 = arith.extui %eq3A_93 : i1 to i32
    %cond3A = arith.constant 0 : i32
    %cond3A_95 = arith.cmpi ne, %convert_element_type3A_94, %cond3A : i32
    scf.if %cond3A_95 {
      %broadcast_in_dim3A_143 = arith.constant 0.000000e+00 : f32
      %broadcast_in_dim3A_144 = vector.broadcast %broadcast_in_dim3A_143 : f32 to vector<3x3x32xf32>
      %swap3A_145 = arith.constant 0 : index
      %swap3A_146 = arith.constant 0 : index
      %swap3A_147 = arith.constant 0 : index
      %swap3A_148 = vector.load %arg10[%swap3A_145, %swap3A_146, %swap3A_147] : memref<3x3x32xf32, #tpu.memory_space<vmem>>, vector<3x3x32xf32>
      tpu.vector_store %arg10[%swap3A_145, %swap3A_146, %swap3A_147], %broadcast_in_dim3A_144 {strides = array<i32>} : memref<3x3x32xf32, #tpu.memory_space<vmem>>, vector<3x3x32xf32>,
    } else {
    }
    %transpose3A = tpu.transpose %get3A_4, [1, 0] : vector<2000x3xf32> -> vector<3x2000xf32>
    %convert_element_type3A_96 = arith.truncf %transpose3A : vector<3x2000xf32> to vector<3x2000xbf16>
    %convert_element_type3A_97 = arith.truncf %add3A_90 : vector<2000x32xf32> to vector<2000x32xbf16>
    %get3A_98 = arith.constant 0 : index
    %get3A_99 = arith.constant 0 : index
    %get3A_100 = arith.constant 0 : index
    %get3A_101 = vector.load %arg10[%get3A_98, %get3A_99, %get3A_100] : memref<3x3x32xf32, #tpu.memory_space<vmem>>, vector<1x3x32xf32>
    %get3A_102 = vector.shape_cast %get3A_101 : vector<1x3x32xf32> to vector<3x32xf32>
    %dot_general3A_103 = arith.constant dense<0.000000e+00> : vector<3x32xf32>
    %dot_general3A_104 = tpu.matmul %convert_element_type3A_96, %convert_element_type3A_97, %dot_general3A_103 {dimension_numbers = #tpu.dot_dimension_numbers<[1], [0], [0], [1], [0, 0, 1, 1], [], []>, transpose_lhs_hint = false} : vector<3x2000xbf16>, vector<2000x32xbf16>, vector<3x32xf32> -> vector<3x32xf32>
    %add3A_105 = arith.addf %get3A_102, %dot_general3A_104 : vector<3x32xf32>
    %swap3A_106 = arith.constant 0 : index
    %swap3A_107 = arith.constant 0 : index
    %swap3A_108 = arith.constant 0 : index
    %swap3A_109 = vector.load %arg10[%swap3A_106, %swap3A_107, %swap3A_108] : memref<3x3x32xf32, #tpu.memory_space<vmem>>, vector<1x3x32xf32>
    %swap3A_110 = vector.shape_cast %swap3A_109 : vector<1x3x32xf32> to vector<3x32xf32>
    %swap3A_111 = vector.shape_cast %add3A_105 : vector<3x32xf32> to vector<1x3x32xf32>
    tpu.vector_store %arg10[%swap3A_106, %swap3A_107, %swap3A_108], %swap3A_111 {strides = array<i32>} : memref<3x3x32xf32, #tpu.memory_space<vmem>>, vector<1x3x32xf32>,
    %get3A_112 = arith.constant 1 : index
    %get3A_113 = arith.constant 0 : index
    %get3A_114 = arith.constant 0 : index
    %get3A_115 = vector.load %arg10[%get3A_112, %get3A_113, %get3A_114] : memref<3x3x32xf32, #tpu.memory_space<vmem>>, vector<1x3x32xf32>
    %get3A_116 = vector.shape_cast %get3A_115 : vector<1x3x32xf32> to vector<3x32xf32>
    %mul3A_117 = arith.mulf %add3A_90, %add3A_90 : vector<2000x32xf32>
    %convert_element_type3A_118 = arith.truncf %mul3A_117 : vector<2000x32xf32> to vector<2000x32xbf16>
    %dot_general3A_119 = arith.constant dense<0.000000e+00> : vector<3x32xf32>
    %dot_general3A_120 = tpu.matmul %convert_element_type3A_96, %convert_element_type3A_118, %dot_general3A_119 {dimension_numbers = #tpu.dot_dimension_numbers<[1], [0], [0], [1], [0, 0, 1, 1], [], []>, transpose_lhs_hint = false} : vector<3x2000xbf16>, vector<2000x32xbf16>, vector<3x32xf32> -> vector<3x32xf32>
    %add3A_121 = arith.addf %get3A_116, %dot_general3A_120 : vector<3x32xf32>
    %swap3A_122 = arith.constant 1 : index
    %swap3A_123 = arith.constant 0 : index
    %swap3A_124 = arith.constant 0 : index
    %swap3A_125 = vector.load %arg10[%swap3A_122, %swap3A_123, %swap3A_124] : memref<3x3x32xf32, #tpu.memory_space<vmem>>, vector<1x3x32xf32>
    %swap3A_126 = vector.shape_cast %swap3A_125 : vector<1x3x32xf32> to vector<3x32xf32>
    %swap3A_127 = vector.shape_cast %add3A_121 : vector<3x32xf32> to vector<1x3x32xf32>
    tpu.vector_store %arg10[%swap3A_122, %swap3A_123, %swap3A_124], %swap3A_127 {strides = array<i32>} : memref<3x3x32xf32, #tpu.memory_space<vmem>>, vector<1x3x32xf32>,
    %get3A_128 = arith.constant 2 : index
    %get3A_129 = arith.constant 0 : index
    %get3A_130 = arith.constant 0 : index
    %get3A_131 = vector.load %arg10[%get3A_128, %get3A_129, %get3A_130] : memref<3x3x32xf32, #tpu.memory_space<vmem>>, vector<1x3x32xf32>
    %get3A_132 = vector.shape_cast %get3A_131 : vector<1x3x32xf32> to vector<3x32xf32>
    %broadcast_in_dim3A = arith.constant 1.000000e+00 : bf16
    %broadcast_in_dim3A_133 = vector.broadcast %broadcast_in_dim3A : bf16 to vector<2000x32xbf16>
    %dot_general3A_134 = arith.constant dense<0.000000e+00> : vector<3x32xf32>
    %dot_general3A_135 = tpu.matmul %convert_element_type3A_96, %broadcast_in_dim3A_133, %dot_general3A_134 {dimension_numbers = #tpu.dot_dimension_numbers<[1], [0], [0], [1], [0, 0, 1, 1], [], []>, transpose_lhs_hint = false} : vector<3x2000xbf16>, vector<2000x32xbf16>, vector<3x32xf32> -> vector<3x32xf32>
    %add3A_136 = arith.addf %get3A_132, %dot_general3A_135 : vector<3x32xf32>
    %swap3A_137 = arith.constant 2 : index
    %swap3A_138 = arith.constant 0 : index
    %swap3A_139 = arith.constant 0 : index
    %swap3A_140 = vector.load %arg10[%swap3A_137, %swap3A_138, %swap3A_139] : memref<3x3x32xf32, #tpu.memory_space<vmem>>, vector<1x3x32xf32>
    %swap3A_141 = vector.shape_cast %swap3A_140 : vector<1x3x32xf32> to vector<3x32xf32>
    %swap3A_142 = vector.shape_cast %add3A_136 : vector<3x32xf32> to vector<1x3x32xf32>
    tpu.vector_store %arg10[%swap3A_137, %swap3A_138, %swap3A_139], %swap3A_142 {strides = array<i32>} : memref<3x3x32xf32, #tpu.memory_space<vmem>>, vector<1x3x32xf32>,
    return
  }
  func.func @transform_0(%arg0: i32) -> (i32, i32) {
    %c0_i32 = arith.constant 0 : i32
    %c0_i32_0 = arith.constant 0 : i32
    return %arg0, %c0_i32 : i32, i32
  }
  func.func @transform_1(%arg0: i32) -> (i32, i32) {
    %c0_i32 = arith.constant 0 : i32
    %c0_i32_0 = arith.constant 0 : i32
    return %arg0, %c0_i32 : i32, i32
  }
  func.func @transform_2(%arg0: i32) -> (i32, i32) {
    %c0_i32 = arith.constant 0 : i32
    %c0_i32_0 = arith.constant 0 : i32
    %c0_i32_1 = arith.constant 0 : i32
    return %c0_i32, %c0_i32_0 : i32, i32
  }
  func.func @transform_3(%arg0: i32) -> (i32, i32) {
    %c0_i32 = arith.constant 0 : i32
    %c0_i32_0 = arith.constant 0 : i32
    %c0_i32_1 = arith.constant 0 : i32
    return %c0_i32, %c0_i32_0 : i32, i32
  }
  func.func @transform_4(%arg0: i32) -> (i32, i32, i32) {
    %c0_i32 = arith.constant 0 : i32
    %c0_i32_0 = arith.constant 0 : i32
    %c0_i32_1 = arith.constant 0 : i32
    %c0_i32_2 = arith.constant 0 : i32
    return %c0_i32, %c0_i32_0, %c0_i32_1 : i32, i32, i32
  }
  func.func @transform_5(%arg0: i32) -> (i32, i32) {
    %c0_i32 = arith.constant 0 : i32
    %c0_i32_0 = arith.constant 0 : i32
    %c0_i32_1 = arith.constant 0 : i32
    return %c0_i32, %c0_i32_0 : i32, i32
  }
  func.func @transform_6(%arg0: i32) -> (i32, i32) {
    %c0_i32 = arith.constant 0 : i32
    %c0_i32_0 = arith.constant 0 : i32
    %c0_i32_1 = arith.constant 0 : i32
    return %c0_i32, %c0_i32_0 : i32, i32
  }
  func.func @transform_7(%arg0: i32) -> (i32, i32) {
    %c0_i32 = arith.constant 0 : i32
    %c0_i32_0 = arith.constant 0 : i32
    return %arg0, %c0_i32 : i32, i32
  }
  func.func @transform_8(%arg0: i32) -> (i32, i32) {
    %c0_i32 = arith.constant 0 : i32
    %c0_i32_0 = arith.constant 0 : i32
    return %arg0, %c0_i32 : i32, i32
  }
  func.func @transform_9(%arg0: i32) -> (i32, i32, i32) {
    %c0_i32 = arith.constant 0 : i32
    %c0_i32_0 = arith.constant 0 : i32
    %c0_i32_1 = arith.constant 0 : i32
    %c0_i32_2 = arith.constant 0 : i32
    return %c0_i32, %c0_i32_0, %c0_i32_1 : i32, i32, i32
  }
}

module attributes {stable_mosaic.version = 14 : i64} {
  func.func @_stage_body(%arg0: i32, %arg1: memref<2000x256xf32, #tpu.memory_space<vmem>>, %arg2: memref<2000x3xf32, #tpu.memory_space<vmem>>, %arg3: memref<2304x32xbf16, #tpu.memory_space<vmem>>, %arg4: memref<3x32xf32, #tpu.memory_space<vmem>>, %arg5: memref<3x3x256xf32, #tpu.memory_space<vmem>>, %arg6: memref<3x256xf32, #tpu.memory_space<vmem>>, %arg7: memref<3x256xf32, #tpu.memory_space<vmem>>, %arg8: memref<2000x32xf32, #tpu.memory_space<vmem>>, %arg9: memref<2000x32xf32, #tpu.memory_space<vmem>>, %arg10: memref<3x3x32xf32, #tpu.memory_space<vmem>>) attributes {dimension_semantics = [#tpu.dimension_semantics<arbitrary>], iteration_bounds = array<i64: 5>, scalar_prefetch = 0 : i64, scratch_operands = 0 : i64, tpu.core_type = #tpu.core_type<tc>, window_params = [{transform_indices = @transform_0, window_bounds = array<i64: 2000, 256>}, {transform_indices = @transform_1, window_bounds = array<i64: 2000, 3>}, {pipeline_mode = #tpu.pipeline_mode<synchronous>, transform_indices = @transform_2, window_bounds = array<i64: 2304, 32>}, {pipeline_mode = #tpu.pipeline_mode<synchronous>, transform_indices = @transform_3, window_bounds = array<i64: 3, 32>}, {pipeline_mode = #tpu.pipeline_mode<synchronous>, transform_indices = @transform_4, window_bounds = array<i64: 3, 3, 256>}, {pipeline_mode = #tpu.pipeline_mode<synchronous>, transform_indices = @transform_5, window_bounds = array<i64: 3, 256>}, {pipeline_mode = #tpu.pipeline_mode<synchronous>, transform_indices = @transform_6, window_bounds = array<i64: 3, 256>}, {transform_indices = @transform_7, window_bounds = array<i64: 2000, 32>}, {transform_indices = @transform_8, window_bounds = array<i64: 2000, 32>}, {pipeline_mode = #tpu.pipeline_mode<synchronous>, transform_indices = @transform_9, window_bounds = array<i64: 3, 3, 32>}]} {
    %get3A = arith.constant 0 : index
    %get3A_0 = arith.constant 0 : index
    %get3A_1 = vector.load %arg1[%get3A, %get3A_0] : memref<2000x256xf32, #tpu.memory_space<vmem>>, vector<2000x256xf32>
    %get3A_2 = arith.constant 0 : index
    %get3A_3 = arith.constant 0 : index
    %get3A_4 = vector.load %arg2[%get3A_2, %get3A_3] : memref<2000x3xf32, #tpu.memory_space<vmem>>, vector<2000x3xf32>
    %convert_element_type3A = arith.truncf %get3A_4 : vector<2000x3xf32> to vector<2000x3xbf16>
    %concatenate3A = tpu.concatenate %convert_element_type3A, %convert_element_type3A in 1 : vector<2000x3xbf16>, vector<2000x3xbf16> -> vector<2000x6xbf16>
    %get3A_5 = arith.constant 0 : index
    %get3A_6 = arith.constant 0 : index
    %get3A_7 = arith.constant 0 : index
    %get3A_8 = vector.load %arg5[%get3A_5, %get3A_6, %get3A_7] : memref<3x3x256xf32, #tpu.memory_space<vmem>>, vector<3x3x256xf32>
    %get3A_9 = arith.constant 0 : index
    %get3A_10 = arith.constant 0 : index
    %get3A_11 = vector.load %arg6[%get3A_9, %get3A_10] : memref<3x256xf32, #tpu.memory_space<vmem>>, vector<3x256xf32>
    %get3A_12 = arith.constant 0 : index
    %get3A_13 = arith.constant 0 : index
    %get3A_14 = vector.load %arg7[%get3A_12, %get3A_13] : memref<3x256xf32, #tpu.memory_space<vmem>>, vector<3x256xf32>
    %slice3A = vector.extract_strided_slice %get3A_8 {offsets = [2, 0, 0], sizes = [1, 3, 256], strides = [1, 1, 1]} : vector<3x3x256xf32> to vector<1x3x256xf32>
    %squeeze3A = vector.shape_cast %slice3A : vector<1x3x256xf32> to vector<3x256xf32>
    %max3A = arith.constant 1.000000e+00 : f32
    %max3A_15 = vector.broadcast %max3A : f32 to vector<3x256xf32>
    %max3A_16 = arith.maximumf %squeeze3A, %max3A_15 : vector<3x256xf32>
    %slice3A_17 = vector.extract_strided_slice %get3A_8 {offsets = [0, 0, 0], sizes = [1, 3, 256], strides = [1, 1, 1]} : vector<3x3x256xf32> to vector<1x3x256xf32>
    %squeeze3A_18 = vector.shape_cast %slice3A_17 : vector<1x3x256xf32> to vector<3x256xf32>
    %div3A = arith.divf %squeeze3A_18, %max3A_16 : vector<3x256xf32>
    %slice3A_19 = vector.extract_strided_slice %get3A_8 {offsets = [1, 0, 0], sizes = [1, 3, 256], strides = [1, 1, 1]} : vector<3x3x256xf32> to vector<1x3x256xf32>
    %squeeze3A_20 = vector.shape_cast %slice3A_19 : vector<1x3x256xf32> to vector<3x256xf32>
    %div3A_21 = arith.divf %squeeze3A_20, %max3A_16 : vector<3x256xf32>
    %mul3A = arith.mulf %div3A, %div3A : vector<3x256xf32>
    %sub3A = arith.subf %div3A_21, %mul3A : vector<3x256xf32>
    %max3A_22 = arith.constant 0.000000e+00 : f32
    %max3A_23 = vector.broadcast %max3A_22 : f32 to vector<3x256xf32>
    %max3A_24 = arith.maximumf %sub3A, %max3A_23 : vector<3x256xf32>
    %add3A = arith.constant 9.99999974E-6 : f32
    %add3A_25 = vector.broadcast %add3A : f32 to vector<3x256xf32>
    %add3A_26 = arith.addf %max3A_24, %add3A_25 : vector<3x256xf32>
    %rsqrt3A = math.rsqrt %add3A_26 : vector<3x256xf32>
    %mul3A_27 = arith.mulf %rsqrt3A, %get3A_11 : vector<3x256xf32>
    %mul3A_28 = arith.mulf %div3A, %mul3A_27 : vector<3x256xf32>
    %sub3A_29 = arith.subf %get3A_14, %mul3A_28 : vector<3x256xf32>
    %get3A_30 = arith.constant 0 : index
    %get3A_31 = arith.constant 0 : index
    %get3A_32 = vector.load %arg4[%get3A_30, %get3A_31] : memref<3x32xf32, #tpu.memory_space<vmem>>, vector<3x32xf32>
    %concatenate3A_33 = tpu.concatenate %mul3A_27, %sub3A_29, %get3A_32 in 1 : vector<3x256xf32>, vector<3x256xf32>, vector<3x32xf32> -> vector<3x544xf32>
    %convert_element_type3A_34 = arith.truncf %concatenate3A_33 : vector<3x544xf32> to vector<3x544xbf16>
    %convert_element_type3A_35 = arith.extf %convert_element_type3A_34 : vector<3x544xbf16> to vector<3x544xf32>
    %sub3A_36 = arith.subf %concatenate3A_33, %convert_element_type3A_35 : vector<3x544xf32>
    %convert_element_type3A_37 = arith.truncf %sub3A_36 : vector<3x544xf32> to vector<3x544xbf16>
    %concatenate3A_38 = tpu.concatenate %convert_element_type3A_34, %convert_element_type3A_37 in 0 : vector<3x544xbf16>, vector<3x544xbf16> -> vector<6x544xbf16>
    %dot_general3A = arith.constant dense<0.000000e+00> : vector<2000x544xf32>
    %dot_general3A_39 = tpu.matmul %concatenate3A, %concatenate3A_38, %dot_general3A {dimension_numbers = #tpu.dot_dimension_numbers<[1], [0], [0], [1], [0, 0, 1, 1], [], []>, transpose_lhs_hint = false} : vector<2000x6xbf16>, vector<6x544xbf16>, vector<2000x544xf32> -> vector<2000x544xf32>
    %slice3A_40 = vector.extract_strided_slice %dot_general3A_39 {offsets = [0, 0], sizes = [2000, 256], strides = [1, 1]} : vector<2000x544xf32> to vector<2000x256xf32>
    %slice3A_41 = vector.extract_strided_slice %dot_general3A_39 {offsets = [0, 256], sizes = [2000, 256], strides = [1, 1]} : vector<2000x544xf32> to vector<2000x256xf32>
    %slice3A_42 = vector.extract_strided_slice %dot_general3A_39 {offsets = [0, 512], sizes = [2000, 32], strides = [1, 1]} : vector<2000x544xf32> to vector<2000x32xf32>
    %mul3A_43 = arith.mulf %get3A_1, %slice3A_40 : vector<2000x256xf32>
    %add3A_44 = arith.addf %mul3A_43, %slice3A_41 : vector<2000x256xf32>
    %jit3A = arith.constant 0.00999999977 : f32
    %ge3A = arith.constant 0.000000e+00 : f32
    %ge3A_45 = vector.broadcast %ge3A : f32 to vector<2000x256xf32>
    %ge3A_46 = arith.cmpf oge, %add3A_44, %ge3A_45 : vector<2000x256xf32>
    %mul3A_47 = vector.broadcast %jit3A : f32 to vector<2000x256xf32>
    %mul3A_48 = arith.mulf %mul3A_47, %add3A_44 : vector<2000x256xf32>
    %select_n3A = arith.select %ge3A_46, %add3A_44, %mul3A_48 : vector<2000x256xi1>, vector<2000x256xf32>
    %convert_element_type3A_49 = arith.truncf %select_n3A : vector<2000x256xf32> to vector<2000x256xbf16>
    %convert_element_type3A_50 = arith.extf %convert_element_type3A_49 : vector<2000x256xbf16> to vector<2000x256xf32>
    %sub3A_51 = arith.subf %select_n3A, %convert_element_type3A_50 : vector<2000x256xf32>
    %convert_element_type3A_52 = arith.truncf %sub3A_51 : vector<2000x256xf32> to vector<2000x256xbf16>
    %slice3A_53 = vector.extract_strided_slice %convert_element_type3A {offsets = [0, 0], sizes = [2000, 1], strides = [1, 1]} : vector<2000x3xbf16> to vector<2000x1xbf16>
    %mul3A_54 = vector.broadcast %slice3A_53 : vector<2000x1xbf16> to vector<2000x256xbf16>
    %mul3A_55 = arith.mulf %convert_element_type3A_49, %mul3A_54 : vector<2000x256xbf16>
    %slice3A_56 = vector.extract_strided_slice %convert_element_type3A {offsets = [0, 0], sizes = [2000, 1], strides = [1, 1]} : vector<2000x3xbf16> to vector<2000x1xbf16>
    %mul3A_57 = vector.broadcast %slice3A_56 : vector<2000x1xbf16> to vector<2000x256xbf16>
    %mul3A_58 = arith.mulf %convert_element_type3A_52, %mul3A_57 : vector<2000x256xbf16>
    %slice3A_59 = vector.extract_strided_slice %convert_element_type3A {offsets = [0, 0], sizes = [2000, 1], strides = [1, 1]} : vector<2000x3xbf16> to vector<2000x1xbf16>
    %mul3A_60 = vector.broadcast %slice3A_59 : vector<2000x1xbf16> to vector<2000x256xbf16>
    %mul3A_61 = arith.mulf %convert_element_type3A_49, %mul3A_60 : vector<2000x256xbf16>
    %slice3A_62 = vector.extract_strided_slice %convert_element_type3A {offsets = [0, 1], sizes = [2000, 1], strides = [1, 1]} : vector<2000x3xbf16> to vector<2000x1xbf16>
    %mul3A_63 = vector.broadcast %slice3A_62 : vector<2000x1xbf16> to vector<2000x256xbf16>
    %mul3A_64 = arith.mulf %convert_element_type3A_49, %mul3A_63 : vector<2000x256xbf16>
    %slice3A_65 = vector.extract_strided_slice %convert_element_type3A {offsets = [0, 1], sizes = [2000, 1], strides = [1, 1]} : vector<2000x3xbf16> to vector<2000x1xbf16>
    %mul3A_66 = vector.broadcast %slice3A_65 : vector<2000x1xbf16> to vector<2000x256xbf16>
    %mul3A_67 = arith.mulf %convert_element_type3A_52, %mul3A_66 : vector<2000x256xbf16>
    %slice3A_68 = vector.extract_strided_slice %convert_element_type3A {offsets = [0, 1], sizes = [2000, 1], strides = [1, 1]} : vector<2000x3xbf16> to vector<2000x1xbf16>
    %mul3A_69 = vector.broadcast %slice3A_68 : vector<2000x1xbf16> to vector<2000x256xbf16>
    %mul3A_70 = arith.mulf %convert_element_type3A_49, %mul3A_69 : vector<2000x256xbf16>
    %slice3A_71 = vector.extract_strided_slice %convert_element_type3A {offsets = [0, 2], sizes = [2000, 1], strides = [1, 1]} : vector<2000x3xbf16> to vector<2000x1xbf16>
    %mul3A_72 = vector.broadcast %slice3A_71 : vector<2000x1xbf16> to vector<2000x256xbf16>
    %mul3A_73 = arith.mulf %convert_element_type3A_49, %mul3A_72 : vector<2000x256xbf16>
    %slice3A_74 = vector.extract_strided_slice %convert_element_type3A {offsets = [0, 2], sizes = [2000, 1], strides = [1, 1]} : vector<2000x3xbf16> to vector<2000x1xbf16>
    %mul3A_75 = vector.broadcast %slice3A_74 : vector<2000x1xbf16> to vector<2000x256xbf16>
    %mul3A_76 = arith.mulf %convert_element_type3A_52, %mul3A_75 : vector<2000x256xbf16>
    %slice3A_77 = vector.extract_strided_slice %convert_element_type3A {offsets = [0, 2], sizes = [2000, 1], strides = [1, 1]} : vector<2000x3xbf16> to vector<2000x1xbf16>
    %mul3A_78 = vector.broadcast %slice3A_77 : vector<2000x1xbf16> to vector<2000x256xbf16>
    %mul3A_79 = arith.mulf %convert_element_type3A_49, %mul3A_78 : vector<2000x256xbf16>
    %concatenate3A_80 = tpu.concatenate %mul3A_55, %mul3A_58, %mul3A_61, %mul3A_64, %mul3A_67, %mul3A_70, %mul3A_73, %mul3A_76, %mul3A_79 in 1 : vector<2000x256xbf16>, vector<2000x256xbf16>, vector<2000x256xbf16>, vector<2000x256xbf16>, vector<2000x256xbf16>, vector<2000x256xbf16>, vector<2000x256xbf16>, vector<2000x256xbf16>, vector<2000x256xbf16> -> vector<2000x2304xbf16>
    %get3A_81 = arith.constant 0 : index
    %get3A_82 = arith.constant 0 : index
    %get3A_83 = vector.load %arg3[%get3A_81, %get3A_82] : memref<2304x32xbf16, #tpu.memory_space<vmem>>, vector<2304x32xbf16>
    %dot_general3A_84 = arith.constant dense<0.000000e+00> : vector<2000x32xf32>
    %dot_general3A_85 = tpu.matmul %concatenate3A_80, %get3A_83, %dot_general3A_84 {dimension_numbers = #tpu.dot_dimension_numbers<[1], [0], [0], [1], [0, 0, 1, 1], [], []>, transpose_lhs_hint = false} : vector<2000x2304xbf16>, vector<2304x32xbf16>, vector<2000x32xf32> -> vector<2000x32xf32>
    %add3A_86 = arith.addf %dot_general3A_85, %slice3A_42 : vector<2000x32xf32>
    %get3A_87 = arith.constant 0 : index
    %get3A_88 = arith.constant 0 : index
    %get3A_89 = vector.load %arg8[%get3A_87, %get3A_88] : memref<2000x32xf32, #tpu.memory_space<vmem>>, vector<2000x32xf32>
    %add3A_90 = arith.addf %add3A_86, %get3A_89 : vector<2000x32xf32>
    %swap3A = arith.constant 0 : index
    %swap3A_91 = arith.constant 0 : index
    %swap3A_92 = vector.load %arg9[%swap3A, %swap3A_91] : memref<2000x32xf32, #tpu.memory_space<vmem>>, vector<2000x32xf32>
    tpu.vector_store %arg9[%swap3A, %swap3A_91], %add3A_90 {strides = array<i32>} : memref<2000x32xf32, #tpu.memory_space<vmem>>, vector<2000x32xf32>,
    %eq3A = arith.constant 0 : i32
    %eq3A_93 = arith.cmpi eq, %arg0, %eq3A : i32
    %convert_element_type3A_94 = arith.extui %eq3A_93 : i1 to i32
    %cond3A = arith.constant 0 : i32
    %cond3A_95 = arith.cmpi ne, %convert_element_type3A_94, %cond3A : i32
    scf.if %cond3A_95 {
      %broadcast_in_dim3A_143 = arith.constant 0.000000e+00 : f32
      %broadcast_in_dim3A_144 = vector.broadcast %broadcast_in_dim3A_143 : f32 to vector<3x3x32xf32>
      %swap3A_145 = arith.constant 0 : index
      %swap3A_146 = arith.constant 0 : index
      %swap3A_147 = arith.constant 0 : index
      %swap3A_148 = vector.load %arg10[%swap3A_145, %swap3A_146, %swap3A_147] : memref<3x3x32xf32, #tpu.memory_space<vmem>>, vector<3x3x32xf32>
      tpu.vector_store %arg10[%swap3A_145, %swap3A_146, %swap3A_147], %broadcast_in_dim3A_144 {strides = array<i32>} : memref<3x3x32xf32, #tpu.memory_space<vmem>>, vector<3x3x32xf32>,
    } else {
    }
    %transpose3A = tpu.transpose %get3A_4, [1, 0] : vector<2000x3xf32> -> vector<3x2000xf32>
    %convert_element_type3A_96 = arith.truncf %transpose3A : vector<3x2000xf32> to vector<3x2000xbf16>
    %convert_element_type3A_97 = arith.truncf %add3A_90 : vector<2000x32xf32> to vector<2000x32xbf16>
    %get3A_98 = arith.constant 0 : index
    %get3A_99 = arith.constant 0 : index
    %get3A_100 = arith.constant 0 : index
    %get3A_101 = vector.load %arg10[%get3A_98, %get3A_99, %get3A_100] : memref<3x3x32xf32, #tpu.memory_space<vmem>>, vector<1x3x32xf32>
    %get3A_102 = vector.shape_cast %get3A_101 : vector<1x3x32xf32> to vector<3x32xf32>
    %dot_general3A_103 = arith.constant dense<0.000000e+00> : vector<3x32xf32>
    %dot_general3A_104 = tpu.matmul %convert_element_type3A_96, %convert_element_type3A_97, %dot_general3A_103 {dimension_numbers = #tpu.dot_dimension_numbers<[1], [0], [0], [1], [0, 0, 1, 1], [], []>, transpose_lhs_hint = false} : vector<3x2000xbf16>, vector<2000x32xbf16>, vector<3x32xf32> -> vector<3x32xf32>
    %add3A_105 = arith.addf %get3A_102, %dot_general3A_104 : vector<3x32xf32>
    %swap3A_106 = arith.constant 0 : index
    %swap3A_107 = arith.constant 0 : index
    %swap3A_108 = arith.constant 0 : index
    %swap3A_109 = vector.load %arg10[%swap3A_106, %swap3A_107, %swap3A_108] : memref<3x3x32xf32, #tpu.memory_space<vmem>>, vector<1x3x32xf32>
    %swap3A_110 = vector.shape_cast %swap3A_109 : vector<1x3x32xf32> to vector<3x32xf32>
    %swap3A_111 = vector.shape_cast %add3A_105 : vector<3x32xf32> to vector<1x3x32xf32>
    tpu.vector_store %arg10[%swap3A_106, %swap3A_107, %swap3A_108], %swap3A_111 {strides = array<i32>} : memref<3x3x32xf32, #tpu.memory_space<vmem>>, vector<1x3x32xf32>,
    %get3A_112 = arith.constant 1 : index
    %get3A_113 = arith.constant 0 : index
    %get3A_114 = arith.constant 0 : index
    %get3A_115 = vector.load %arg10[%get3A_112, %get3A_113, %get3A_114] : memref<3x3x32xf32, #tpu.memory_space<vmem>>, vector<1x3x32xf32>
    %get3A_116 = vector.shape_cast %get3A_115 : vector<1x3x32xf32> to vector<3x32xf32>
    %mul3A_117 = arith.mulf %add3A_90, %add3A_90 : vector<2000x32xf32>
    %convert_element_type3A_118 = arith.truncf %mul3A_117 : vector<2000x32xf32> to vector<2000x32xbf16>
    %dot_general3A_119 = arith.constant dense<0.000000e+00> : vector<3x32xf32>
    %dot_general3A_120 = tpu.matmul %convert_element_type3A_96, %convert_element_type3A_118, %dot_general3A_119 {dimension_numbers = #tpu.dot_dimension_numbers<[1], [0], [0], [1], [0, 0, 1, 1], [], []>, transpose_lhs_hint = false} : vector<3x2000xbf16>, vector<2000x32xbf16>, vector<3x32xf32> -> vector<3x32xf32>
    %add3A_121 = arith.addf %get3A_116, %dot_general3A_120 : vector<3x32xf32>
    %swap3A_122 = arith.constant 1 : index
    %swap3A_123 = arith.constant 0 : index
    %swap3A_124 = arith.constant 0 : index
    %swap3A_125 = vector.load %arg10[%swap3A_122, %swap3A_123, %swap3A_124] : memref<3x3x32xf32, #tpu.memory_space<vmem>>, vector<1x3x32xf32>
    %swap3A_126 = vector.shape_cast %swap3A_125 : vector<1x3x32xf32> to vector<3x32xf32>
    %swap3A_127 = vector.shape_cast %add3A_121 : vector<3x32xf32> to vector<1x3x32xf32>
    tpu.vector_store %arg10[%swap3A_122, %swap3A_123, %swap3A_124], %swap3A_127 {strides = array<i32>} : memref<3x3x32xf32, #tpu.memory_space<vmem>>, vector<1x3x32xf32>,
    %get3A_128 = arith.constant 2 : index
    %get3A_129 = arith.constant 0 : index
    %get3A_130 = arith.constant 0 : index
    %get3A_131 = vector.load %arg10[%get3A_128, %get3A_129, %get3A_130] : memref<3x3x32xf32, #tpu.memory_space<vmem>>, vector<1x3x32xf32>
    %get3A_132 = vector.shape_cast %get3A_131 : vector<1x3x32xf32> to vector<3x32xf32>
    %broadcast_in_dim3A = arith.constant 1.000000e+00 : bf16
    %broadcast_in_dim3A_133 = vector.broadcast %broadcast_in_dim3A : bf16 to vector<2000x32xbf16>
    %dot_general3A_134 = arith.constant dense<0.000000e+00> : vector<3x32xf32>
    %dot_general3A_135 = tpu.matmul %convert_element_type3A_96, %broadcast_in_dim3A_133, %dot_general3A_134 {dimension_numbers = #tpu.dot_dimension_numbers<[1], [0], [0], [1], [0, 0, 1, 1], [], []>, transpose_lhs_hint = false} : vector<3x2000xbf16>, vector<2000x32xbf16>, vector<3x32xf32> -> vector<3x32xf32>
    %add3A_136 = arith.addf %get3A_132, %dot_general3A_135 : vector<3x32xf32>
    %swap3A_137 = arith.constant 2 : index
    %swap3A_138 = arith.constant 0 : index
    %swap3A_139 = arith.constant 0 : index
    %swap3A_140 = vector.load %arg10[%swap3A_137, %swap3A_138, %swap3A_139] : memref<3x3x32xf32, #tpu.memory_space<vmem>>, vector<1x3x32xf32>
    %swap3A_141 = vector.shape_cast %swap3A_140 : vector<1x3x32xf32> to vector<3x32xf32>
    %swap3A_142 = vector.shape_cast %add3A_136 : vector<3x32xf32> to vector<1x3x32xf32>
    tpu.vector_store %arg10[%swap3A_137, %swap3A_138, %swap3A_139], %swap3A_142 {strides = array<i32>} : memref<3x3x32xf32, #tpu.memory_space<vmem>>, vector<1x3x32xf32>,
    return
  }
  func.func @transform_0(%arg0: i32) -> (i32, i32) {
    %c0_i32 = arith.constant 0 : i32
    %c0_i32_0 = arith.constant 0 : i32
    return %arg0, %c0_i32 : i32, i32
  }
  func.func @transform_1(%arg0: i32) -> (i32, i32) {
    %c0_i32 = arith.constant 0 : i32
    %c0_i32_0 = arith.constant 0 : i32
    return %arg0, %c0_i32 : i32, i32
  }
  func.func @transform_2(%arg0: i32) -> (i32, i32) {
    %c0_i32 = arith.constant 0 : i32
    %c0_i32_0 = arith.constant 0 : i32
    %c0_i32_1 = arith.constant 0 : i32
    return %c0_i32, %c0_i32_0 : i32, i32
  }
  func.func @transform_3(%arg0: i32) -> (i32, i32) {
    %c0_i32 = arith.constant 0 : i32
    %c0_i32_0 = arith.constant 0 : i32
    %c0_i32_1 = arith.constant 0 : i32
    return %c0_i32, %c0_i32_0 : i32, i32
  }
  func.func @transform_4(%arg0: i32) -> (i32, i32, i32) {
    %c0_i32 = arith.constant 0 : i32
    %c0_i32_0 = arith.constant 0 : i32
    %c0_i32_1 = arith.constant 0 : i32
    %c0_i32_2 = arith.constant 0 : i32
    return %c0_i32, %c0_i32_0, %c0_i32_1 : i32, i32, i32
  }
  func.func @transform_5(%arg0: i32) -> (i32, i32) {
    %c0_i32 = arith.constant 0 : i32
    %c0_i32_0 = arith.constant 0 : i32
    %c0_i32_1 = arith.constant 0 : i32
    return %c0_i32, %c0_i32_0 : i32, i32
  }
  func.func @transform_6(%arg0: i32) -> (i32, i32) {
    %c0_i32 = arith.constant 0 : i32
    %c0_i32_0 = arith.constant 0 : i32
    %c0_i32_1 = arith.constant 0 : i32
    return %c0_i32, %c0_i32_0 : i32, i32
  }
  func.func @transform_7(%arg0: i32) -> (i32, i32) {
    %c0_i32 = arith.constant 0 : i32
    %c0_i32_0 = arith.constant 0 : i32
    return %arg0, %c0_i32 : i32, i32
  }
  func.func @transform_8(%arg0: i32) -> (i32, i32) {
    %c0_i32 = arith.constant 0 : i32
    %c0_i32_0 = arith.constant 0 : i32
    return %arg0, %c0_i32 : i32, i32
  }
  func.func @transform_9(%arg0: i32) -> (i32, i32, i32) {
    %c0_i32 = arith.constant 0 : i32
    %c0_i32_0 = arith.constant 0 : i32
    %c0_i32_1 = arith.constant 0 : i32
    %c0_i32_2 = arith.constant 0 : i32
    return %c0_i32, %c0_i32_0, %c0_i32_1 : i32, i32, i32
  }
}

module attributes {stable_mosaic.version = 14 : i64} {
  func.func @_stage_body(%arg0: i32, %arg1: memref<2000x32xf32, #tpu.memory_space<vmem>>, %arg2: memref<2000x3xf32, #tpu.memory_space<vmem>>, %arg3: memref<288x256xbf16, #tpu.memory_space<vmem>>, %arg4: memref<3x256xf32, #tpu.memory_space<vmem>>, %arg5: memref<2000x256xf32, #tpu.memory_space<vmem>>, %arg6: memref<3x3x256xf32, #tpu.memory_space<vmem>>) attributes {dimension_semantics = [#tpu.dimension_semantics<arbitrary>], iteration_bounds = array<i64: 5>, scalar_prefetch = 0 : i64, scratch_operands = 0 : i64, tpu.core_type = #tpu.core_type<tc>, window_params = [{transform_indices = @transform_0, window_bounds = array<i64: 2000, 32>}, {transform_indices = @transform_1, window_bounds = array<i64: 2000, 3>}, {pipeline_mode = #tpu.pipeline_mode<synchronous>, transform_indices = @transform_2, window_bounds = array<i64: 288, 256>}, {pipeline_mode = #tpu.pipeline_mode<synchronous>, transform_indices = @transform_3, window_bounds = array<i64: 3, 256>}, {transform_indices = @transform_4, window_bounds = array<i64: 2000, 256>}, {pipeline_mode = #tpu.pipeline_mode<synchronous>, transform_indices = @transform_5, window_bounds = array<i64: 3, 3, 256>}]} {
    %get3A = arith.constant 0 : index
    %get3A_0 = arith.constant 0 : index
    %get3A_1 = vector.load %arg1[%get3A, %get3A_0] : memref<2000x32xf32, #tpu.memory_space<vmem>>, vector<2000x32xf32>
    %get3A_2 = arith.constant 0 : index
    %get3A_3 = arith.constant 0 : index
    %get3A_4 = vector.load %arg2[%get3A_2, %get3A_3] : memref<2000x3xf32, #tpu.memory_space<vmem>>, vector<2000x3xf32>
    %convert_element_type3A = arith.truncf %get3A_4 : vector<2000x3xf32> to vector<2000x3xbf16>
    %concatenate3A = tpu.concatenate %convert_element_type3A, %convert_element_type3A in 1 : vector<2000x3xbf16>, vector<2000x3xbf16> -> vector<2000x6xbf16>
    %get3A_5 = arith.constant 0 : index
    %get3A_6 = arith.constant 0 : index
    %get3A_7 = vector.load %arg4[%get3A_5, %get3A_6] : memref<3x256xf32, #tpu.memory_space<vmem>>, vector<3x256xf32>
    %convert_element_type3A_8 = arith.truncf %get3A_7 : vector<3x256xf32> to vector<3x256xbf16>
    %convert_element_type3A_9 = arith.extf %convert_element_type3A_8 : vector<3x256xbf16> to vector<3x256xf32>
    %sub3A = arith.subf %get3A_7, %convert_element_type3A_9 : vector<3x256xf32>
    %convert_element_type3A_10 = arith.truncf %sub3A : vector<3x256xf32> to vector<3x256xbf16>
    %concatenate3A_11 = tpu.concatenate %convert_element_type3A_8, %convert_element_type3A_10 in 0 : vector<3x256xbf16>, vector<3x256xbf16> -> vector<6x256xbf16>
    %dot_general3A = arith.constant dense<0.000000e+00> : vector<2000x256xf32>
    %dot_general3A_12 = tpu.matmul %concatenate3A, %concatenate3A_11, %dot_general3A {dimension_numbers = #tpu.dot_dimension_numbers<[1], [0], [0], [1], [0, 0, 1, 1], [], []>, transpose_lhs_hint = false} : vector<2000x6xbf16>, vector<6x256xbf16>, vector<2000x256xf32> -> vector<2000x256xf32>
    %convert_element_type3A_13 = arith.truncf %get3A_1 : vector<2000x32xf32> to vector<2000x32xbf16>
    %convert_element_type3A_14 = arith.extf %convert_element_type3A_13 : vector<2000x32xbf16> to vector<2000x32xf32>
    %sub3A_15 = arith.subf %get3A_1, %convert_element_type3A_14 : vector<2000x32xf32>
    %convert_element_type3A_16 = arith.truncf %sub3A_15 : vector<2000x32xf32> to vector<2000x32xbf16>
    %slice3A = vector.extract_strided_slice %convert_element_type3A {offsets = [0, 0], sizes = [2000, 1], strides = [1, 1]} : vector<2000x3xbf16> to vector<2000x1xbf16>
    %mul3A = vector.broadcast %slice3A : vector<2000x1xbf16> to vector<2000x32xbf16>
    %mul3A_17 = arith.mulf %convert_element_type3A_13, %mul3A : vector<2000x32xbf16>
    %slice3A_18 = vector.extract_strided_slice %convert_element_type3A {offsets = [0, 0], sizes = [2000, 1], strides = [1, 1]} : vector<2000x3xbf16> to vector<2000x1xbf16>
    %mul3A_19 = vector.broadcast %slice3A_18 : vector<2000x1xbf16> to vector<2000x32xbf16>
    %mul3A_20 = arith.mulf %convert_element_type3A_16, %mul3A_19 : vector<2000x32xbf16>
    %slice3A_21 = vector.extract_strided_slice %convert_element_type3A {offsets = [0, 0], sizes = [2000, 1], strides = [1, 1]} : vector<2000x3xbf16> to vector<2000x1xbf16>
    %mul3A_22 = vector.broadcast %slice3A_21 : vector<2000x1xbf16> to vector<2000x32xbf16>
    %mul3A_23 = arith.mulf %convert_element_type3A_13, %mul3A_22 : vector<2000x32xbf16>
    %slice3A_24 = vector.extract_strided_slice %convert_element_type3A {offsets = [0, 1], sizes = [2000, 1], strides = [1, 1]} : vector<2000x3xbf16> to vector<2000x1xbf16>
    %mul3A_25 = vector.broadcast %slice3A_24 : vector<2000x1xbf16> to vector<2000x32xbf16>
    %mul3A_26 = arith.mulf %convert_element_type3A_13, %mul3A_25 : vector<2000x32xbf16>
    %slice3A_27 = vector.extract_strided_slice %convert_element_type3A {offsets = [0, 1], sizes = [2000, 1], strides = [1, 1]} : vector<2000x3xbf16> to vector<2000x1xbf16>
    %mul3A_28 = vector.broadcast %slice3A_27 : vector<2000x1xbf16> to vector<2000x32xbf16>
    %mul3A_29 = arith.mulf %convert_element_type3A_16, %mul3A_28 : vector<2000x32xbf16>
    %slice3A_30 = vector.extract_strided_slice %convert_element_type3A {offsets = [0, 1], sizes = [2000, 1], strides = [1, 1]} : vector<2000x3xbf16> to vector<2000x1xbf16>
    %mul3A_31 = vector.broadcast %slice3A_30 : vector<2000x1xbf16> to vector<2000x32xbf16>
    %mul3A_32 = arith.mulf %convert_element_type3A_13, %mul3A_31 : vector<2000x32xbf16>
    %slice3A_33 = vector.extract_strided_slice %convert_element_type3A {offsets = [0, 2], sizes = [2000, 1], strides = [1, 1]} : vector<2000x3xbf16> to vector<2000x1xbf16>
    %mul3A_34 = vector.broadcast %slice3A_33 : vector<2000x1xbf16> to vector<2000x32xbf16>
    %mul3A_35 = arith.mulf %convert_element_type3A_13, %mul3A_34 : vector<2000x32xbf16>
    %slice3A_36 = vector.extract_strided_slice %convert_element_type3A {offsets = [0, 2], sizes = [2000, 1], strides = [1, 1]} : vector<2000x3xbf16> to vector<2000x1xbf16>
    %mul3A_37 = vector.broadcast %slice3A_36 : vector<2000x1xbf16> to vector<2000x32xbf16>
    %mul3A_38 = arith.mulf %convert_element_type3A_16, %mul3A_37 : vector<2000x32xbf16>
    %slice3A_39 = vector.extract_strided_slice %convert_element_type3A {offsets = [0, 2], sizes = [2000, 1], strides = [1, 1]} : vector<2000x3xbf16> to vector<2000x1xbf16>
    %mul3A_40 = vector.broadcast %slice3A_39 : vector<2000x1xbf16> to vector<2000x32xbf16>
    %mul3A_41 = arith.mulf %convert_element_type3A_13, %mul3A_40 : vector<2000x32xbf16>
    %concatenate3A_42 = tpu.concatenate %mul3A_17, %mul3A_20, %mul3A_23, %mul3A_26, %mul3A_29, %mul3A_32, %mul3A_35, %mul3A_38, %mul3A_41 in 1 : vector<2000x32xbf16>, vector<2000x32xbf16>, vector<2000x32xbf16>, vector<2000x32xbf16>, vector<2000x32xbf16>, vector<2000x32xbf16>, vector<2000x32xbf16>, vector<2000x32xbf16>, vector<2000x32xbf16> -> vector<2000x288xbf16>
    %get3A_43 = arith.constant 0 : index
    %get3A_44 = arith.constant 0 : index
    %get3A_45 = vector.load %arg3[%get3A_43, %get3A_44] : memref<288x256xbf16, #tpu.memory_space<vmem>>, vector<288x256xbf16>
    %dot_general3A_46 = arith.constant dense<0.000000e+00> : vector<2000x256xf32>
    %dot_general3A_47 = tpu.matmul %concatenate3A_42, %get3A_45, %dot_general3A_46 {dimension_numbers = #tpu.dot_dimension_numbers<[1], [0], [0], [1], [0, 0, 1, 1], [], []>, transpose_lhs_hint = false} : vector<2000x288xbf16>, vector<288x256xbf16>, vector<2000x256xf32> -> vector<2000x256xf32>
    %add3A = arith.addf %dot_general3A_47, %dot_general3A_12 : vector<2000x256xf32>
    %swap3A = arith.constant 0 : index
    %swap3A_48 = arith.constant 0 : index
    %swap3A_49 = vector.load %arg5[%swap3A, %swap3A_48] : memref<2000x256xf32, #tpu.memory_space<vmem>>, vector<2000x256xf32>
    tpu.vector_store %arg5[%swap3A, %swap3A_48], %add3A {strides = array<i32>} : memref<2000x256xf32, #tpu.memory_space<vmem>>, vector<2000x256xf32>,
    %eq3A = arith.constant 0 : i32
    %eq3A_50 = arith.cmpi eq, %arg0, %eq3A : i32
    %convert_element_type3A_51 = arith.extui %eq3A_50 : i1 to i32
    %cond3A = arith.constant 0 : i32
    %cond3A_52 = arith.cmpi ne, %convert_element_type3A_51, %cond3A : i32
    scf.if %cond3A_52 {
      %broadcast_in_dim3A_100 = arith.constant 0.000000e+00 : f32
      %broadcast_in_dim3A_101 = vector.broadcast %broadcast_in_dim3A_100 : f32 to vector<3x3x256xf32>
      %swap3A_102 = arith.constant 0 : index
      %swap3A_103 = arith.constant 0 : index
      %swap3A_104 = arith.constant 0 : index
      %swap3A_105 = vector.load %arg6[%swap3A_102, %swap3A_103, %swap3A_104] : memref<3x3x256xf32, #tpu.memory_space<vmem>>, vector<3x3x256xf32>
      tpu.vector_store %arg6[%swap3A_102, %swap3A_103, %swap3A_104], %broadcast_in_dim3A_101 {strides = array<i32>} : memref<3x3x256xf32, #tpu.memory_space<vmem>>, vector<3x3x256xf32>,
    } else {
    }
    %transpose3A = tpu.transpose %get3A_4, [1, 0] : vector<2000x3xf32> -> vector<3x2000xf32>
    %convert_element_type3A_53 = arith.truncf %transpose3A : vector<3x2000xf32> to vector<3x2000xbf16>
    %convert_element_type3A_54 = arith.truncf %add3A : vector<2000x256xf32> to vector<2000x256xbf16>
    %get3A_55 = arith.constant 0 : index
    %get3A_56 = arith.constant 0 : index
    %get3A_57 = arith.constant 0 : index
    %get3A_58 = vector.load %arg6[%get3A_55, %get3A_56, %get3A_57] : memref<3x3x256xf32, #tpu.memory_space<vmem>>, vector<1x3x256xf32>
    %get3A_59 = vector.shape_cast %get3A_58 : vector<1x3x256xf32> to vector<3x256xf32>
    %dot_general3A_60 = arith.constant dense<0.000000e+00> : vector<3x256xf32>
    %dot_general3A_61 = tpu.matmul %convert_element_type3A_53, %convert_element_type3A_54, %dot_general3A_60 {dimension_numbers = #tpu.dot_dimension_numbers<[1], [0], [0], [1], [0, 0, 1, 1], [], []>, transpose_lhs_hint = false} : vector<3x2000xbf16>, vector<2000x256xbf16>, vector<3x256xf32> -> vector<3x256xf32>
    %add3A_62 = arith.addf %get3A_59, %dot_general3A_61 : vector<3x256xf32>
    %swap3A_63 = arith.constant 0 : index
    %swap3A_64 = arith.constant 0 : index
    %swap3A_65 = arith.constant 0 : index
    %swap3A_66 = vector.load %arg6[%swap3A_63, %swap3A_64, %swap3A_65] : memref<3x3x256xf32, #tpu.memory_space<vmem>>, vector<1x3x256xf32>
    %swap3A_67 = vector.shape_cast %swap3A_66 : vector<1x3x256xf32> to vector<3x256xf32>
    %swap3A_68 = vector.shape_cast %add3A_62 : vector<3x256xf32> to vector<1x3x256xf32>
    tpu.vector_store %arg6[%swap3A_63, %swap3A_64, %swap3A_65], %swap3A_68 {strides = array<i32>} : memref<3x3x256xf32, #tpu.memory_space<vmem>>, vector<1x3x256xf32>,
    %get3A_69 = arith.constant 1 : index
    %get3A_70 = arith.constant 0 : index
    %get3A_71 = arith.constant 0 : index
    %get3A_72 = vector.load %arg6[%get3A_69, %get3A_70, %get3A_71] : memref<3x3x256xf32, #tpu.memory_space<vmem>>, vector<1x3x256xf32>
    %get3A_73 = vector.shape_cast %get3A_72 : vector<1x3x256xf32> to vector<3x256xf32>
    %mul3A_74 = arith.mulf %add3A, %add3A : vector<2000x256xf32>
    %convert_element_type3A_75 = arith.truncf %mul3A_74 : vector<2000x256xf32> to vector<2000x256xbf16>
    %dot_general3A_76 = arith.constant dense<0.000000e+00> : vector<3x256xf32>
    %dot_general3A_77 = tpu.matmul %convert_element_type3A_53, %convert_element_type3A_75, %dot_general3A_76 {dimension_numbers = #tpu.dot_dimension_numbers<[1], [0], [0], [1], [0, 0, 1, 1], [], []>, transpose_lhs_hint = false} : vector<3x2000xbf16>, vector<2000x256xbf16>, vector<3x256xf32> -> vector<3x256xf32>
    %add3A_78 = arith.addf %get3A_73, %dot_general3A_77 : vector<3x256xf32>
    %swap3A_79 = arith.constant 1 : index
    %swap3A_80 = arith.constant 0 : index
    %swap3A_81 = arith.constant 0 : index
    %swap3A_82 = vector.load %arg6[%swap3A_79, %swap3A_80, %swap3A_81] : memref<3x3x256xf32, #tpu.memory_space<vmem>>, vector<1x3x256xf32>
    %swap3A_83 = vector.shape_cast %swap3A_82 : vector<1x3x256xf32> to vector<3x256xf32>
    %swap3A_84 = vector.shape_cast %add3A_78 : vector<3x256xf32> to vector<1x3x256xf32>
    tpu.vector_store %arg6[%swap3A_79, %swap3A_80, %swap3A_81], %swap3A_84 {strides = array<i32>} : memref<3x3x256xf32, #tpu.memory_space<vmem>>, vector<1x3x256xf32>,
    %get3A_85 = arith.constant 2 : index
    %get3A_86 = arith.constant 0 : index
    %get3A_87 = arith.constant 0 : index
    %get3A_88 = vector.load %arg6[%get3A_85, %get3A_86, %get3A_87] : memref<3x3x256xf32, #tpu.memory_space<vmem>>, vector<1x3x256xf32>
    %get3A_89 = vector.shape_cast %get3A_88 : vector<1x3x256xf32> to vector<3x256xf32>
    %broadcast_in_dim3A = arith.constant 1.000000e+00 : bf16
    %broadcast_in_dim3A_90 = vector.broadcast %broadcast_in_dim3A : bf16 to vector<2000x256xbf16>
    %dot_general3A_91 = arith.constant dense<0.000000e+00> : vector<3x256xf32>
    %dot_general3A_92 = tpu.matmul %convert_element_type3A_53, %broadcast_in_dim3A_90, %dot_general3A_91 {dimension_numbers = #tpu.dot_dimension_numbers<[1], [0], [0], [1], [0, 0, 1, 1], [], []>, transpose_lhs_hint = false} : vector<3x2000xbf16>, vector<2000x256xbf16>, vector<3x256xf32> -> vector<3x256xf32>
    %add3A_93 = arith.addf %get3A_89, %dot_general3A_92 : vector<3x256xf32>
    %swap3A_94 = arith.constant 2 : index
    %swap3A_95 = arith.constant 0 : index
    %swap3A_96 = arith.constant 0 : index
    %swap3A_97 = vector.load %arg6[%swap3A_94, %swap3A_95, %swap3A_96] : memref<3x3x256xf32, #tpu.memory_space<vmem>>, vector<1x3x256xf32>
    %swap3A_98 = vector.shape_cast %swap3A_97 : vector<1x3x256xf32> to vector<3x256xf32>
    %swap3A_99 = vector.shape_cast %add3A_93 : vector<3x256xf32> to vector<1x3x256xf32>
    tpu.vector_store %arg6[%swap3A_94, %swap3A_95, %swap3A_96], %swap3A_99 {strides = array<i32>} : memref<3x3x256xf32, #tpu.memory_space<vmem>>, vector<1x3x256xf32>,
    return
  }
  func.func @transform_0(%arg0: i32) -> (i32, i32) {
    %c0_i32 = arith.constant 0 : i32
    %c0_i32_0 = arith.constant 0 : i32
    return %arg0, %c0_i32 : i32, i32
  }
  func.func @transform_1(%arg0: i32) -> (i32, i32) {
    %c0_i32 = arith.constant 0 : i32
    %c0_i32_0 = arith.constant 0 : i32
    return %arg0, %c0_i32 : i32, i32
  }
  func.func @transform_2(%arg0: i32) -> (i32, i32) {
    %c0_i32 = arith.constant 0 : i32
    %c0_i32_0 = arith.constant 0 : i32
    %c0_i32_1 = arith.constant 0 : i32
    return %c0_i32, %c0_i32_0 : i32, i32
  }
  func.func @transform_3(%arg0: i32) -> (i32, i32) {
    %c0_i32 = arith.constant 0 : i32
    %c0_i32_0 = arith.constant 0 : i32
    %c0_i32_1 = arith.constant 0 : i32
    return %c0_i32, %c0_i32_0 : i32, i32
  }
  func.func @transform_4(%arg0: i32) -> (i32, i32) {
    %c0_i32 = arith.constant 0 : i32
    %c0_i32_0 = arith.constant 0 : i32
    return %arg0, %c0_i32 : i32, i32
  }
  func.func @transform_5(%arg0: i32) -> (i32, i32, i32) {
    %c0_i32 = arith.constant 0 : i32
    %c0_i32_0 = arith.constant 0 : i32
    %c0_i32_1 = arith.constant 0 : i32
    %c0_i32_2 = arith.constant 0 : i32
    return %c0_i32, %c0_i32_0, %c0_i32_1 : i32, i32, i32
  }
}

module attributes {stable_mosaic.version = 14 : i64} {
  func.func @_stage_body(%arg0: i32, %arg1: memref<2000x256xf32, #tpu.memory_space<vmem>>, %arg2: memref<2000x3xf32, #tpu.memory_space<vmem>>, %arg3: memref<2304x32xbf16, #tpu.memory_space<vmem>>, %arg4: memref<3x32xf32, #tpu.memory_space<vmem>>, %arg5: memref<3x3x256xf32, #tpu.memory_space<vmem>>, %arg6: memref<3x256xf32, #tpu.memory_space<vmem>>, %arg7: memref<3x256xf32, #tpu.memory_space<vmem>>, %arg8: memref<2000x32xf32, #tpu.memory_space<vmem>>, %arg9: memref<3x3x32xf32, #tpu.memory_space<vmem>>) attributes {dimension_semantics = [#tpu.dimension_semantics<arbitrary>], iteration_bounds = array<i64: 5>, scalar_prefetch = 0 : i64, scratch_operands = 0 : i64, tpu.core_type = #tpu.core_type<tc>, window_params = [{transform_indices = @transform_0, window_bounds = array<i64: 2000, 256>}, {transform_indices = @transform_1, window_bounds = array<i64: 2000, 3>}, {pipeline_mode = #tpu.pipeline_mode<synchronous>, transform_indices = @transform_2, window_bounds = array<i64: 2304, 32>}, {pipeline_mode = #tpu.pipeline_mode<synchronous>, transform_indices = @transform_3, window_bounds = array<i64: 3, 32>}, {pipeline_mode = #tpu.pipeline_mode<synchronous>, transform_indices = @transform_4, window_bounds = array<i64: 3, 3, 256>}, {pipeline_mode = #tpu.pipeline_mode<synchronous>, transform_indices = @transform_5, window_bounds = array<i64: 3, 256>}, {pipeline_mode = #tpu.pipeline_mode<synchronous>, transform_indices = @transform_6, window_bounds = array<i64: 3, 256>}, {transform_indices = @transform_7, window_bounds = array<i64: 2000, 32>}, {pipeline_mode = #tpu.pipeline_mode<synchronous>, transform_indices = @transform_8, window_bounds = array<i64: 3, 3, 32>}]} {
    %get3A = arith.constant 0 : index
    %get3A_0 = arith.constant 0 : index
    %get3A_1 = vector.load %arg1[%get3A, %get3A_0] : memref<2000x256xf32, #tpu.memory_space<vmem>>, vector<2000x256xf32>
    %get3A_2 = arith.constant 0 : index
    %get3A_3 = arith.constant 0 : index
    %get3A_4 = vector.load %arg2[%get3A_2, %get3A_3] : memref<2000x3xf32, #tpu.memory_space<vmem>>, vector<2000x3xf32>
    %convert_element_type3A = arith.truncf %get3A_4 : vector<2000x3xf32> to vector<2000x3xbf16>
    %concatenate3A = tpu.concatenate %convert_element_type3A, %convert_element_type3A in 1 : vector<2000x3xbf16>, vector<2000x3xbf16> -> vector<2000x6xbf16>
    %get3A_5 = arith.constant 0 : index
    %get3A_6 = arith.constant 0 : index
    %get3A_7 = arith.constant 0 : index
    %get3A_8 = vector.load %arg5[%get3A_5, %get3A_6, %get3A_7] : memref<3x3x256xf32, #tpu.memory_space<vmem>>, vector<3x3x256xf32>
    %get3A_9 = arith.constant 0 : index
    %get3A_10 = arith.constant 0 : index
    %get3A_11 = vector.load %arg6[%get3A_9, %get3A_10] : memref<3x256xf32, #tpu.memory_space<vmem>>, vector<3x256xf32>
    %get3A_12 = arith.constant 0 : index
    %get3A_13 = arith.constant 0 : index
    %get3A_14 = vector.load %arg7[%get3A_12, %get3A_13] : memref<3x256xf32, #tpu.memory_space<vmem>>, vector<3x256xf32>
    %slice3A = vector.extract_strided_slice %get3A_8 {offsets = [2, 0, 0], sizes = [1, 3, 256], strides = [1, 1, 1]} : vector<3x3x256xf32> to vector<1x3x256xf32>
    %squeeze3A = vector.shape_cast %slice3A : vector<1x3x256xf32> to vector<3x256xf32>
    %max3A = arith.constant 1.000000e+00 : f32
    %max3A_15 = vector.broadcast %max3A : f32 to vector<3x256xf32>
    %max3A_16 = arith.maximumf %squeeze3A, %max3A_15 : vector<3x256xf32>
    %slice3A_17 = vector.extract_strided_slice %get3A_8 {offsets = [0, 0, 0], sizes = [1, 3, 256], strides = [1, 1, 1]} : vector<3x3x256xf32> to vector<1x3x256xf32>
    %squeeze3A_18 = vector.shape_cast %slice3A_17 : vector<1x3x256xf32> to vector<3x256xf32>
    %div3A = arith.divf %squeeze3A_18, %max3A_16 : vector<3x256xf32>
    %slice3A_19 = vector.extract_strided_slice %get3A_8 {offsets = [1, 0, 0], sizes = [1, 3, 256], strides = [1, 1, 1]} : vector<3x3x256xf32> to vector<1x3x256xf32>
    %squeeze3A_20 = vector.shape_cast %slice3A_19 : vector<1x3x256xf32> to vector<3x256xf32>
    %div3A_21 = arith.divf %squeeze3A_20, %max3A_16 : vector<3x256xf32>
    %mul3A = arith.mulf %div3A, %div3A : vector<3x256xf32>
    %sub3A = arith.subf %div3A_21, %mul3A : vector<3x256xf32>
    %max3A_22 = arith.constant 0.000000e+00 : f32
    %max3A_23 = vector.broadcast %max3A_22 : f32 to vector<3x256xf32>
    %max3A_24 = arith.maximumf %sub3A, %max3A_23 : vector<3x256xf32>
    %add3A = arith.constant 9.99999974E-6 : f32
    %add3A_25 = vector.broadcast %add3A : f32 to vector<3x256xf32>
    %add3A_26 = arith.addf %max3A_24, %add3A_25 : vector<3x256xf32>
    %rsqrt3A = math.rsqrt %add3A_26 : vector<3x256xf32>
    %mul3A_27 = arith.mulf %rsqrt3A, %get3A_11 : vector<3x256xf32>
    %mul3A_28 = arith.mulf %div3A, %mul3A_27 : vector<3x256xf32>
    %sub3A_29 = arith.subf %get3A_14, %mul3A_28 : vector<3x256xf32>
    %get3A_30 = arith.constant 0 : index
    %get3A_31 = arith.constant 0 : index
    %get3A_32 = vector.load %arg4[%get3A_30, %get3A_31] : memref<3x32xf32, #tpu.memory_space<vmem>>, vector<3x32xf32>
    %concatenate3A_33 = tpu.concatenate %mul3A_27, %sub3A_29, %get3A_32 in 1 : vector<3x256xf32>, vector<3x256xf32>, vector<3x32xf32> -> vector<3x544xf32>
    %convert_element_type3A_34 = arith.truncf %concatenate3A_33 : vector<3x544xf32> to vector<3x544xbf16>
    %convert_element_type3A_35 = arith.extf %convert_element_type3A_34 : vector<3x544xbf16> to vector<3x544xf32>
    %sub3A_36 = arith.subf %concatenate3A_33, %convert_element_type3A_35 : vector<3x544xf32>
    %convert_element_type3A_37 = arith.truncf %sub3A_36 : vector<3x544xf32> to vector<3x544xbf16>
    %concatenate3A_38 = tpu.concatenate %convert_element_type3A_34, %convert_element_type3A_37 in 0 : vector<3x544xbf16>, vector<3x544xbf16> -> vector<6x544xbf16>
    %dot_general3A = arith.constant dense<0.000000e+00> : vector<2000x544xf32>
    %dot_general3A_39 = tpu.matmul %concatenate3A, %concatenate3A_38, %dot_general3A {dimension_numbers = #tpu.dot_dimension_numbers<[1], [0], [0], [1], [0, 0, 1, 1], [], []>, transpose_lhs_hint = false} : vector<2000x6xbf16>, vector<6x544xbf16>, vector<2000x544xf32> -> vector<2000x544xf32>
    %slice3A_40 = vector.extract_strided_slice %dot_general3A_39 {offsets = [0, 0], sizes = [2000, 256], strides = [1, 1]} : vector<2000x544xf32> to vector<2000x256xf32>
    %slice3A_41 = vector.extract_strided_slice %dot_general3A_39 {offsets = [0, 256], sizes = [2000, 256], strides = [1, 1]} : vector<2000x544xf32> to vector<2000x256xf32>
    %slice3A_42 = vector.extract_strided_slice %dot_general3A_39 {offsets = [0, 512], sizes = [2000, 32], strides = [1, 1]} : vector<2000x544xf32> to vector<2000x32xf32>
    %mul3A_43 = arith.mulf %get3A_1, %slice3A_40 : vector<2000x256xf32>
    %add3A_44 = arith.addf %mul3A_43, %slice3A_41 : vector<2000x256xf32>
    %jit3A = arith.constant 0.00999999977 : f32
    %ge3A = arith.constant 0.000000e+00 : f32
    %ge3A_45 = vector.broadcast %ge3A : f32 to vector<2000x256xf32>
    %ge3A_46 = arith.cmpf oge, %add3A_44, %ge3A_45 : vector<2000x256xf32>
    %mul3A_47 = vector.broadcast %jit3A : f32 to vector<2000x256xf32>
    %mul3A_48 = arith.mulf %mul3A_47, %add3A_44 : vector<2000x256xf32>
    %select_n3A = arith.select %ge3A_46, %add3A_44, %mul3A_48 : vector<2000x256xi1>, vector<2000x256xf32>
    %convert_element_type3A_49 = arith.truncf %select_n3A : vector<2000x256xf32> to vector<2000x256xbf16>
    %convert_element_type3A_50 = arith.extf %convert_element_type3A_49 : vector<2000x256xbf16> to vector<2000x256xf32>
    %sub3A_51 = arith.subf %select_n3A, %convert_element_type3A_50 : vector<2000x256xf32>
    %convert_element_type3A_52 = arith.truncf %sub3A_51 : vector<2000x256xf32> to vector<2000x256xbf16>
    %slice3A_53 = vector.extract_strided_slice %convert_element_type3A {offsets = [0, 0], sizes = [2000, 1], strides = [1, 1]} : vector<2000x3xbf16> to vector<2000x1xbf16>
    %mul3A_54 = vector.broadcast %slice3A_53 : vector<2000x1xbf16> to vector<2000x256xbf16>
    %mul3A_55 = arith.mulf %convert_element_type3A_49, %mul3A_54 : vector<2000x256xbf16>
    %slice3A_56 = vector.extract_strided_slice %convert_element_type3A {offsets = [0, 0], sizes = [2000, 1], strides = [1, 1]} : vector<2000x3xbf16> to vector<2000x1xbf16>
    %mul3A_57 = vector.broadcast %slice3A_56 : vector<2000x1xbf16> to vector<2000x256xbf16>
    %mul3A_58 = arith.mulf %convert_element_type3A_52, %mul3A_57 : vector<2000x256xbf16>
    %slice3A_59 = vector.extract_strided_slice %convert_element_type3A {offsets = [0, 0], sizes = [2000, 1], strides = [1, 1]} : vector<2000x3xbf16> to vector<2000x1xbf16>
    %mul3A_60 = vector.broadcast %slice3A_59 : vector<2000x1xbf16> to vector<2000x256xbf16>
    %mul3A_61 = arith.mulf %convert_element_type3A_49, %mul3A_60 : vector<2000x256xbf16>
    %slice3A_62 = vector.extract_strided_slice %convert_element_type3A {offsets = [0, 1], sizes = [2000, 1], strides = [1, 1]} : vector<2000x3xbf16> to vector<2000x1xbf16>
    %mul3A_63 = vector.broadcast %slice3A_62 : vector<2000x1xbf16> to vector<2000x256xbf16>
    %mul3A_64 = arith.mulf %convert_element_type3A_49, %mul3A_63 : vector<2000x256xbf16>
    %slice3A_65 = vector.extract_strided_slice %convert_element_type3A {offsets = [0, 1], sizes = [2000, 1], strides = [1, 1]} : vector<2000x3xbf16> to vector<2000x1xbf16>
    %mul3A_66 = vector.broadcast %slice3A_65 : vector<2000x1xbf16> to vector<2000x256xbf16>
    %mul3A_67 = arith.mulf %convert_element_type3A_52, %mul3A_66 : vector<2000x256xbf16>
    %slice3A_68 = vector.extract_strided_slice %convert_element_type3A {offsets = [0, 1], sizes = [2000, 1], strides = [1, 1]} : vector<2000x3xbf16> to vector<2000x1xbf16>
    %mul3A_69 = vector.broadcast %slice3A_68 : vector<2000x1xbf16> to vector<2000x256xbf16>
    %mul3A_70 = arith.mulf %convert_element_type3A_49, %mul3A_69 : vector<2000x256xbf16>
    %slice3A_71 = vector.extract_strided_slice %convert_element_type3A {offsets = [0, 2], sizes = [2000, 1], strides = [1, 1]} : vector<2000x3xbf16> to vector<2000x1xbf16>
    %mul3A_72 = vector.broadcast %slice3A_71 : vector<2000x1xbf16> to vector<2000x256xbf16>
    %mul3A_73 = arith.mulf %convert_element_type3A_49, %mul3A_72 : vector<2000x256xbf16>
    %slice3A_74 = vector.extract_strided_slice %convert_element_type3A {offsets = [0, 2], sizes = [2000, 1], strides = [1, 1]} : vector<2000x3xbf16> to vector<2000x1xbf16>
    %mul3A_75 = vector.broadcast %slice3A_74 : vector<2000x1xbf16> to vector<2000x256xbf16>
    %mul3A_76 = arith.mulf %convert_element_type3A_52, %mul3A_75 : vector<2000x256xbf16>
    %slice3A_77 = vector.extract_strided_slice %convert_element_type3A {offsets = [0, 2], sizes = [2000, 1], strides = [1, 1]} : vector<2000x3xbf16> to vector<2000x1xbf16>
    %mul3A_78 = vector.broadcast %slice3A_77 : vector<2000x1xbf16> to vector<2000x256xbf16>
    %mul3A_79 = arith.mulf %convert_element_type3A_49, %mul3A_78 : vector<2000x256xbf16>
    %concatenate3A_80 = tpu.concatenate %mul3A_55, %mul3A_58, %mul3A_61, %mul3A_64, %mul3A_67, %mul3A_70, %mul3A_73, %mul3A_76, %mul3A_79 in 1 : vector<2000x256xbf16>, vector<2000x256xbf16>, vector<2000x256xbf16>, vector<2000x256xbf16>, vector<2000x256xbf16>, vector<2000x256xbf16>, vector<2000x256xbf16>, vector<2000x256xbf16>, vector<2000x256xbf16> -> vector<2000x2304xbf16>
    %get3A_81 = arith.constant 0 : index
    %get3A_82 = arith.constant 0 : index
    %get3A_83 = vector.load %arg3[%get3A_81, %get3A_82] : memref<2304x32xbf16, #tpu.memory_space<vmem>>, vector<2304x32xbf16>
    %dot_general3A_84 = arith.constant dense<0.000000e+00> : vector<2000x32xf32>
    %dot_general3A_85 = tpu.matmul %concatenate3A_80, %get3A_83, %dot_general3A_84 {dimension_numbers = #tpu.dot_dimension_numbers<[1], [0], [0], [1], [0, 0, 1, 1], [], []>, transpose_lhs_hint = false} : vector<2000x2304xbf16>, vector<2304x32xbf16>, vector<2000x32xf32> -> vector<2000x32xf32>
    %add3A_86 = arith.addf %dot_general3A_85, %slice3A_42 : vector<2000x32xf32>
    %swap3A = arith.constant 0 : index
    %swap3A_87 = arith.constant 0 : index
    %swap3A_88 = vector.load %arg8[%swap3A, %swap3A_87] : memref<2000x32xf32, #tpu.memory_space<vmem>>, vector<2000x32xf32>
    tpu.vector_store %arg8[%swap3A, %swap3A_87], %add3A_86 {strides = array<i32>} : memref<2000x32xf32, #tpu.memory_space<vmem>>, vector<2000x32xf32>,
    %eq3A = arith.constant 0 : i32
    %eq3A_89 = arith.cmpi eq, %arg0, %eq3A : i32
    %convert_element_type3A_90 = arith.extui %eq3A_89 : i1 to i32
    %cond3A = arith.constant 0 : i32
    %cond3A_91 = arith.cmpi ne, %convert_element_type3A_90, %cond3A : i32
    scf.if %cond3A_91 {
      %broadcast_in_dim3A_139 = arith.constant 0.000000e+00 : f32
      %broadcast_in_dim3A_140 = vector.broadcast %broadcast_in_dim3A_139 : f32 to vector<3x3x32xf32>
      %swap3A_141 = arith.constant 0 : index
      %swap3A_142 = arith.constant 0 : index
      %swap3A_143 = arith.constant 0 : index
      %swap3A_144 = vector.load %arg9[%swap3A_141, %swap3A_142, %swap3A_143] : memref<3x3x32xf32, #tpu.memory_space<vmem>>, vector<3x3x32xf32>
      tpu.vector_store %arg9[%swap3A_141, %swap3A_142, %swap3A_143], %broadcast_in_dim3A_140 {strides = array<i32>} : memref<3x3x32xf32, #tpu.memory_space<vmem>>, vector<3x3x32xf32>,
    } else {
    }
    %transpose3A = tpu.transpose %get3A_4, [1, 0] : vector<2000x3xf32> -> vector<3x2000xf32>
    %convert_element_type3A_92 = arith.truncf %transpose3A : vector<3x2000xf32> to vector<3x2000xbf16>
    %convert_element_type3A_93 = arith.truncf %add3A_86 : vector<2000x32xf32> to vector<2000x32xbf16>
    %get3A_94 = arith.constant 0 : index
    %get3A_95 = arith.constant 0 : index
    %get3A_96 = arith.constant 0 : index
    %get3A_97 = vector.load %arg9[%get3A_94, %get3A_95, %get3A_96] : memref<3x3x32xf32, #tpu.memory_space<vmem>>, vector<1x3x32xf32>
    %get3A_98 = vector.shape_cast %get3A_97 : vector<1x3x32xf32> to vector<3x32xf32>
    %dot_general3A_99 = arith.constant dense<0.000000e+00> : vector<3x32xf32>
    %dot_general3A_100 = tpu.matmul %convert_element_type3A_92, %convert_element_type3A_93, %dot_general3A_99 {dimension_numbers = #tpu.dot_dimension_numbers<[1], [0], [0], [1], [0, 0, 1, 1], [], []>, transpose_lhs_hint = false} : vector<3x2000xbf16>, vector<2000x32xbf16>, vector<3x32xf32> -> vector<3x32xf32>
    %add3A_101 = arith.addf %get3A_98, %dot_general3A_100 : vector<3x32xf32>
    %swap3A_102 = arith.constant 0 : index
    %swap3A_103 = arith.constant 0 : index
    %swap3A_104 = arith.constant 0 : index
    %swap3A_105 = vector.load %arg9[%swap3A_102, %swap3A_103, %swap3A_104] : memref<3x3x32xf32, #tpu.memory_space<vmem>>, vector<1x3x32xf32>
    %swap3A_106 = vector.shape_cast %swap3A_105 : vector<1x3x32xf32> to vector<3x32xf32>
    %swap3A_107 = vector.shape_cast %add3A_101 : vector<3x32xf32> to vector<1x3x32xf32>
    tpu.vector_store %arg9[%swap3A_102, %swap3A_103, %swap3A_104], %swap3A_107 {strides = array<i32>} : memref<3x3x32xf32, #tpu.memory_space<vmem>>, vector<1x3x32xf32>,
    %get3A_108 = arith.constant 1 : index
    %get3A_109 = arith.constant 0 : index
    %get3A_110 = arith.constant 0 : index
    %get3A_111 = vector.load %arg9[%get3A_108, %get3A_109, %get3A_110] : memref<3x3x32xf32, #tpu.memory_space<vmem>>, vector<1x3x32xf32>
    %get3A_112 = vector.shape_cast %get3A_111 : vector<1x3x32xf32> to vector<3x32xf32>
    %mul3A_113 = arith.mulf %add3A_86, %add3A_86 : vector<2000x32xf32>
    %convert_element_type3A_114 = arith.truncf %mul3A_113 : vector<2000x32xf32> to vector<2000x32xbf16>
    %dot_general3A_115 = arith.constant dense<0.000000e+00> : vector<3x32xf32>
    %dot_general3A_116 = tpu.matmul %convert_element_type3A_92, %convert_element_type3A_114, %dot_general3A_115 {dimension_numbers = #tpu.dot_dimension_numbers<[1], [0], [0], [1], [0, 0, 1, 1], [], []>, transpose_lhs_hint = false} : vector<3x2000xbf16>, vector<2000x32xbf16>, vector<3x32xf32> -> vector<3x32xf32>
    %add3A_117 = arith.addf %get3A_112, %dot_general3A_116 : vector<3x32xf32>
    %swap3A_118 = arith.constant 1 : index
    %swap3A_119 = arith.constant 0 : index
    %swap3A_120 = arith.constant 0 : index
    %swap3A_121 = vector.load %arg9[%swap3A_118, %swap3A_119, %swap3A_120] : memref<3x3x32xf32, #tpu.memory_space<vmem>>, vector<1x3x32xf32>
    %swap3A_122 = vector.shape_cast %swap3A_121 : vector<1x3x32xf32> to vector<3x32xf32>
    %swap3A_123 = vector.shape_cast %add3A_117 : vector<3x32xf32> to vector<1x3x32xf32>
    tpu.vector_store %arg9[%swap3A_118, %swap3A_119, %swap3A_120], %swap3A_123 {strides = array<i32>} : memref<3x3x32xf32, #tpu.memory_space<vmem>>, vector<1x3x32xf32>,
    %get3A_124 = arith.constant 2 : index
    %get3A_125 = arith.constant 0 : index
    %get3A_126 = arith.constant 0 : index
    %get3A_127 = vector.load %arg9[%get3A_124, %get3A_125, %get3A_126] : memref<3x3x32xf32, #tpu.memory_space<vmem>>, vector<1x3x32xf32>
    %get3A_128 = vector.shape_cast %get3A_127 : vector<1x3x32xf32> to vector<3x32xf32>
    %broadcast_in_dim3A = arith.constant 1.000000e+00 : bf16
    %broadcast_in_dim3A_129 = vector.broadcast %broadcast_in_dim3A : bf16 to vector<2000x32xbf16>
    %dot_general3A_130 = arith.constant dense<0.000000e+00> : vector<3x32xf32>
    %dot_general3A_131 = tpu.matmul %convert_element_type3A_92, %broadcast_in_dim3A_129, %dot_general3A_130 {dimension_numbers = #tpu.dot_dimension_numbers<[1], [0], [0], [1], [0, 0, 1, 1], [], []>, transpose_lhs_hint = false} : vector<3x2000xbf16>, vector<2000x32xbf16>, vector<3x32xf32> -> vector<3x32xf32>
    %add3A_132 = arith.addf %get3A_128, %dot_general3A_131 : vector<3x32xf32>
    %swap3A_133 = arith.constant 2 : index
    %swap3A_134 = arith.constant 0 : index
    %swap3A_135 = arith.constant 0 : index
    %swap3A_136 = vector.load %arg9[%swap3A_133, %swap3A_134, %swap3A_135] : memref<3x3x32xf32, #tpu.memory_space<vmem>>, vector<1x3x32xf32>
    %swap3A_137 = vector.shape_cast %swap3A_136 : vector<1x3x32xf32> to vector<3x32xf32>
    %swap3A_138 = vector.shape_cast %add3A_132 : vector<3x32xf32> to vector<1x3x32xf32>
    tpu.vector_store %arg9[%swap3A_133, %swap3A_134, %swap3A_135], %swap3A_138 {strides = array<i32>} : memref<3x3x32xf32, #tpu.memory_space<vmem>>, vector<1x3x32xf32>,
    return
  }
  func.func @transform_0(%arg0: i32) -> (i32, i32) {
    %c0_i32 = arith.constant 0 : i32
    %c0_i32_0 = arith.constant 0 : i32
    return %arg0, %c0_i32 : i32, i32
  }
  func.func @transform_1(%arg0: i32) -> (i32, i32) {
    %c0_i32 = arith.constant 0 : i32
    %c0_i32_0 = arith.constant 0 : i32
    return %arg0, %c0_i32 : i32, i32
  }
  func.func @transform_2(%arg0: i32) -> (i32, i32) {
    %c0_i32 = arith.constant 0 : i32
    %c0_i32_0 = arith.constant 0 : i32
    %c0_i32_1 = arith.constant 0 : i32
    return %c0_i32, %c0_i32_0 : i32, i32
  }
  func.func @transform_3(%arg0: i32) -> (i32, i32) {
    %c0_i32 = arith.constant 0 : i32
    %c0_i32_0 = arith.constant 0 : i32
    %c0_i32_1 = arith.constant 0 : i32
    return %c0_i32, %c0_i32_0 : i32, i32
  }
  func.func @transform_4(%arg0: i32) -> (i32, i32, i32) {
    %c0_i32 = arith.constant 0 : i32
    %c0_i32_0 = arith.constant 0 : i32
    %c0_i32_1 = arith.constant 0 : i32
    %c0_i32_2 = arith.constant 0 : i32
    return %c0_i32, %c0_i32_0, %c0_i32_1 : i32, i32, i32
  }
  func.func @transform_5(%arg0: i32) -> (i32, i32) {
    %c0_i32 = arith.constant 0 : i32
    %c0_i32_0 = arith.constant 0 : i32
    %c0_i32_1 = arith.constant 0 : i32
    return %c0_i32, %c0_i32_0 : i32, i32
  }
  func.func @transform_6(%arg0: i32) -> (i32, i32) {
    %c0_i32 = arith.constant 0 : i32
    %c0_i32_0 = arith.constant 0 : i32
    %c0_i32_1 = arith.constant 0 : i32
    return %c0_i32, %c0_i32_0 : i32, i32
  }
  func.func @transform_7(%arg0: i32) -> (i32, i32) {
    %c0_i32 = arith.constant 0 : i32
    %c0_i32_0 = arith.constant 0 : i32
    return %arg0, %c0_i32 : i32, i32
  }
  func.func @transform_8(%arg0: i32) -> (i32, i32, i32) {
    %c0_i32 = arith.constant 0 : i32
    %c0_i32_0 = arith.constant 0 : i32
    %c0_i32_1 = arith.constant 0 : i32
    %c0_i32_2 = arith.constant 0 : i32
    return %c0_i32, %c0_i32_0, %c0_i32_1 : i32, i32, i32
  }
}

</mosaic_0001>

<sc_bundles>
// kernel: kernel.17.cloned.1.call-start
scs
__scs_entry_jumppad:
0x0: {  	(pc) =	sbr.rel $0x88, $3  }
0x1: {  	(tag) =	ssettag $0x0;
	lr =	simm.s32 $0x1  }
0x2: {  	[smem:$0x3F77] =	sst lr;
	_ =	strace $0xD0000000  }
0x3: {  	_ = 	snop  }
0x4: {  	_ = 	snop  }
0x5: {  	_ = 	snop  }
0x6: {  	_ = 	snop  }
0x7: {  	_ = 	snop  }
__scs_overlays_trampoline_lowered:
0x8: {  	[smem:$0x3F86] =	sst s0  }
0x9: {  	[smem:$0x3F87] =	sst s1  }
0xa: {  	[smem:$0x3F88] =	sst s2  }
0xb: {  	[smem:$0x3F89] =	sst s3  }
0xc: {  	[smem:$0x3F8A] =	sst s4  }
0xd: {  	[smem:$0x3F8B] =	sst s5  }
0xe: {  	[smem:$0x3F8C] =	sst s6  }
0xf: {  	[smem:$0x3F8D] =	sst s7  }
0x10: {  	[smem:$0x3F8E] =	sst s8  }
0x11: {  	[smem:$0x3F8F] =	sst s9;
	s0 =	simm.s32 @!p0 $0x0  }
0x12: {  	s1 =	sld [smem:$0x3F75];
	s0 =	simm.s32 @p0 $0x1  }
0x13: {  	[smem:$0x3F90] =	sst s0;
	s0 =	simm.s32 @!p1 $0x0  }
0x14: {  	s2 =	sld [smem:$0x3F74];
	s0 =	simm.s32 @p1 $0x1  }
0x15: {  	[smem:$0x3F91] =	sst s0;
	s0 =	simm.s32 @!p2 $0x0  }
0x16: {  	s3 =	sld [smem:$0x3FDB];
	s0 =	simm.s32 @p2 $0x1  }
0x17: {  	s4 =	simm.s32 $0x1BF5;
	[smem:$0x3F93] =	sst s0  }
0x18: {  	s0 =	sld [smem:$0x3F76];
	_ =	swait.ge [sflag:s4], $0x0  }
0x19: {  	s7 =	sld [smem:$0x3F77]  }
0x1a: {  	s8 =	sadd.s32 $0xFFFFE003, lr  }
0x1b: {  	s9 =	sadd.s32 $0xFFFFFEF7, lr;
	s5 =	simm.s32 $0xFFFFFFFF;
	p2 =	slt.u32 s8, $0xFFFFF086  }
0x1c: {  	p1 =	slt.u32 s9, $0xF7A;
	s5 =	simm.s32 @!p2 $0x0  }
0x1d: {  	s5 =	simm.s32 @p1 $0x1;
	p0 =	seq.s32 s7, s2  }
0x1e: {  	s7 =	smul.u32 @!p0 $0xF7A, s2;
	p2 =	seq.s32 @!p0 s5, $0x0  }
0x1f: {  	s9 =	smul.u32 $0xF7A, s1;
	s8 =	simm.s32 @!p0 $0x1BF5;
	p2 =	por !p2, p0  }
0x20: {  	[sflag:s8] =	ssyncset.s32 @!p0 $0xFFFFF086;
	s6 =	sadd.s32 @!p0 s3, s7;
	s7 =	simm.s32 @!p0 $0x108  }
0x21: {  	s3 =	sadd.s32 s3, s9;
	s6 =	sadd.s32 @!p0 $0x88, s6;
	s7 =	simm.s32 @p2 $0x1082  }
0x22: {  	[simem:s7], [sflag:s8] =	dma.local @!p0 [hbm:s6], $0xF7A  }
0x23: {  	s9 =	sor.u32 $0xD0000000, s2;
	s6 =	simm.s32 $0x108;
	_ =	swait.ge @!p0 [sflag:s8], $0x0  }
0x24: {  	s3 =	sadd.s32 $0x88, s3;
	s6 =	simm.s32 @!p1 $0x1082;
	[sflag:s4] =	ssyncset.s32 $0xFFFFF086  }
0x25: {  	[simem:s6], [sflag:s4] =	dma.local [hbm:s3], $0xF7A  }
0x26: {  	[smem:$0x3F77] =	sst s1;
	(tag) =	ssettag s2;
	_ =	strace s9  }
0x27: {  	s1 =	sld [smem:$0x3F87]  }
0x28: {  	s2 =	sld [smem:$0x3F88]  }
0x29: {  	s4 =	sld [smem:$0x3F8A]  }
0x2a: {  	p0 =	seq.s32 s5, $0x0;
	s5 =	sld [smem:$0x3F8B]  }
0x2b: {  	s6 =	sld [smem:$0x3F8C]  }
0x2c: {  	s7 =	sld [smem:$0x3F8D]  }
0x2d: {  	s3 =	simm.s32 $0x108;
	s8 =	sld [smem:$0x3F8E]  }
0x2e: {  	s3 =	simm.s32 @!p0 $0x1082;
	s9 =	sld [smem:$0x3F8F]  }
0x2f: {  	lr =	sadd.s32 s0, s3;
	s0 =	sld [smem:$0x3F86]  }
0x30: {  	s3 =	sld [smem:$0x3F89]  }
0x31: {  	[smem:$0x3F92] =	sst s10  }
0x32: {  	s10 =	sld [smem:$0x3F90];
	_ =	sdelay $0x3  }
0x33: {  	p0 =	seq.s32 s10, $0x1;
	s10 =	sld [smem:$0x3F92];
	_ =	sdelay $0x3  }
0x34: {  	[smem:$0x3F92] =	sst s10  }
0x35: {  	s10 =	sld [smem:$0x3F91];
	_ =	sdelay $0x3  }
0x36: {  	p1 =	seq.s32 s10, $0x1;
	s10 =	sld [smem:$0x3F92];
	_ =	sdelay $0x3  }
0x37: {  	[smem:$0x3F92] =	sst s10  }
0x38: {  	s10 =	sld [smem:$0x3F93]  }
0x39: {  	_ = 	snop;
	(pc) =	sbr.ind lr, $3  }
0x3a: {  	_ = 	snop  }
0x3b: {  	_ = 	snop  }
0x3c: {  	p2 =	seq.s32 s10, $0x1;
	s10 =	sld [smem:$0x3F92]  }
0x3d: {  	_ =	shalt  }
0x3e: {  	_ =	shalt  }
0x3f: {  	_ =	shalt  }
0x40: {  	_ =	shalt  }
0x41: {  	_ =	shalt  }
0x42: {  	_ =	shalt  }
0x43: {  	_ =	shalt  }
0x44: {  	_ =	shalt  }
0x45: {  	_ =	shalt  }
0x46: {  	_ =	shalt  }
0x47: {  	_ =	shalt  }
0x48: {  	_ =	shalt  }
0x49: {  	_ =	shalt  }
0x4a: {  	_ =	shalt  }
0x4b: {  	_ =	shalt  }
0x4c: {  	_ =	shalt  }
0x4d: {  	_ =	shalt  }
0x4e: {  	_ =	shalt  }
0x4f: {  	_ =	shalt  }
0x50: {  	_ =	shalt  }
0x51: {  	_ =	shalt  }
0x52: {  	_ =	shalt  }
0x53: {  	_ =	shalt  }
0x54: {  	_ =	shalt  }
0x55: {  	_ =	shalt  }
0x56: {  	_ =	shalt  }
0x57: {  	_ =	shalt  }
0x58: {  	_ =	shalt  }
0x59: {  	_ =	shalt  }
0x5a: {  	_ =	shalt  }
0x5b: {  	_ =	shalt  }
0x5c: {  	_ =	shalt  }
0x5d: {  	_ =	shalt  }
0x5e: {  	_ =	shalt  }
0x5f: {  	_ =	shalt  }
0x60: {  	_ =	shalt  }
0x61: {  	_ =	shalt  }
0x62: {  	_ =	shalt  }
0x63: {  	_ =	shalt  }
0x64: {  	_ =	shalt  }
0x65: {  	_ =	shalt  }
0x66: {  	_ =	shalt  }
0x67: {  	_ =	shalt  }
0x68: {  	_ =	shalt  }
0x69: {  	_ =	shalt  }
0x6a: {  	_ =	shalt  }
0x6b: {  	_ =	shalt  }
0x6c: {  	_ =	shalt  }
0x6d: {  	_ =	shalt  }
0x6e: {  	_ =	shalt  }
0x6f: {  	_ =	shalt  }
0x70: {  	_ =	shalt  }
0x71: {  	_ =	shalt  }
0x72: {  	_ =	shalt  }
0x73: {  	_ =	shalt  }
0x74: {  	_ =	shalt  }
0x75: {  	_ =	shalt  }
0x76: {  	_ =	shalt  }
0x77: {  	_ =	shalt  }
0x78: {  	_ =	shalt  }
0x79: {  	_ =	shalt  }
0x7a: {  	_ =	shalt  }
0x7b: {  	_ =	shalt  }
0x7c: {  	_ =	shalt  }
0x7d: {  	_ =	shalt  }
0x7e: {  	_ =	shalt  }
0x7f: {  	_ =	shalt  }
0x80: {  	_ =	shalt  }
0x81: {  	_ =	shalt  }
0x82: {  	_ =	shalt  }
0x83: {  	_ =	shalt  }
0x84: {  	_ =	shalt  }
0x85: {  	_ =	shalt  }
0x86: {  	_ =	shalt  }
0x87: {  	_ =	shalt  }
.Lfunc_end0:
.L_simem_size_0:
called_computation_lowered:
.L_overlay_start_0:
0x88: {  	s2 =	sld [smem:$0x3FD9]  }
0x89: {  	s3 =	sld [smem:$0x3FFE];
	_ =	sdelay $0x1  }
0x8a: {  	s1 =	srdreg.scid  }
0x8b: {  	s0 =	sand.u32 $0x1, s1  }
0x8c: {  	s17 =	sshll.u32 s0, $0xA;
	s2 =	sadd.s32 s3, s2  }
0x8d: {  	s2 =	sadd.s32 s2, s17  }
0x8e: {  	[smem:$0x3F9E] =	sst s2  }
0x8f: {  	_ = 	snop  }
0x90: {  	s2 =	sld [smem:$0x3FD0];
	(tm) =	ssettm $0x1  }
0x91: {  	s18 =	sld [smem:$0x3FFB];
	_ =	sdelay $0x3  }
0x92: {  	_ =	strace s18  }
0x93: {  	s3 =	sld [smem:$0x3FFC];
	_ =	sdelay $0x3  }
0x94: {  	_ =	strace s3  }
0x95: {  	s3 =	sld [smem:$0x3FFD];
	_ =	sdelay $0x3  }
0x96: {  	_ =	strace s3  }
0x97: {  	_ =	strace $0x8FFFFFFF  }
0x98: {  	s19 =	sld [smem:$0x3FDB];
	_ =	sdelay $0x1  }
0x99: {  	s4 =	simm.s32 $_scs_section_size  }
0x9a: {  	s5 =	simm.s32 $_size__tile_overlayer_lowered;
	s6 =	simm.s32 $_tile_overlayer_lowered  }
0x9b: {  	s22 =	simm.s32 $0x1BFF;
	s21 =	sshll.u32 s6, $0x1;
	s3 =	sadd.s32 s4, s19  }
0x9c: {  	s7 =	simm.s32 $0x0;
	s20 =	sshll.u32 s5, $0x1;
	s5 =	sadd.s32 s21, s3  }
0x9d: {  	[timem:s7], [sflag:s22] =	dma.local [hbm:s5], s20  }
0x9e: {  	_ =	swait.ge [sflag:s22], s20  }
0x9f: {  	s4 =	ssub.s32 $0x0, s20;
	[sflag:s22] =	ssyncset.done $0x0  }
0xa0: {  	[sflag:s22] =	ssyncadd.s32 s4;
	_ =	sdelay $0x1  }
0xa1: {  	s23 =	simm.s32 $0x1B8B  }
0xa2: {  	_ =	swait.ge [sflag:s23], $0x1  }
0xa3: {  	[sflag:s23] =	ssyncset.done $0x0  }
0xa4: {  	s25 =	simm.s32 $0x1B8E;
	s24 =	sld [smem:$0x3FFE];
	[sflag:s23] =	ssyncadd.s32 $0xFFFFFFFF  }
0xa5: {  	s26 =	simm.s32 $execute0_lowered;
	[smem:$0x3FD2] =	sst s25  }
0xa6: {  	s5 =	sshll.u32 s26, $0x1;
	_ =	strace $0x80000046;
	[dreg:$0x1] =	wrdreg $0xFFFFFFFF  }
0xa7: {  	s28 =	simm.s32 $_size_execute0_lowered;
	s3 =	sadd.s32 s3, s5;
	[dreg:$0x0] =	wrdreg $0x0  }
0xa8: {  	s5 =	sshll.u32 s28, $0x1;
	[dreg:$0x2] =	wrdreg s3  }
0xa9: {  	[dreg:$0x3] =	wrdreg s5  }
0xaa: {  	[dreg:$0x4] =	wrdreg $0xC0  }
0xab: {  	_ =	task [dreg:s7], $0x5FFFF  }
0xac: {  	[dreg:$0x1] =	wrdreg $0xFFFFFFFF  }
0xad: {  	[dreg:$0x0] =	wrdreg $0x60  }
0xae: {  	[dreg:$0x2] =	wrdreg s24  }
0xaf: {  	[dreg:$0x3] =	wrdreg s2  }
0xb0: {  	[dreg:$0x4] =	wrdreg $0x90000  }
0xb1: {  	[dreg:$0x5] =	wrdreg $0x9  }
0xb2: {  	_ =	task.clear_ibuf [dreg:s7], $0x6FFFF;
	_ =	strace $0x90000046  }
0xb3: {  	s29 =	simm.s32 $0x9;
	_ =	strace $0x80000048  }
0xb4: {  	_ =	swait.ge [sflag:s29], $0x1  }
0xb5: {  	[sflag:s29] =	ssyncadd.s32 $0xFFFFFFFF  }
0xb6: {  	_ =	strace $0x90000048  }
0xb7: {  	_ =	sfence  }
0xb8: {  	s30 =	sld [smem:$0x0];
	_ =	sdelay $0x2  }
0xb9: {  	s31 =	sshll.u32 s1, $0xD;
	s1 =	sshrl.u32 s1, $0x2  }
0xba: {  	s3 =	sand.u32 $0x4000, s31;
	s1 =	sadd.s32 s1, s30  }
0xbb: {  	s0 =	sor.u32 s3, s0;
	s1 =	sshll.u32 s1, $0x11  }
0xbc: {  	s0 =	sor.u32 s1, s0  }
0xbd: {  	s0 =	sadd.s32 $0x8F2B, s0  }
0xbe: {  	[sflag:s0] =	ssyncadd.remote.s32 $0x1  }
0xbf: {  	_ =	sfence.sel $0xFFFF  }
0xc0: {  	[dreg:$0x0] =	wrdreg $0xFFFFFFFF;
	(pc) =	sbr.abs _section_cstart, $3  }
0xc1: {  	[dreg:$0x1] =	wrdreg $0xFFFFFFFF  }
0xc2: {  	_ =	task.clear_ibuf [dreg:s7], $0x2FFFF;
	_ =	strace $0x9FFFFFFF  }
0xc3: {  	(tm) =	ssettm $0x7FFFFFFF  }
tec
execute0_lowered:
.L_overlay_start_1:
0x0: {  	(tag) =	ssettag $0x1  }
0x1: {  	s5 =	rddreg [dreg:$0x0]  }
0x2: {  	s6 =	rddreg [dreg:$0x1]  }
0x3: {  	s1 =	rddreg [dreg:$0x2]  }
0x4: {  	s0 =	rddreg [dreg:$0x3]  }
0x5: {  	s2 =	simm.s32 $0x0;
	s3 =	srdreg.scid;
	s16 =	simm.s32 $0x1  }
0x6: {  	s17 =	simm.s32 $0x4;
	[smem:$0x7FF] =	sst s2;
	s12 =	sand.u32 $0x1, s3  }
0x7: {  	s4 =	sadd.s32 $0x1DA00, s5;
	s3 =	stileid.u32;
	s7 =	smul.u32 $0x9E00, s12  }
0x8: {  	s9 =	sadd.s32 $0x13A00, s5;
	s10 =	sadd.s32 $0x9A00, s5;
	s11 =	smul.u32 $0x4F00, s3  }
0x9: {  	_ =	strace $0x80000047;
	s8 =	ssub.s32 $0x2, s12;
	s28 =	smul.u32 $0x1800, s3  }
0xa: {  	s29 =	sshll.u32 s3, $0x6;
	s30 =	smul.u32 $0x700, s3;
	s26 =	sshrl.u32 s8, $0x1  }
0xb: {  	p0 =	sne.s32 s12, $0x0;
	s13 =	sadd.s32 s7, s5;
	s14 =	ssub.s32 s8, s26  }
0xc: {  	s15 =	sadd.s32 s11, s1;
	s18 =	sshrl.u32 s11, $0x3;
	s7 =	sshrl.u32 s28, $0x3  }
0xd: {  	s5 =	sadd.s32 s6, s18;
	s6 =	sor.u32 $0x1C03, s29;
	s31 =	sadd.s32 $0x7000, s7  }
0xe: {  	s19 =	sadd.s32 $0x44C00, s13;
	s11 =	smax.u32 s14, $0x1;
	s12 =	sshrl.u32 s15, $0x3  }
0xf: {  	s13 =	simm.s32 $0x3;
	s14 =	simm.s32 $0x80;
	s15 =	simm.s32 $0x7000  }
0x10: {  	s7 =	sadd.s32 s9, s31;
	s8 =	sadd.s32 s10, s31;
	s9 =	sadd.s32 s9, s30  }
0x11: {  	s10 =	sadd.s32 s10, s30;
	s18 =	sadd.s32 s18, s19;
	s19 =	simm.s32 $0x0  }
.LBB2_1:
0x12: {  	[spmem:s12], [sflag:s6] =	dma.local [hbm:s5], $0x9E0  }
0x13: {  	_ =	swait.ge [sflag:s13], $0x9E0  }
0x14: {  	[sflag:s13] =	ssyncset.done $0x0  }
0x15: {  	s22 =	simm.s32 @p0 $0x0;
	s23 =	simm.s32 @p0 $0x3;
	[sflag:s13] =	ssyncadd.s32 $0xFFFFF620  }
0x16: {  	[tilespmem:s22], [sflag:$0x3] =	stream.linear.gather @p0 [hbm4b:s7+s22], $0x1800, $0x38;
	[tilespmem:$0xDF00] =	vst v63  }
0x17: {  	_ =	swait.ge @p0 [sflag:s23], $0x1800  }
0x18: {  	[sflag:s23] =	ssyncset.done @p0 $0x0  }
0x19: {  	s24 =	simm.s32 @p0 $0x3800;
	[sflag:s23] =	ssyncadd.s32 @p0 $0xFFFFE800  }
0x1a: {  	[tilespmem:s24], [sflag:$0x3] =	stream.linear.gather @p0 [hbm4b:s8+s22], $0x1800, $0x38;
	[tilespmem:$0xDF00] =	vst v63  }
0x1b: {  	_ =	swait.ge @p0 [sflag:s23], $0x1800  }
0x1c: {  	[sflag:s23] =	ssyncset.done @p0 $0x0  }
0x1d: {  	s22 =	simm.s32 @!p0 $0x0;
	[sflag:s23] =	ssyncadd.s32 @p0 $0xFFFFE800;
	s23 =	simm.s32 @!p0 $0x3  }
0x1e: {  	[tilespmem:s22], [sflag:$0x3] =	stream.linear.gather @!p0 [hbm4b:s9+s22], $0x3800, $0x38;
	[tilespmem:$0xDF00] =	vst v63  }
0x1f: {  	_ =	swait.ge @!p0 [sflag:s23], $0x3800  }
0x20: {  	[sflag:s23] =	ssyncset.done @!p0 $0x0  }
0x21: {  	s24 =	simm.s32 @!p0 $0x3800;
	[sflag:s23] =	ssyncadd.s32 @!p0 $0xFFFFC800  }
0x22: {  	[tilespmem:s24], [sflag:$0x3] =	stream.linear.gather @!p0 [hbm4b:s10+s22], $0x3800, $0x38;
	[tilespmem:$0xDF00] =	vst v63  }
0x23: {  	s22 =	simm.s32 @!p0 $0x70  }
0x24: {  	_ =	swait.ge @!p0 [sflag:s23], $0x3800;
	s22 =	simm.s32 @p0 $0x30  }
0x25: {  	[sflag:s23] =	ssyncset.done @!p0 $0x0;
	s31 =	sshrl.u32 s22, $0x1  }
0x26: {  	[sflag:s23] =	ssyncadd.s32 @!p0 $0xFFFFC800;
	s23 =	sadd.s32 $0xFFFFFFFF, s31  }
0x27: {  	s26 =	sadd.s32 $0xFFFFFFFF, s23  }
0x28: {  	p1 =	sne.s32 s26, $0x0  }
.Ltmp0:
0x29: {  	_ = 	snop;
	(pc) =	sbr.rel @!p1 .LBB2_2-.Ltmp0, $4  }
0x2a: {  	_ = 	snop  }
0x2b: {  	s25 =	simm.s32 $0x3880;
	s29 =	simm.s32 $0x1;
	p2 =	por $0x0, $0x0  }
0x2c: {  	s24 =	simm.s32 $0x2;
	[bflag:$0x0] =	sbarrier.arrive $0xFFFF;
	s23 =	simm.s32 $0x100  }
0x2d: {  	[tilespmem:s15], [sflag:$0x1] =	stream.indirect.gather [hbm4b:s4+s14], $0x20, s2, s14, $0xb8;
	[tilespmem:$0xDF00] =	vst v63  }
0x2e: {  	p1 =	sle.u32 s22, $0x1  }
0x2f: {  	s24 =	simm.s32 @!p1 $0x80;
	s29 =	simm.s32 @!p1 $0x80;
	s30 =	simm.s32 @!p1 $0x8000  }
0x30: {  	[tilespmem:s30], [sflag:$0x2] =	stream.indirect.gather @!p1 [hbm4b:s4+s29], $0x20, s24, s29, $0xb8;
	[tilespmem:$0xDF00] =	vst v63  }
0x31: {  	_ =	swait.ge [sflag:s16], $0x1000  }
0x32: {  	[sflag:s16] =	ssyncset.done $0x0  }
0x33: {  	s31 =	simm.s32 $0x3800;
	p2 =	sle.u32 s22, $0x2;
	[sflag:s16] =	ssyncadd.s32 $0xFFFFF000  }
0x34: {  	[spmem:s1] =	stream.indirect.scatter.add.f32 [tilespmem:s15], [sflag:$0x4], $0x20, s31, s14, $0xb8;
	[tilespmem:$0xDF00] =	vst v63  }
0x35: {  	s26 =	sadd.s32 $0xFFFFFFFF, s26;
	s28 =	simm.s32 @!p2 $0x7000;
	_ =	swait.ge [sflag:s17], $0x1000  }
0x36: {  	p3 =	sne.s32 s26, $0x0;
	p1 =	por p1, p1;
	[sflag:s17] =	ssyncset.done $0x0  }
0x37: {  	s24 =	simm.s32 @!p2 $0x80;
	s31 =	simm.s32 @!p1 $0x2;
	[sflag:s17] =	ssyncadd.s32 $0xFFFFF000  }
0x38: {  	[tilespmem:s28], [sflag:$0x1] =	stream.indirect.gather @!p2 [hbm4b:s4+s24], $0x20, s23, s24, $0xb8;
	[tilespmem:$0xDF00] =	vst v63  }
.Ltmp1:
0x39: {  	_ =	swait.ge @!p1 [sflag:s31], $0x1000;
	(pc) =	sbr.rel @!p3 .LBB2_4-.Ltmp1, $4  }
0x3a: {  	s28 =	simm.s32 @!p1 $0x3;
	s24 =	simm.s32 $0x4;
	[sflag:s31] =	ssyncset.done @!p1 $0x0  }
0x3b: {  	s23 =	simm.s32 $0x200;
	p2 =	por $0x1, $0x1;
	[sflag:s31] =	ssyncadd.s32 @!p1 $0xFFFFF000  }
0x3c: {  	[spmem:s1] =	stream.indirect.scatter.add.f32 @!p1 [tilespmem:s30], [sflag:$0x3], $0x20, s25, s29, $0xb8;
	[tilespmem:$0xDF00] =	vst v63  }
0x3d: {  	s25 =	simm.s32 $0x3980;
	s29 =	simm.s32 $0x3;
	_ =	swait.ge @!p1 [sflag:s28], $0x1000  }
.LBB2_5:
0x3e: {  	s26 =	sadd.s32 $0xFFFFFFFF, s26;
	p4 =	sge.u32 s29, s22;
	[sflag:s28] =	ssyncset.done @!p1 $0x0  }
0x3f: {  	s20 =	sadd.s32 @!p4 $0xFFFFFF80, s23;
	s21 =	simm.s32 @!p4 $0x80;
	s29 =	simm.s32 @!p4 $0x8000  }
0x40: {  	s30 =	smov.u32 s25;
	p3 =	sne.s32 s26, $0x0;
	[sflag:s28] =	ssyncadd.s32 @!p1 $0xFFFFF000  }
0x41: {  	[tilespmem:s29], [sflag:$0x2] =	stream.indirect.gather @!p4 [hbm4b:s4+s21], $0x20, s20, s21, $0xb8;
	[tilespmem:$0xDF00] =	vst v63  }
0x42: {  	p1 =	por p4, p4;
	_ =	swait.ge [sflag:s16], $0x1000  }
0x43: {  	s20 =	sadd.s32 $0xFFFFFF80, s25;
	[sflag:s16] =	ssyncset.done $0x0  }
0x44: {  	[sflag:s16] =	ssyncadd.s32 $0xFFFFF000  }
0x45: {  	[spmem:s1] =	stream.indirect.scatter.add.f32 [tilespmem:s15], [sflag:$0x4], $0x20, s20, s14, $0xb8;
	[tilespmem:$0xDF00] =	vst v63  }
0x46: {  	p4 =	sge.u32 s24, s22;
	_ =	swait.ge [sflag:s17], $0x1000  }
0x47: {  	s31 =	simm.s32 @!p1 $0x2;
	s20 =	simm.s32 @!p4 $0x80;
	[sflag:s17] =	ssyncset.done $0x0  }
0x48: {  	s28 =	simm.s32 @!p4 $0x7000;
	[sflag:s17] =	ssyncadd.s32 $0xFFFFF000  }
0x49: {  	[tilespmem:s28], [sflag:$0x1] =	stream.indirect.gather @!p4 [hbm4b:s4+s20], $0x20, s23, s20, $0xb8;
	[tilespmem:$0xDF00] =	vst v63  }
0x4a: {  	_ =	swait.ge @!p1 [sflag:s31], $0x1000  }
.Ltmp2:
0x4b: {  	s28 =	simm.s32 @!p1 $0x3;
	[sflag:s31] =	ssyncset.done @!p1 $0x0;
	(pc) =	sbr.rel @p3 .LBB2_5-.Ltmp2, $4  }
0x4c: {  	s24 =	sadd.s32 $0x2, s24;
	s20 =	sadd.s32 $0x100, s25;
	[sflag:s31] =	ssyncadd.s32 @!p1 $0xFFFFF000  }
0x4d: {  	[spmem:s1] =	stream.indirect.scatter.add.f32 @!p1 [tilespmem:s29], [sflag:$0x3], $0x20, s30, s21, $0xb8;
	[tilespmem:$0xDF00] =	vst v63  }
0x4e: {  	s25 =	smov.u32 s20;
	s21 =	sadd.s32 $0x100, s23  }
0x4f: {  	s29 =	sadd.s32 $0xFFFFFFFF, s24;
	_ =	swait.ge @!p1 [sflag:s28], $0x1000;
	s23 =	smov.u32 s21  }
0x50: {  	s23 =	smov.u32 s21;
	s25 =	smov.u32 s20  }
.LBB2_7:
0x51: {  	p3 =	sge.u32 s29, s22;
	p1 =	por p1, !p2  }
0x52: {  	[sflag:s28] =	ssyncset.done @!p1 $0x0;
	s26 =	sadd.s32 @!p3 $0xFFFFFF80, s23  }
0x53: {  	s29 =	simm.s32 @!p3 $0x80;
	s30 =	simm.s32 @!p3 $0x8000;
	[sflag:s28] =	ssyncadd.s32 @!p1 $0xFFFFF000  }
0x54: {  	[tilespmem:s30], [sflag:$0x2] =	stream.indirect.gather @!p3 [hbm4b:s4+s29], $0x20, s26, s29, $0xb8;
	[tilespmem:$0xDF00] =	vst v63  }
0x55: {  	_ =	swait.ge [sflag:s16], $0x1000  }
0x56: {  	[sflag:s16] =	ssyncset.done $0x0  }
0x57: {  	s28 =	sadd.s32 $0xFFFFFF80, s25;
	[sflag:s16] =	ssyncadd.s32 $0xFFFFF000  }
0x58: {  	[spmem:s1] =	stream.indirect.scatter.add.f32 [tilespmem:s15], [sflag:$0x4], $0x20, s28, s14, $0xb8;
	[tilespmem:$0xDF00] =	vst v63  }
0x59: {  	p2 =	sge.u32 s24, s22;
	_ =	swait.ge [sflag:s17], $0x1000  }
0x5a: {  	s31 =	simm.s32 @!p2 $0x7000;
	p1 =	por p3, p3;
	[sflag:s17] =	ssyncset.done $0x0  }
0x5b: {  	s26 =	simm.s32 @!p2 $0x80;
	s28 =	simm.s32 @!p1 $0x2;
	[sflag:s17] =	ssyncadd.s32 $0xFFFFF000  }
0x5c: {  	[tilespmem:s31], [sflag:$0x1] =	stream.indirect.gather @!p2 [hbm4b:s4+s26], $0x20, s23, s26, $0xb8;
	[tilespmem:$0xDF00] =	vst v63  }
0x5d: {  	_ =	swait.ge @!p1 [sflag:s28], $0x1000  }
0x5e: {  	[sflag:s28] =	ssyncset.done @!p1 $0x0  }
0x5f: {  	s26 =	simm.s32 @!p1 $0x3;
	[sflag:s28] =	ssyncadd.s32 @!p1 $0xFFFFF000  }
0x60: {  	[spmem:s1] =	stream.indirect.scatter.add.f32 @!p1 [tilespmem:s30], [sflag:$0x3], $0x20, s25, s29, $0xb8;
	[tilespmem:$0xDF00] =	vst v63  }
0x61: {  	s24 =	sadd.s32 $0x2, s24;
	_ =	swait.ge @!p1 [sflag:s26], $0x1000  }
0x62: {  	s30 =	sadd.s32 $0xFFFFFFFF, s24;
	[sflag:s26] =	ssyncset.done @!p1 $0x0  }
0x63: {  	[sflag:s26] =	ssyncadd.s32 @!p1 $0xFFFFF000;
	p1 =	sge.u32 s30, s22  }
0x64: {  	s26 =	sadd.s32 @!p1 $0x80, s21;
	s28 =	simm.s32 @!p1 $0x80;
	s29 =	simm.s32 @!p1 $0x8000  }
0x65: {  	[tilespmem:s29], [sflag:$0x2] =	stream.indirect.gather @!p1 [hbm4b:s4+s28], $0x20, s26, s28, $0xb8;
	[tilespmem:$0xDF00] =	vst v63  }
0x66: {  	_ =	swait.ge [sflag:s16], $0x1000  }
0x67: {  	[sflag:s16] =	ssyncset.done $0x0  }
0x68: {  	s31 =	sadd.s32 $0x80, s20;
	[sflag:s16] =	ssyncadd.s32 $0xFFFFF000  }
0x69: {  	[spmem:s1] =	stream.indirect.scatter.add.f32 [tilespmem:s15], [sflag:$0x4], $0x20, s31, s14, $0xb8;
	[tilespmem:$0xDF00] =	vst v63  }
0x6a: {  	_ =	swait.ge [sflag:s17], $0x1000  }
0x6b: {  	s23 =	sadd.s32 $0x100, s23;
	p2 =	sge.u32 s24, s22;
	[sflag:s17] =	ssyncset.done $0x0  }
0x6c: {  	s24 =	simm.s32 @!p2 $0x7000;
	s22 =	simm.s32 @!p2 $0x80;
	[sflag:s17] =	ssyncadd.s32 $0xFFFFF000  }
0x6d: {  	[tilespmem:s24], [sflag:$0x1] =	stream.indirect.gather @!p2 [hbm4b:s4+s22], $0x20, s23, s22, $0xb8;
	[tilespmem:$0xDF00] =	vst v63  }
0x6e: {  	s22 =	simm.s32 @!p1 $0x2  }
0x6f: {  	_ =	swait.ge @!p1 [sflag:s22], $0x1000  }
0x70: {  	[sflag:s22] =	ssyncset.done @!p1 $0x0  }
0x71: {  	s23 =	sadd.s32 $0x100, s25;
	[sflag:s22] =	ssyncadd.s32 @!p1 $0xFFFFF000;
	s22 =	simm.s32 @!p1 $0x3  }
0x72: {  	[spmem:s1] =	stream.indirect.scatter.add.f32 @!p1 [tilespmem:s29], [sflag:$0x3], $0x20, s23, s28, $0xb8;
	[tilespmem:$0xDF00] =	vst v63  }
0x73: {  	_ =	swait.ge @!p1 [sflag:s22], $0x1000  }
0x74: {  	[sflag:s22] =	ssyncset.done @!p1 $0x0  }
0x75: {  	s19 =	sadd.s32 $0x1, s19;
	[sflag:s22] =	ssyncadd.s32 @!p1 $0xFFFFF000  }
0x76: {  	p1 =	sne.s32 s19, s11;
	[bflag:$0x0] =	sbarrier.arrive $0xFFFF  }
0x77: {  	[hbm:s18], [sflag:s6] =	dma.local [spmem:s12], $0x9E0  }
.Ltmp3:
0x78: {  	_ = 	snop;
	(pc) =	sbr.rel @p1 .LBB2_1-.Ltmp3, $4  }
.Ltmp4:
0x79: {  	_ = 	snop;
	(pc) =	sbr.rel @!p1 .LBB2_8-.Ltmp4, $4  }
0x7a: {  	_ =	swait.ge [sflag:s13], $0x9E0  }
0x7b: {  	[sflag:s13] =	ssyncset.done $0x0  }
0x7c: {  	[sflag:s13] =	ssyncadd.s32 $0xFFFFF620  }
0x7d: {  	_ = 	snop  }
.LBB2_2:
.Ltmp5:
0x7e: {  	(pc) =	sbr.rel .LBB2_7-.Ltmp5, $2  }
0x7f: {  	_ =	sdelay $0x2  }
0x80: {  	_ = 	snop  }
.LBB2_4:
.Ltmp6:
0x81: {  	(pc) =	sbr.rel .LBB2_7-.Ltmp6, $2  }
0x82: {  	_ =	sdelay $0x2  }
0x83: {  	s25 =	simm.s32 $0x3980  }
.LBB2_8:
0x84: {  	_ =	sfence.sel $0x180000  }
0x85: {  	[bflag:$0x0] =	sbarrier.arrive $0xFFFF  }
0x86: {  	p0 =	sne.s32 s3, $0x0;
	_ =	strace $0x90000047  }
0x87: {  	s0 =	sadd.s32 @!p0 $0x100000, s0;
	[bflag:$0x2] =	sbarrier.arrive $0xFFFF  }
0x88: {  	[sflag:s0] =	ssyncadd.tile.s32 @!p0 $0x1;
	_ =	shalt  }
.Lfunc_end2:
_tile_overlayer_lowered:
.L_overlay_start_2:
0x89: {  	(tag) =	ssettag $0x2  }
0x8a: {  	s0 =	rddreg [dreg:$0x0];
	s2 =	stileid.u32  }
0x8b: {  	s1 =	rddreg [dreg:$0x1];
	p0 =	sne.s32 s2, $0x0  }
0x8c: {  	s3 =	rddreg [dreg:$0x2];
	[bflag:$0x3] =	sbarrier.arrive $0xFFFF;
	s2 =	simm.s32 @!p0 $0x1C03  }
0x8d: {  	[timem:s3], [sflag:s2] =	dma.local @!p0 [hbm:s0], s1  }
0x8e: {  	s0 =	simm.s32 @!p0 $0x3  }
0x8f: {  	_ =	swait.ge @!p0 [sflag:s0], s1  }
0x90: {  	s1 =	ssub.s32 @!p0 $0x0, s1;
	[sflag:s0] =	ssyncset.done @!p0 $0x0  }
0x91: {  	[sflag:s0] =	ssyncadd.s32 @!p0 s1  }
0x92: {  	[bflag:$0x3] =	sbarrier.arrive $0xFFFF  }
0x93: {  	_ =	shalt  }

// kernel: kernel.20.cloned.1.call-start
scs
__scs_entry_jumppad:
0x0: {  	(pc) =	sbr.rel $0x88, $3  }
0x1: {  	(tag) =	ssettag $0x0;
	lr =	simm.s32 $0x1  }
0x2: {  	[smem:$0x3F77] =	sst lr;
	_ =	strace $0xD0000000  }
0x3: {  	_ = 	snop  }
0x4: {  	_ = 	snop  }
0x5: {  	_ = 	snop  }
0x6: {  	_ = 	snop  }
0x7: {  	_ = 	snop  }
__scs_overlays_trampoline_lowered:
0x8: {  	[smem:$0x3F86] =	sst s0  }
0x9: {  	[smem:$0x3F87] =	sst s1  }
0xa: {  	[smem:$0x3F88] =	sst s2  }
0xb: {  	[smem:$0x3F89] =	sst s3  }
0xc: {  	[smem:$0x3F8A] =	sst s4  }
0xd: {  	[smem:$0x3F8B] =	sst s5  }
0xe: {  	[smem:$0x3F8C] =	sst s6  }
0xf: {  	[smem:$0x3F8D] =	sst s7  }
0x10: {  	[smem:$0x3F8E] =	sst s8  }
0x11: {  	[smem:$0x3F8F] =	sst s9;
	s0 =	simm.s32 @!p0 $0x0  }
0x12: {  	s1 =	sld [smem:$0x3F75];
	s0 =	simm.s32 @p0 $0x1  }
0x13: {  	[smem:$0x3F90] =	sst s0;
	s0 =	simm.s32 @!p1 $0x0  }
0x14: {  	s2 =	sld [smem:$0x3F74];
	s0 =	simm.s32 @p1 $0x1  }
0x15: {  	[smem:$0x3F91] =	sst s0;
	s0 =	simm.s32 @!p2 $0x0  }
0x16: {  	s3 =	sld [smem:$0x3FDB];
	s0 =	simm.s32 @p2 $0x1  }
0x17: {  	s4 =	simm.s32 $0x1BF5;
	[smem:$0x3F93] =	sst s0  }
0x18: {  	s0 =	sld [smem:$0x3F76];
	_ =	swait.ge [sflag:s4], $0x0  }
0x19: {  	s7 =	sld [smem:$0x3F77]  }
0x1a: {  	s8 =	sadd.s32 $0xFFFFE003, lr  }
0x1b: {  	s9 =	sadd.s32 $0xFFFFFEF7, lr;
	s5 =	simm.s32 $0xFFFFFFFF;
	p2 =	slt.u32 s8, $0xFFFFF086  }
0x1c: {  	p1 =	slt.u32 s9, $0xF7A;
	s5 =	simm.s32 @!p2 $0x0  }
0x1d: {  	s5 =	simm.s32 @p1 $0x1;
	p0 =	seq.s32 s7, s2  }
0x1e: {  	s7 =	smul.u32 @!p0 $0xF7A, s2;
	p2 =	seq.s32 @!p0 s5, $0x0  }
0x1f: {  	s9 =	smul.u32 $0xF7A, s1;
	s8 =	simm.s32 @!p0 $0x1BF5;
	p2 =	por !p2, p0  }
0x20: {  	[sflag:s8] =	ssyncset.s32 @!p0 $0xFFFFF086;
	s6 =	sadd.s32 @!p0 s3, s7;
	s7 =	simm.s32 @!p0 $0x108  }
0x21: {  	s3 =	sadd.s32 s3, s9;
	s6 =	sadd.s32 @!p0 $0x88, s6;
	s7 =	simm.s32 @p2 $0x1082  }
0x22: {  	[simem:s7], [sflag:s8] =	dma.local @!p0 [hbm:s6], $0xF7A  }
0x23: {  	s9 =	sor.u32 $0xD0000000, s2;
	s6 =	simm.s32 $0x108;
	_ =	swait.ge @!p0 [sflag:s8], $0x0  }
0x24: {  	s3 =	sadd.s32 $0x88, s3;
	s6 =	simm.s32 @!p1 $0x1082;
	[sflag:s4] =	ssyncset.s32 $0xFFFFF086  }
0x25: {  	[simem:s6], [sflag:s4] =	dma.local [hbm:s3], $0xF7A  }
0x26: {  	[smem:$0x3F77] =	sst s1;
	(tag) =	ssettag s2;
	_ =	strace s9  }
0x27: {  	s1 =	sld [smem:$0x3F87]  }
0x28: {  	s2 =	sld [smem:$0x3F88]  }
0x29: {  	s4 =	sld [smem:$0x3F8A]  }
0x2a: {  	p0 =	seq.s32 s5, $0x0;
	s5 =	sld [smem:$0x3F8B]  }
0x2b: {  	s6 =	sld [smem:$0x3F8C]  }
0x2c: {  	s7 =	sld [smem:$0x3F8D]  }
0x2d: {  	s3 =	simm.s32 $0x108;
	s8 =	sld [smem:$0x3F8E]  }
0x2e: {  	s3 =	simm.s32 @!p0 $0x1082;
	s9 =	sld [smem:$0x3F8F]  }
0x2f: {  	lr =	sadd.s32 s0, s3;
	s0 =	sld [smem:$0x3F86]  }
0x30: {  	s3 =	sld [smem:$0x3F89]  }
0x31: {  	[smem:$0x3F92] =	sst s10  }
0x32: {  	s10 =	sld [smem:$0x3F90];
	_ =	sdelay $0x3  }
0x33: {  	p0 =	seq.s32 s10, $0x1;
	s10 =	sld [smem:$0x3F92];
	_ =	sdelay $0x3  }
0x34: {  	[smem:$0x3F92] =	sst s10  }
0x35: {  	s10 =	sld [smem:$0x3F91];
	_ =	sdelay $0x3  }
0x36: {  	p1 =	seq.s32 s10, $0x1;
	s10 =	sld [smem:$0x3F92];
	_ =	sdelay $0x3  }
0x37: {  	[smem:$0x3F92] =	sst s10  }
0x38: {  	s10 =	sld [smem:$0x3F93]  }
0x39: {  	_ = 	snop;
	(pc) =	sbr.ind lr, $3  }
0x3a: {  	_ = 	snop  }
0x3b: {  	_ = 	snop  }
0x3c: {  	p2 =	seq.s32 s10, $0x1;
	s10 =	sld [smem:$0x3F92]  }
0x3d: {  	_ =	shalt  }
0x3e: {  	_ =	shalt  }
0x3f: {  	_ =	shalt  }
0x40: {  	_ =	shalt  }
0x41: {  	_ =	shalt  }
0x42: {  	_ =	shalt  }
0x43: {  	_ =	shalt  }
0x44: {  	_ =	shalt  }
0x45: {  	_ =	shalt  }
0x46: {  	_ =	shalt  }
0x47: {  	_ =	shalt  }
0x48: {  	_ =	shalt  }
0x49: {  	_ =	shalt  }
0x4a: {  	_ =	shalt  }
0x4b: {  	_ =	shalt  }
0x4c: {  	_ =	shalt  }
0x4d: {  	_ =	shalt  }
0x4e: {  	_ =	shalt  }
0x4f: {  	_ =	shalt  }
0x50: {  	_ =	shalt  }
0x51: {  	_ =	shalt  }
0x52: {  	_ =	shalt  }
0x53: {  	_ =	shalt  }
0x54: {  	_ =	shalt  }
0x55: {  	_ =	shalt  }
0x56: {  	_ =	shalt  }
0x57: {  	_ =	shalt  }
0x58: {  	_ =	shalt  }
0x59: {  	_ =	shalt  }
0x5a: {  	_ =	shalt  }
0x5b: {  	_ =	shalt  }
0x5c: {  	_ =	shalt  }
0x5d: {  	_ =	shalt  }
0x5e: {  	_ =	shalt  }
0x5f: {  	_ =	shalt  }
0x60: {  	_ =	shalt  }
0x61: {  	_ =	shalt  }
0x62: {  	_ =	shalt  }
0x63: {  	_ =	shalt  }
0x64: {  	_ =	shalt  }
0x65: {  	_ =	shalt  }
0x66: {  	_ =	shalt  }
0x67: {  	_ =	shalt  }
0x68: {  	_ =	shalt  }
0x69: {  	_ =	shalt  }
0x6a: {  	_ =	shalt  }
0x6b: {  	_ =	shalt  }
0x6c: {  	_ =	shalt  }
0x6d: {  	_ =	shalt  }
0x6e: {  	_ =	shalt  }
0x6f: {  	_ =	shalt  }
0x70: {  	_ =	shalt  }
0x71: {  	_ =	shalt  }
0x72: {  	_ =	shalt  }
0x73: {  	_ =	shalt  }
0x74: {  	_ =	shalt  }
0x75: {  	_ =	shalt  }
0x76: {  	_ =	shalt  }
0x77: {  	_ =	shalt  }
0x78: {  	_ =	shalt  }
0x79: {  	_ =	shalt  }
0x7a: {  	_ =	shalt  }
0x7b: {  	_ =	shalt  }
0x7c: {  	_ =	shalt  }
0x7d: {  	_ =	shalt  }
0x7e: {  	_ =	shalt  }
0x7f: {  	_ =	shalt  }
0x80: {  	_ =	shalt  }
0x81: {  	_ =	shalt  }
0x82: {  	_ =	shalt  }
0x83: {  	_ =	shalt  }
0x84: {  	_ =	shalt  }
0x85: {  	_ =	shalt  }
0x86: {  	_ =	shalt  }
0x87: {  	_ =	shalt  }
.Lfunc_end0:
.L_simem_size_0:
called_computation.1_lowered:
.L_overlay_start_0:
0x88: {  	s2 =	sld [smem:$0x3FD9]  }
0x89: {  	s3 =	sld [smem:$0x3FFE];
	_ =	sdelay $0x1  }
0x8a: {  	s1 =	srdreg.scid  }
0x8b: {  	s0 =	sand.u32 $0x1, s1  }
0x8c: {  	s17 =	sshll.u32 s0, $0xA;
	s2 =	sadd.s32 s3, s2  }
0x8d: {  	s2 =	sadd.s32 s2, s17  }
0x8e: {  	[smem:$0x3F9E] =	sst s2  }
0x8f: {  	_ = 	snop  }
0x90: {  	s2 =	sld [smem:$0x3FD0];
	(tm) =	ssettm $0x1  }
0x91: {  	s18 =	sld [smem:$0x3FFB];
	_ =	sdelay $0x3  }
0x92: {  	_ =	strace s18  }
0x93: {  	s3 =	sld [smem:$0x3FFC];
	_ =	sdelay $0x3  }
0x94: {  	_ =	strace s3  }
0x95: {  	s3 =	sld [smem:$0x3FFD];
	_ =	sdelay $0x3  }
0x96: {  	_ =	strace s3  }
0x97: {  	_ =	strace $0x8FFFFFFF  }
0x98: {  	s19 =	sld [smem:$0x3FDB];
	_ =	sdelay $0x1  }
0x99: {  	s4 =	simm.s32 $_scs_section_size  }
0x9a: {  	s5 =	simm.s32 $_size__tile_overlayer_lowered;
	s6 =	simm.s32 $_tile_overlayer_lowered  }
0x9b: {  	s22 =	simm.s32 $0x1BFF;
	s21 =	sshll.u32 s6, $0x1;
	s3 =	sadd.s32 s4, s19  }
0x9c: {  	s7 =	simm.s32 $0x0;
	s20 =	sshll.u32 s5, $0x1;
	s5 =	sadd.s32 s21, s3  }
0x9d: {  	[timem:s7], [sflag:s22] =	dma.local [hbm:s5], s20  }
0x9e: {  	_ =	swait.ge [sflag:s22], s20  }
0x9f: {  	s4 =	ssub.s32 $0x0, s20;
	[sflag:s22] =	ssyncset.done $0x0  }
0xa0: {  	[sflag:s22] =	ssyncadd.s32 s4;
	_ =	sdelay $0x1  }
0xa1: {  	s23 =	simm.s32 $0x1B8B  }
0xa2: {  	_ =	swait.ge [sflag:s23], $0x1  }
0xa3: {  	[sflag:s23] =	ssyncset.done $0x0  }
0xa4: {  	s25 =	simm.s32 $0x1B8E;
	s24 =	sld [smem:$0x3FFE];
	[sflag:s23] =	ssyncadd.s32 $0xFFFFFFFF  }
0xa5: {  	s26 =	simm.s32 $execute0_lowered;
	[smem:$0x3FD2] =	sst s25  }
0xa6: {  	s5 =	sshll.u32 s26, $0x1;
	_ =	strace $0x80000049;
	[dreg:$0x1] =	wrdreg $0xFFFFFFFF  }
0xa7: {  	s28 =	simm.s32 $_size_execute0_lowered;
	s3 =	sadd.s32 s3, s5;
	[dreg:$0x0] =	wrdreg $0x0  }
0xa8: {  	s5 =	sshll.u32 s28, $0x1;
	[dreg:$0x2] =	wrdreg s3  }
0xa9: {  	[dreg:$0x3] =	wrdreg s5  }
0xaa: {  	[dreg:$0x4] =	wrdreg $0xC0  }
0xab: {  	_ =	task [dreg:s7], $0x5FFFF  }
0xac: {  	[dreg:$0x1] =	wrdreg $0xFFFFFFFF  }
0xad: {  	[dreg:$0x0] =	wrdreg $0x60  }
0xae: {  	[dreg:$0x2] =	wrdreg s24  }
0xaf: {  	[dreg:$0x3] =	wrdreg s2  }
0xb0: {  	[dreg:$0x4] =	wrdreg $0x90000  }
0xb1: {  	[dreg:$0x5] =	wrdreg $0x9  }
0xb2: {  	_ =	task.clear_ibuf [dreg:s7], $0x6FFFF;
	_ =	strace $0x90000049  }
0xb3: {  	s29 =	simm.s32 $0x9;
	_ =	strace $0x8000004B  }
0xb4: {  	_ =	swait.ge [sflag:s29], $0x1  }
0xb5: {  	[sflag:s29] =	ssyncadd.s32 $0xFFFFFFFF  }
0xb6: {  	_ =	strace $0x9000004B  }
0xb7: {  	_ =	sfence  }
0xb8: {  	s30 =	sld [smem:$0x0];
	_ =	sdelay $0x2  }
0xb9: {  	s31 =	sshll.u32 s1, $0xD;
	s1 =	sshrl.u32 s1, $0x2  }
0xba: {  	s3 =	sand.u32 $0x4000, s31;
	s1 =	sadd.s32 s1, s30  }
0xbb: {  	s0 =	sor.u32 s3, s0;
	s1 =	sshll.u32 s1, $0x11  }
0xbc: {  	s0 =	sor.u32 s1, s0  }
0xbd: {  	s0 =	sadd.s32 $0x8F2B, s0  }
0xbe: {  	[sflag:s0] =	ssyncadd.remote.s32 $0x1  }
0xbf: {  	_ =	sfence.sel $0xFFFF  }
0xc0: {  	[dreg:$0x0] =	wrdreg $0xFFFFFFFF;
	(pc) =	sbr.abs _section_cstart, $3  }
0xc1: {  	[dreg:$0x1] =	wrdreg $0xFFFFFFFF  }
0xc2: {  	_ =	task.clear_ibuf [dreg:s7], $0x2FFFF;
	_ =	strace $0x9FFFFFFF  }
0xc3: {  	(tm) =	ssettm $0x7FFFFFFF  }
tec
execute0_lowered:
.L_overlay_start_1:
0x0: {  	(tag) =	ssettag $0x1  }
0x1: {  	s5 =	rddreg [dreg:$0x0]  }
0x2: {  	s6 =	rddreg [dreg:$0x1]  }
0x3: {  	s1 =	rddreg [dreg:$0x2]  }
0x4: {  	s0 =	rddreg [dreg:$0x3]  }
0x5: {  	s2 =	simm.s32 $0x0;
	s3 =	srdreg.scid;
	s16 =	simm.s32 $0x1  }
0x6: {  	s17 =	simm.s32 $0x4;
	[smem:$0x7FF] =	sst s2;
	s12 =	sand.u32 $0x1, s3  }
0x7: {  	s4 =	sadd.s32 $0x1DA00, s5;
	s3 =	stileid.u32;
	s7 =	smul.u32 $0x9E00, s12  }
0x8: {  	s9 =	sadd.s32 $0x13A00, s5;
	s10 =	sadd.s32 $0x9A00, s5;
	s11 =	smul.u32 $0x4F00, s3  }
0x9: {  	_ =	strace $0x8000004A;
	s8 =	ssub.s32 $0x2, s12;
	s28 =	smul.u32 $0x1800, s3  }
0xa: {  	s29 =	sshll.u32 s3, $0x6;
	s30 =	smul.u32 $0x700, s3;
	s26 =	sshrl.u32 s8, $0x1  }
0xb: {  	p0 =	sne.s32 s12, $0x0;
	s13 =	sadd.s32 s7, s5;
	s14 =	ssub.s32 s8, s26  }
0xc: {  	s15 =	sadd.s32 s11, s1;
	s18 =	sshrl.u32 s11, $0x3;
	s7 =	sshrl.u32 s28, $0x3  }
0xd: {  	s5 =	sadd.s32 s6, s18;
	s6 =	sor.u32 $0x1C03, s29;
	s31 =	sadd.s32 $0x7000, s7  }
0xe: {  	s19 =	sadd.s32 $0x44C00, s13;
	s11 =	smax.u32 s14, $0x1;
	s12 =	sshrl.u32 s15, $0x3  }
0xf: {  	s13 =	simm.s32 $0x3;
	s14 =	simm.s32 $0x80;
	s15 =	simm.s32 $0x7000  }
0x10: {  	s7 =	sadd.s32 s9, s31;
	s8 =	sadd.s32 s10, s31;
	s9 =	sadd.s32 s9, s30  }
0x11: {  	s10 =	sadd.s32 s10, s30;
	s18 =	sadd.s32 s18, s19;
	s19 =	simm.s32 $0x0  }
.LBB2_1:
0x12: {  	[spmem:s12], [sflag:s6] =	dma.local [hbm:s5], $0x9E0  }
0x13: {  	_ =	swait.ge [sflag:s13], $0x9E0  }
0x14: {  	[sflag:s13] =	ssyncset.done $0x0  }
0x15: {  	s22 =	simm.s32 @p0 $0x0;
	s23 =	simm.s32 @p0 $0x3;
	[sflag:s13] =	ssyncadd.s32 $0xFFFFF620  }
0x16: {  	[tilespmem:s22], [sflag:$0x3] =	stream.linear.gather @p0 [hbm4b:s7+s22], $0x1800, $0x38;
	[tilespmem:$0xDF00] =	vst v63  }
0x17: {  	_ =	swait.ge @p0 [sflag:s23], $0x1800  }
0x18: {  	[sflag:s23] =	ssyncset.done @p0 $0x0  }
0x19: {  	s24 =	simm.s32 @p0 $0x3800;
	[sflag:s23] =	ssyncadd.s32 @p0 $0xFFFFE800  }
0x1a: {  	[tilespmem:s24], [sflag:$0x3] =	stream.linear.gather @p0 [hbm4b:s8+s22], $0x1800, $0x38;
	[tilespmem:$0xDF00] =	vst v63  }
0x1b: {  	_ =	swait.ge @p0 [sflag:s23], $0x1800  }
0x1c: {  	[sflag:s23] =	ssyncset.done @p0 $0x0  }
0x1d: {  	s22 =	simm.s32 @!p0 $0x0;
	[sflag:s23] =	ssyncadd.s32 @p0 $0xFFFFE800;
	s23 =	simm.s32 @!p0 $0x3  }
0x1e: {  	[tilespmem:s22], [sflag:$0x3] =	stream.linear.gather @!p0 [hbm4b:s9+s22], $0x3800, $0x38;
	[tilespmem:$0xDF00] =	vst v63  }
0x1f: {  	_ =	swait.ge @!p0 [sflag:s23], $0x3800  }
0x20: {  	[sflag:s23] =	ssyncset.done @!p0 $0x0  }
0x21: {  	s24 =	simm.s32 @!p0 $0x3800;
	[sflag:s23] =	ssyncadd.s32 @!p0 $0xFFFFC800  }
0x22: {  	[tilespmem:s24], [sflag:$0x3] =	stream.linear.gather @!p0 [hbm4b:s10+s22], $0x3800, $0x38;
	[tilespmem:$0xDF00] =	vst v63  }
0x23: {  	s22 =	simm.s32 @!p0 $0x70  }
0x24: {  	_ =	swait.ge @!p0 [sflag:s23], $0x3800;
	s22 =	simm.s32 @p0 $0x30  }
0x25: {  	[sflag:s23] =	ssyncset.done @!p0 $0x0;
	s31 =	sshrl.u32 s22, $0x1  }
0x26: {  	[sflag:s23] =	ssyncadd.s32 @!p0 $0xFFFFC800;
	s23 =	sadd.s32 $0xFFFFFFFF, s31  }
0x27: {  	s26 =	sadd.s32 $0xFFFFFFFF, s23  }
0x28: {  	p1 =	sne.s32 s26, $0x0  }
.Ltmp0:
0x29: {  	_ = 	snop;
	(pc) =	sbr.rel @!p1 .LBB2_2-.Ltmp0, $4  }
0x2a: {  	_ = 	snop  }
0x2b: {  	s25 =	simm.s32 $0x3880;
	s29 =	simm.s32 $0x1;
	p2 =	por $0x0, $0x0  }
0x2c: {  	s24 =	simm.s32 $0x2;
	[bflag:$0x0] =	sbarrier.arrive $0xFFFF;
	s23 =	simm.s32 $0x100  }
0x2d: {  	[tilespmem:s15], [sflag:$0x1] =	stream.indirect.gather [hbm4b:s4+s14], $0x20, s2, s14, $0xb8;
	[tilespmem:$0xDF00] =	vst v63  }
0x2e: {  	p1 =	sle.u32 s22, $0x1  }
0x2f: {  	s24 =	simm.s32 @!p1 $0x80;
	s29 =	simm.s32 @!p1 $0x80;
	s30 =	simm.s32 @!p1 $0x8000  }
0x30: {  	[tilespmem:s30], [sflag:$0x2] =	stream.indirect.gather @!p1 [hbm4b:s4+s29], $0x20, s24, s29, $0xb8;
	[tilespmem:$0xDF00] =	vst v63  }
0x31: {  	_ =	swait.ge [sflag:s16], $0x1000  }
0x32: {  	[sflag:s16] =	ssyncset.done $0x0  }
0x33: {  	s31 =	simm.s32 $0x3800;
	p2 =	sle.u32 s22, $0x2;
	[sflag:s16] =	ssyncadd.s32 $0xFFFFF000  }
0x34: {  	[spmem:s1] =	stream.indirect.scatter.add.f32 [tilespmem:s15], [sflag:$0x4], $0x20, s31, s14, $0xb8;
	[tilespmem:$0xDF00] =	vst v63  }
0x35: {  	s26 =	sadd.s32 $0xFFFFFFFF, s26;
	s28 =	simm.s32 @!p2 $0x7000;
	_ =	swait.ge [sflag:s17], $0x1000  }
0x36: {  	p3 =	sne.s32 s26, $0x0;
	p1 =	por p1, p1;
	[sflag:s17] =	ssyncset.done $0x0  }
0x37: {  	s24 =	simm.s32 @!p2 $0x80;
	s31 =	simm.s32 @!p1 $0x2;
	[sflag:s17] =	ssyncadd.s32 $0xFFFFF000  }
0x38: {  	[tilespmem:s28], [sflag:$0x1] =	stream.indirect.gather @!p2 [hbm4b:s4+s24], $0x20, s23, s24, $0xb8;
	[tilespmem:$0xDF00] =	vst v63  }
.Ltmp1:
0x39: {  	_ =	swait.ge @!p1 [sflag:s31], $0x1000;
	(pc) =	sbr.rel @!p3 .LBB2_4-.Ltmp1, $4  }
0x3a: {  	s28 =	simm.s32 @!p1 $0x3;
	s24 =	simm.s32 $0x4;
	[sflag:s31] =	ssyncset.done @!p1 $0x0  }
0x3b: {  	s23 =	simm.s32 $0x200;
	p2 =	por $0x1, $0x1;
	[sflag:s31] =	ssyncadd.s32 @!p1 $0xFFFFF000  }
0x3c: {  	[spmem:s1] =	stream.indirect.scatter.add.f32 @!p1 [tilespmem:s30], [sflag:$0x3], $0x20, s25, s29, $0xb8;
	[tilespmem:$0xDF00] =	vst v63  }
0x3d: {  	s25 =	simm.s32 $0x3980;
	s29 =	simm.s32 $0x3;
	_ =	swait.ge @!p1 [sflag:s28], $0x1000  }
.LBB2_5:
0x3e: {  	s26 =	sadd.s32 $0xFFFFFFFF, s26;
	p4 =	sge.u32 s29, s22;
	[sflag:s28] =	ssyncset.done @!p1 $0x0  }
0x3f: {  	s20 =	sadd.s32 @!p4 $0xFFFFFF80, s23;
	s21 =	simm.s32 @!p4 $0x80;
	s29 =	simm.s32 @!p4 $0x8000  }
0x40: {  	s30 =	smov.u32 s25;
	p3 =	sne.s32 s26, $0x0;
	[sflag:s28] =	ssyncadd.s32 @!p1 $0xFFFFF000  }
0x41: {  	[tilespmem:s29], [sflag:$0x2] =	stream.indirect.gather @!p4 [hbm4b:s4+s21], $0x20, s20, s21, $0xb8;
	[tilespmem:$0xDF00] =	vst v63  }
0x42: {  	p1 =	por p4, p4;
	_ =	swait.ge [sflag:s16], $0x1000  }
0x43: {  	s20 =	sadd.s32 $0xFFFFFF80, s25;
	[sflag:s16] =	ssyncset.done $0x0  }
0x44: {  	[sflag:s16] =	ssyncadd.s32 $0xFFFFF000  }
0x45: {  	[spmem:s1] =	stream.indirect.scatter.add.f32 [tilespmem:s15], [sflag:$0x4], $0x20, s20, s14, $0xb8;
	[tilespmem:$0xDF00] =	vst v63  }
0x46: {  	p4 =	sge.u32 s24, s22;
	_ =	swait.ge [sflag:s17], $0x1000  }
0x47: {  	s31 =	simm.s32 @!p1 $0x2;
	s20 =	simm.s32 @!p4 $0x80;
	[sflag:s17] =	ssyncset.done $0x0  }
0x48: {  	s28 =	simm.s32 @!p4 $0x7000;
	[sflag:s17] =	ssyncadd.s32 $0xFFFFF000  }
0x49: {  	[tilespmem:s28], [sflag:$0x1] =	stream.indirect.gather @!p4 [hbm4b:s4+s20], $0x20, s23, s20, $0xb8;
	[tilespmem:$0xDF00] =	vst v63  }
0x4a: {  	_ =	swait.ge @!p1 [sflag:s31], $0x1000  }
.Ltmp2:
0x4b: {  	s28 =	simm.s32 @!p1 $0x3;
	[sflag:s31] =	ssyncset.done @!p1 $0x0;
	(pc) =	sbr.rel @p3 .LBB2_5-.Ltmp2, $4  }
0x4c: {  	s24 =	sadd.s32 $0x2, s24;
	s20 =	sadd.s32 $0x100, s25;
	[sflag:s31] =	ssyncadd.s32 @!p1 $0xFFFFF000  }
0x4d: {  	[spmem:s1] =	stream.indirect.scatter.add.f32 @!p1 [tilespmem:s29], [sflag:$0x3], $0x20, s30, s21, $0xb8;
	[tilespmem:$0xDF00] =	vst v63  }
0x4e: {  	s25 =	smov.u32 s20;
	s21 =	sadd.s32 $0x100, s23  }
0x4f: {  	s29 =	sadd.s32 $0xFFFFFFFF, s24;
	_ =	swait.ge @!p1 [sflag:s28], $0x1000;
	s23 =	smov.u32 s21  }
0x50: {  	s23 =	smov.u32 s21;
	s25 =	smov.u32 s20  }
.LBB2_7:
0x51: {  	p3 =	sge.u32 s29, s22;
	p1 =	por p1, !p2  }
0x52: {  	[sflag:s28] =	ssyncset.done @!p1 $0x0;
	s26 =	sadd.s32 @!p3 $0xFFFFFF80, s23  }
0x53: {  	s29 =	simm.s32 @!p3 $0x80;
	s30 =	simm.s32 @!p3 $0x8000;
	[sflag:s28] =	ssyncadd.s32 @!p1 $0xFFFFF000  }
0x54: {  	[tilespmem:s30], [sflag:$0x2] =	stream.indirect.gather @!p3 [hbm4b:s4+s29], $0x20, s26, s29, $0xb8;
	[tilespmem:$0xDF00] =	vst v63  }
0x55: {  	_ =	swait.ge [sflag:s16], $0x1000  }
0x56: {  	[sflag:s16] =	ssyncset.done $0x0  }
0x57: {  	s28 =	sadd.s32 $0xFFFFFF80, s25;
	[sflag:s16] =	ssyncadd.s32 $0xFFFFF000  }
0x58: {  	[spmem:s1] =	stream.indirect.scatter.add.f32 [tilespmem:s15], [sflag:$0x4], $0x20, s28, s14, $0xb8;
	[tilespmem:$0xDF00] =	vst v63  }
0x59: {  	p2 =	sge.u32 s24, s22;
	_ =	swait.ge [sflag:s17], $0x1000  }
0x5a: {  	s31 =	simm.s32 @!p2 $0x7000;
	p1 =	por p3, p3;
	[sflag:s17] =	ssyncset.done $0x0  }
0x5b: {  	s26 =	simm.s32 @!p2 $0x80;
	s28 =	simm.s32 @!p1 $0x2;
	[sflag:s17] =	ssyncadd.s32 $0xFFFFF000  }
0x5c: {  	[tilespmem:s31], [sflag:$0x1] =	stream.indirect.gather @!p2 [hbm4b:s4+s26], $0x20, s23, s26, $0xb8;
	[tilespmem:$0xDF00] =	vst v63  }
0x5d: {  	_ =	swait.ge @!p1 [sflag:s28], $0x1000  }
0x5e: {  	[sflag:s28] =	ssyncset.done @!p1 $0x0  }
0x5f: {  	s26 =	simm.s32 @!p1 $0x3;
	[sflag:s28] =	ssyncadd.s32 @!p1 $0xFFFFF000  }
0x60: {  	[spmem:s1] =	stream.indirect.scatter.add.f32 @!p1 [tilespmem:s30], [sflag:$0x3], $0x20, s25, s29, $0xb8;
	[tilespmem:$0xDF00] =	vst v63  }
0x61: {  	s24 =	sadd.s32 $0x2, s24;
	_ =	swait.ge @!p1 [sflag:s26], $0x1000  }
0x62: {  	s30 =	sadd.s32 $0xFFFFFFFF, s24;
	[sflag:s26] =	ssyncset.done @!p1 $0x0  }
0x63: {  	[sflag:s26] =	ssyncadd.s32 @!p1 $0xFFFFF000;
	p1 =	sge.u32 s30, s22  }
0x64: {  	s26 =	sadd.s32 @!p1 $0x80, s21;
	s28 =	simm.s32 @!p1 $0x80;
	s29 =	simm.s32 @!p1 $0x8000  }
0x65: {  	[tilespmem:s29], [sflag:$0x2] =	stream.indirect.gather @!p1 [hbm4b:s4+s28], $0x20, s26, s28, $0xb8;
	[tilespmem:$0xDF00] =	vst v63  }
0x66: {  	_ =	swait.ge [sflag:s16], $0x1000  }
0x67: {  	[sflag:s16] =	ssyncset.done $0x0  }
0x68: {  	s31 =	sadd.s32 $0x80, s20;
	[sflag:s16] =	ssyncadd.s32 $0xFFFFF000  }
0x69: {  	[spmem:s1] =	stream.indirect.scatter.add.f32 [tilespmem:s15], [sflag:$0x4], $0x20, s31, s14, $0xb8;
	[tilespmem:$0xDF00] =	vst v63  }
0x6a: {  	_ =	swait.ge [sflag:s17], $0x1000  }
0x6b: {  	s23 =	sadd.s32 $0x100, s23;
	p2 =	sge.u32 s24, s22;
	[sflag:s17] =	ssyncset.done $0x0  }
0x6c: {  	s24 =	simm.s32 @!p2 $0x7000;
	s22 =	simm.s32 @!p2 $0x80;
	[sflag:s17] =	ssyncadd.s32 $0xFFFFF000  }
0x6d: {  	[tilespmem:s24], [sflag:$0x1] =	stream.indirect.gather @!p2 [hbm4b:s4+s22], $0x20, s23, s22, $0xb8;
	[tilespmem:$0xDF00] =	vst v63  }
0x6e: {  	s22 =	simm.s32 @!p1 $0x2  }
0x6f: {  	_ =	swait.ge @!p1 [sflag:s22], $0x1000  }
0x70: {  	[sflag:s22] =	ssyncset.done @!p1 $0x0  }
0x71: {  	s23 =	sadd.s32 $0x100, s25;
	[sflag:s22] =	ssyncadd.s32 @!p1 $0xFFFFF000;
	s22 =	simm.s32 @!p1 $0x3  }
0x72: {  	[spmem:s1] =	stream.indirect.scatter.add.f32 @!p1 [tilespmem:s29], [sflag:$0x3], $0x20, s23, s28, $0xb8;
	[tilespmem:$0xDF00] =	vst v63  }
0x73: {  	_ =	swait.ge @!p1 [sflag:s22], $0x1000  }
0x74: {  	[sflag:s22] =	ssyncset.done @!p1 $0x0  }
0x75: {  	s19 =	sadd.s32 $0x1, s19;
	[sflag:s22] =	ssyncadd.s32 @!p1 $0xFFFFF000  }
0x76: {  	p1 =	sne.s32 s19, s11;
	[bflag:$0x0] =	sbarrier.arrive $0xFFFF  }
0x77: {  	[hbm:s18], [sflag:s6] =	dma.local [spmem:s12], $0x9E0  }
.Ltmp3:
0x78: {  	_ = 	snop;
	(pc) =	sbr.rel @p1 .LBB2_1-.Ltmp3, $4  }
.Ltmp4:
0x79: {  	_ = 	snop;
	(pc) =	sbr.rel @!p1 .LBB2_8-.Ltmp4, $4  }
0x7a: {  	_ =	swait.ge [sflag:s13], $0x9E0  }
0x7b: {  	[sflag:s13] =	ssyncset.done $0x0  }
0x7c: {  	[sflag:s13] =	ssyncadd.s32 $0xFFFFF620  }
0x7d: {  	_ = 	snop  }
.LBB2_2:
.Ltmp5:
0x7e: {  	(pc) =	sbr.rel .LBB2_7-.Ltmp5, $2  }
0x7f: {  	_ =	sdelay $0x2  }
0x80: {  	_ = 	snop  }
.LBB2_4:
.Ltmp6:
0x81: {  	(pc) =	sbr.rel .LBB2_7-.Ltmp6, $2  }
0x82: {  	_ =	sdelay $0x2  }
0x83: {  	s25 =	simm.s32 $0x3980  }
.LBB2_8:
0x84: {  	_ =	sfence.sel $0x180000  }
0x85: {  	[bflag:$0x0] =	sbarrier.arrive $0xFFFF  }
0x86: {  	p0 =	sne.s32 s3, $0x0;
	_ =	strace $0x9000004A  }
0x87: {  	s0 =	sadd.s32 @!p0 $0x100000, s0;
	[bflag:$0x2] =	sbarrier.arrive $0xFFFF  }
0x88: {  	[sflag:s0] =	ssyncadd.tile.s32 @!p0 $0x1;
	_ =	shalt  }
.Lfunc_end2:
_tile_overlayer_lowered:
.L_overlay_start_2:
0x89: {  	(tag) =	ssettag $0x2  }
0x8a: {  	s0 =	rddreg [dreg:$0x0];
	s2 =	stileid.u32  }
0x8b: {  	s1 =	rddreg [dreg:$0x1];
	p0 =	sne.s32 s2, $0x0  }
0x8c: {  	s3 =	rddreg [dreg:$0x2];
	[bflag:$0x3] =	sbarrier.arrive $0xFFFF;
	s2 =	simm.s32 @!p0 $0x1C03  }
0x8d: {  	[timem:s3], [sflag:s2] =	dma.local @!p0 [hbm:s0], s1  }
0x8e: {  	s0 =	simm.s32 @!p0 $0x3  }
0x8f: {  	_ =	swait.ge @!p0 [sflag:s0], s1  }
0x90: {  	s1 =	ssub.s32 @!p0 $0x0, s1;
	[sflag:s0] =	ssyncset.done @!p0 $0x0  }
0x91: {  	[sflag:s0] =	ssyncadd.s32 @!p0 s1  }
0x92: {  	[bflag:$0x3] =	sbarrier.arrive $0xFFFF  }
0x93: {  	_ =	shalt  }

</sc_bundles>
